<compile_context>
chip_gen: v7x
topology: tpu7x:2x2x1
jax: 0.10.2.dev20260603
libtpu: 0.0.44.dev20260713+nightly
codegen_flags: <defaults>
</compile_context>

<pallas_src>
import functools

import jax
import jax.numpy as jnp
from jax import lax
from jax.experimental import pallas as pl
from jax.experimental.pallas import tpu as pltpu
from jax.experimental.pallas import tpu_sc as plsc

_B, _L, _D = 4, 4096, 1024
_N = _B * _L

_NC, _NS = 2, 16
_NW = _NC * _NS
_ROWS_PER_W = _N // _NW
_CHUNK = 16
_NCHUNKS = _ROWS_PER_W // _CHUNK
_NB = 6
_DEPTH = 4

_mesh = plsc.VectorSubcoreMesh(core_axis_name="c", subcore_axis_name="s")


@functools.partial(
    pl.kernel,
    mesh=_mesh,
    out_type=jax.ShapeDtypeStruct((_N, _D), jnp.float32),
    scratch_types=[
        pltpu.VMEM((_NCHUNKS, _CHUNK), jnp.int32),
        pltpu.VMEM((_NB, _CHUNK, _D), jnp.float32),
        pltpu.SemaphoreType.DMA,
        pltpu.SemaphoreType.DMA,
        pltpu.SemaphoreType.DMA,
        pltpu.SemaphoreType.DMA,
        pltpu.SemaphoreType.DMA,
        pltpu.SemaphoreType.DMA,
        pltpu.SemaphoreType.DMA,
        pltpu.SemaphoreType.DMA,
        pltpu.SemaphoreType.DMA,
        pltpu.SemaphoreType.DMA,
        pltpu.SemaphoreType.DMA,
        pltpu.SemaphoreType.DMA,
    ],
)
def _interleave(x_hbm, perm_hbm, out_hbm, idx_v, rows_v,
                g0, g1, g2, g3, g4, g5, w0, w1, w2, w3, w4, w5):
    wid = lax.axis_index("s") * _NC + lax.axis_index("c")
    base = wid * _ROWS_PER_W
    pltpu.sync_copy(perm_hbm.at[wid], idx_v)
    gsem = (g0, g1, g2, g3, g4, g5)
    wsem = (w0, w1, w2, w3, w4, w5)

    def gather(c):
        b = c % _NB
        return pltpu.async_copy(
            x_hbm.at[idx_v.at[c]], rows_v.at[b], gsem[b])

    def write(c):
        b = c % _NB
        return pltpu.async_copy(
            rows_v.at[b], out_hbm.at[pl.ds(base + c * _CHUNK, _CHUNK)], wsem[b])

    gathers = [None] * _NCHUNKS
    writes = [None] * _NCHUNKS
    for c in range(min(_DEPTH, _NCHUNKS)):
        gathers[c] = gather(c)
    for c in range(_NCHUNKS):
        gathers[c].wait()
        writes[c] = write(c)
        n = c + _DEPTH
        if n < _NCHUNKS:
            if n - _NB >= 0:
                writes[n - _NB].wait()
            gathers[n] = gather(n)
    for c in range(max(0, _NCHUNKS - _NB), _NCHUNKS):
        writes[c].wait()


def kernel(x, perm):
    xf = x.reshape(_N, _D)
    out = _interleave(xf, perm.reshape(_NW, _NCHUNKS, _CHUNK))
    return out.reshape(_B, _L, _D)

# --- scband reference (transcript-rebuilt; emitter-appended) ---
"""Pipeline reference for scband-bc-pseudo-random-interleaver-3667902070961 (READ-ONLY COPY).

The authoritative reference and input builder live on the scoring server;
editing this copy changes nothing except your own understanding.
"""

import jax, jax.numpy as jnp
import numpy as np

B, L, D = 4, 4096, 1024


def setup_inputs(seed: int = 0) -> dict:
    key = jax.random.key(seed)
    x = jax.random.normal(key, (B, L, D), dtype=jnp.float32)
    # The layer uses np.random.seed(self.seed) with seed=0 on the first call.
    np.random.seed(0)
    perm = jnp.asarray(np.random.permutation(np.arange(B * L)), dtype=jnp.int32)
    return {"x": x, "perm": perm}


def reference(x, perm):
    # Faithful translation of BC_Pseudo_random_Interleaver.call for the first
    # invocation (seed=0): flatten batch/time, gather rows by a pseudo-random
    # permutation, reshape back.
    xtmp = jnp.reshape(x, (B * L, D))
    p = jnp.take(xtmp, perm, axis=0)
    p = jnp.reshape(p, (B, L, D))
    return p

if __name__ == "__main__":
    import jax
    _d = setup_inputs()
    print(jax.jit(kernel)(*tuple(_d.values())))

</pallas_src>

<mosaic_0001>
#map = affine_map<(d0, d1) -> (0, 0)>
#map1 = affine_map<(d0, d1) -> (0, 0, 0)>
module attributes {stable_mosaic.version = 14 : i64} {
  func.func @_interleave(%arg0: i32, %arg1: i32, %arg2: memref<16384x1024xf32, #tpu.memory_space<hbm>>, %arg3: memref<32x32x16xi32, #tpu.memory_space<hbm>>, %arg4: memref<16384x1024xf32, #tpu.memory_space<hbm>>, %arg5: memref<32x16xi32, #tpu.memory_space<vmem>>, %arg6: memref<6x16x1024xf32, #tpu.memory_space<vmem>>, %arg7: memref<!tpu.dma_semaphore, #tpu.memory_space<semaphore_mem>>, %arg8: memref<!tpu.dma_semaphore, #tpu.memory_space<semaphore_mem>>, %arg9: memref<!tpu.dma_semaphore, #tpu.memory_space<semaphore_mem>>, %arg10: memref<!tpu.dma_semaphore, #tpu.memory_space<semaphore_mem>>, %arg11: memref<!tpu.dma_semaphore, #tpu.memory_space<semaphore_mem>>, %arg12: memref<!tpu.dma_semaphore, #tpu.memory_space<semaphore_mem>>, %arg13: memref<!tpu.dma_semaphore, #tpu.memory_space<semaphore_mem>>, %arg14: memref<!tpu.dma_semaphore, #tpu.memory_space<semaphore_mem>>, %arg15: memref<!tpu.dma_semaphore, #tpu.memory_space<semaphore_mem>>, %arg16: memref<!tpu.dma_semaphore, #tpu.memory_space<semaphore_mem>>, %arg17: memref<!tpu.dma_semaphore, #tpu.memory_space<semaphore_mem>>, %arg18: memref<!tpu.dma_semaphore, #tpu.memory_space<semaphore_mem>>) attributes {dimension_semantics = [#tpu.dimension_semantics<core_parallel>, #tpu.dimension_semantics<subcore_parallel>], iteration_bounds = array<i64: 2, 16>, scalar_prefetch = 0 : i64, scratch_operands = 14 : i64, tpu.core_type = #tpu.core_type<sc_vector_subcore>, window_params = [{transform_indices = #map}, {transform_indices = #map1}, {transform_indices = #map}]} {
    %mul3A = arith.constant 2 : i32
    %mul3A_0 = arith.muli %arg1, %mul3A : i32
    %add3A = arith.addi %mul3A_0, %arg0 : i32
    %mul3A_1 = arith.constant 512 : i32
    %mul3A_2 = arith.muli %add3A, %mul3A_1 : i32
    "tpu.region"() ({
      %run_scoped3A = tpu.sem_alloc : memref<!tpu.dma_semaphore, #tpu.memory_space<semaphore_mem>>
      %dma_start3A_1665 = arith.constant 0 : i32
      %dma_start3A_1666 = arith.constant 0 : i32
      %dma_start3A_1667 = tpu.memref_slice %arg3[%add3A, %dma_start3A_1665, %dma_start3A_1666] : memref<32x32x16xi32, #tpu.memory_space<hbm>> -> memref<1x32x16xi32, #tpu.memory_space<hbm>>
      %dma_start3A_1668 = tpu.memref_squeeze %dma_start3A_1667 : memref<1x32x16xi32, #tpu.memory_space<hbm>> -> memref<32x16xi32, #tpu.memory_space<hbm>>
      %dma_start3A_1669 = arith.constant 0 : i32
      %dma_start3A_1670 = arith.constant 0 : i32
      %dma_start3A_1671 = tpu.memref_slice %arg3[%add3A, %dma_start3A_1669, %dma_start3A_1670] : memref<32x32x16xi32, #tpu.memory_space<hbm>> -> memref<1x32x16xi32, #tpu.memory_space<hbm>>
      %dma_start3A_1672 = tpu.memref_squeeze %dma_start3A_1671 : memref<1x32x16xi32, #tpu.memory_space<hbm>> -> memref<32x16xi32, #tpu.memory_space<hbm>>
      tpu.enqueue_dma source(%dma_start3A_1672 : memref<32x16xi32, #tpu.memory_space<hbm>>) target(%arg5 : memref<32x16xi32, #tpu.memory_space<vmem>>) target_semaphore(%run_scoped3A : memref<!tpu.dma_semaphore, #tpu.memory_space<semaphore_mem>>)
      %dma_wait3A_1673 = arith.constant 0 : i32
      %dma_wait3A_1674 = arith.constant 0 : i32
      %dma_wait3A_1675 = tpu.memref_slice %arg3[%add3A, %dma_wait3A_1673, %dma_wait3A_1674] : memref<32x32x16xi32, #tpu.memory_space<hbm>> -> memref<1x32x16xi32, #tpu.memory_space<hbm>>
      %dma_wait3A_1676 = tpu.memref_squeeze %dma_wait3A_1675 : memref<1x32x16xi32, #tpu.memory_space<hbm>> -> memref<32x16xi32, #tpu.memory_space<hbm>>
      %dma_wait3A_1677 = arith.constant 0 : i32
      %dma_wait3A_1678 = arith.constant 0 : i32
      %dma_wait3A_1679 = tpu.memref_slice %arg3[%add3A, %dma_wait3A_1677, %dma_wait3A_1678] : memref<32x32x16xi32, #tpu.memory_space<hbm>> -> memref<1x32x16xi32, #tpu.memory_space<hbm>>
      %dma_wait3A_1680 = tpu.memref_squeeze %dma_wait3A_1679 : memref<1x32x16xi32, #tpu.memory_space<hbm>> -> memref<32x16xi32, #tpu.memory_space<hbm>>
      tpu.wait_dma2 semaphore(%run_scoped3A : memref<!tpu.dma_semaphore, #tpu.memory_space<semaphore_mem>>) src(%dma_wait3A_1680 : memref<32x16xi32, #tpu.memory_space<hbm>>) dst(%arg5 : memref<32x16xi32, #tpu.memory_space<vmem>>)
      tpu.yield
    }) : () -> ()
    %dma_start3A = arith.constant 0 : i32
    %dma_start3A_3 = arith.constant 0 : i32
    %dma_start3A_4 = arith.constant 0 : i32
    %dma_start3A_5 = arith.constant 0 : i32
    %dma_start3A_6 = tpu.memref_slice %arg6[%dma_start3A_3, %dma_start3A_4, %dma_start3A_5] : memref<6x16x1024xf32, #tpu.memory_space<vmem>> -> memref<1x16x1024xf32, #tpu.memory_space<vmem>>
    %dma_start3A_7 = tpu.memref_squeeze %dma_start3A_6 : memref<1x16x1024xf32, #tpu.memory_space<vmem>> -> memref<16x1024xf32, #tpu.memory_space<vmem>>
    %dma_start3A_8 = arith.constant 0 : i32
    %dma_start3A_9 = tpu.memref_slice %arg5[%dma_start3A, %dma_start3A_8] : memref<32x16xi32, #tpu.memory_space<vmem>> -> memref<1x16xi32, #tpu.memory_space<vmem>>
    %dma_start3A_10 = tpu.memref_squeeze %dma_start3A_9 : memref<1x16xi32, #tpu.memory_space<vmem>> -> memref<16xi32, #tpu.memory_space<vmem>>
    %dma_start3A_11 = arith.constant 0 : i32
    %dma_start3A_12 = arith.constant 0 : i32
    %dma_start3A_13 = tpu.memref_slice %arg2[%dma_start3A_11, %dma_start3A_12] : memref<16384x1024xf32, #tpu.memory_space<hbm>> -> memref<16384x1024xf32, #tpu.memory_space<hbm>>
    tpu.enqueue_indirect_dma source(%dma_start3A_13 : memref<16384x1024xf32, #tpu.memory_space<hbm>>) target(%dma_start3A_7 : memref<16x1024xf32, #tpu.memory_space<vmem>>) offsets(%dma_start3A_10 : memref<16xi32, #tpu.memory_space<vmem>>) semaphore(%arg7 : memref<!tpu.dma_semaphore, #tpu.memory_space<semaphore_mem>>)
    %dma_start3A_14 = arith.constant 1 : i32
    %dma_start3A_15 = arith.constant 1 : i32
    %dma_start3A_16 = arith.constant 0 : i32
    %dma_start3A_17 = arith.constant 0 : i32
    %dma_start3A_18 = tpu.memref_slice %arg6[%dma_start3A_15, %dma_start3A_16, %dma_start3A_17] : memref<6x16x1024xf32, #tpu.memory_space<vmem>> -> memref<1x16x1024xf32, #tpu.memory_space<vmem>>
    %dma_start3A_19 = tpu.memref_squeeze %dma_start3A_18 : memref<1x16x1024xf32, #tpu.memory_space<vmem>> -> memref<16x1024xf32, #tpu.memory_space<vmem>>
    %dma_start3A_20 = arith.constant 0 : i32
    %dma_start3A_21 = tpu.memref_slice %arg5[%dma_start3A_14, %dma_start3A_20] : memref<32x16xi32, #tpu.memory_space<vmem>> -> memref<1x16xi32, #tpu.memory_space<vmem>>
    %dma_start3A_22 = tpu.memref_squeeze %dma_start3A_21 : memref<1x16xi32, #tpu.memory_space<vmem>> -> memref<16xi32, #tpu.memory_space<vmem>>
    %dma_start3A_23 = arith.constant 0 : i32
    %dma_start3A_24 = arith.constant 0 : i32
    %dma_start3A_25 = tpu.memref_slice %arg2[%dma_start3A_23, %dma_start3A_24] : memref<16384x1024xf32, #tpu.memory_space<hbm>> -> memref<16384x1024xf32, #tpu.memory_space<hbm>>
    tpu.enqueue_indirect_dma source(%dma_start3A_25 : memref<16384x1024xf32, #tpu.memory_space<hbm>>) target(%dma_start3A_19 : memref<16x1024xf32, #tpu.memory_space<vmem>>) offsets(%dma_start3A_22 : memref<16xi32, #tpu.memory_space<vmem>>) semaphore(%arg8 : memref<!tpu.dma_semaphore, #tpu.memory_space<semaphore_mem>>)
    %dma_start3A_26 = arith.constant 2 : i32
    %dma_start3A_27 = arith.constant 2 : i32
    %dma_start3A_28 = arith.constant 0 : i32
    %dma_start3A_29 = arith.constant 0 : i32
    %dma_start3A_30 = tpu.memref_slice %arg6[%dma_start3A_27, %dma_start3A_28, %dma_start3A_29] : memref<6x16x1024xf32, #tpu.memory_space<vmem>> -> memref<1x16x1024xf32, #tpu.memory_space<vmem>>
    %dma_start3A_31 = tpu.memref_squeeze %dma_start3A_30 : memref<1x16x1024xf32, #tpu.memory_space<vmem>> -> memref<16x1024xf32, #tpu.memory_space<vmem>>
    %dma_start3A_32 = arith.constant 0 : i32
    %dma_start3A_33 = tpu.memref_slice %arg5[%dma_start3A_26, %dma_start3A_32] : memref<32x16xi32, #tpu.memory_space<vmem>> -> memref<1x16xi32, #tpu.memory_space<vmem>>
    %dma_start3A_34 = tpu.memref_squeeze %dma_start3A_33 : memref<1x16xi32, #tpu.memory_space<vmem>> -> memref<16xi32, #tpu.memory_space<vmem>>
    %dma_start3A_35 = arith.constant 0 : i32
    %dma_start3A_36 = arith.constant 0 : i32
    %dma_start3A_37 = tpu.memref_slice %arg2[%dma_start3A_35, %dma_start3A_36] : memref<16384x1024xf32, #tpu.memory_space<hbm>> -> memref<16384x1024xf32, #tpu.memory_space<hbm>>
    tpu.enqueue_indirect_dma source(%dma_start3A_37 : memref<16384x1024xf32, #tpu.memory_space<hbm>>) target(%dma_start3A_31 : memref<16x1024xf32, #tpu.memory_space<vmem>>) offsets(%dma_start3A_34 : memref<16xi32, #tpu.memory_space<vmem>>) semaphore(%arg9 : memref<!tpu.dma_semaphore, #tpu.memory_space<semaphore_mem>>)
    %dma_start3A_38 = arith.constant 3 : i32
    %dma_start3A_39 = arith.constant 3 : i32
    %dma_start3A_40 = arith.constant 0 : i32
    %dma_start3A_41 = arith.constant 0 : i32
    %dma_start3A_42 = tpu.memref_slice %arg6[%dma_start3A_39, %dma_start3A_40, %dma_start3A_41] : memref<6x16x1024xf32, #tpu.memory_space<vmem>> -> memref<1x16x1024xf32, #tpu.memory_space<vmem>>
    %dma_start3A_43 = tpu.memref_squeeze %dma_start3A_42 : memref<1x16x1024xf32, #tpu.memory_space<vmem>> -> memref<16x1024xf32, #tpu.memory_space<vmem>>
    %dma_start3A_44 = arith.constant 0 : i32
    %dma_start3A_45 = tpu.memref_slice %arg5[%dma_start3A_38, %dma_start3A_44] : memref<32x16xi32, #tpu.memory_space<vmem>> -> memref<1x16xi32, #tpu.memory_space<vmem>>
    %dma_start3A_46 = tpu.memref_squeeze %dma_start3A_45 : memref<1x16xi32, #tpu.memory_space<vmem>> -> memref<16xi32, #tpu.memory_space<vmem>>
    %dma_start3A_47 = arith.constant 0 : i32
    %dma_start3A_48 = arith.constant 0 : i32
    %dma_start3A_49 = tpu.memref_slice %arg2[%dma_start3A_47, %dma_start3A_48] : memref<16384x1024xf32, #tpu.memory_space<hbm>> -> memref<16384x1024xf32, #tpu.memory_space<hbm>>
    tpu.enqueue_indirect_dma source(%dma_start3A_49 : memref<16384x1024xf32, #tpu.memory_space<hbm>>) target(%dma_start3A_43 : memref<16x1024xf32, #tpu.memory_space<vmem>>) offsets(%dma_start3A_46 : memref<16xi32, #tpu.memory_space<vmem>>) semaphore(%arg10 : memref<!tpu.dma_semaphore, #tpu.memory_space<semaphore_mem>>)
    %dma_wait3A = arith.constant 0 : i32
    %dma_wait3A_50 = arith.constant 0 : i32
    %dma_wait3A_51 = arith.constant 0 : i32
    %dma_wait3A_52 = arith.constant 0 : i32
    %dma_wait3A_53 = tpu.memref_slice %arg6[%dma_wait3A_50, %dma_wait3A_51, %dma_wait3A_52] : memref<6x16x1024xf32, #tpu.memory_space<vmem>> -> memref<1x16x1024xf32, #tpu.memory_space<vmem>>
    %dma_wait3A_54 = tpu.memref_squeeze %dma_wait3A_53 : memref<1x16x1024xf32, #tpu.memory_space<vmem>> -> memref<16x1024xf32, #tpu.memory_space<vmem>>
    %dma_wait3A_55 = arith.constant 0 : i32
    %dma_wait3A_56 = tpu.memref_slice %arg5[%dma_wait3A, %dma_wait3A_55] : memref<32x16xi32, #tpu.memory_space<vmem>> -> memref<1x16xi32, #tpu.memory_space<vmem>>
    %dma_wait3A_57 = tpu.memref_squeeze %dma_wait3A_56 : memref<1x16xi32, #tpu.memory_space<vmem>> -> memref<16xi32, #tpu.memory_space<vmem>>
    %dma_wait3A_58 = arith.constant 0 : i32
    %dma_wait3A_59 = arith.constant 0 : i32
    %dma_wait3A_60 = tpu.memref_slice %arg2[%dma_wait3A_58, %dma_wait3A_59] : memref<16384x1024xf32, #tpu.memory_space<hbm>> -> memref<16384x1024xf32, #tpu.memory_space<hbm>>
    tpu.wait_indirect_dma semaphore(%arg7 : memref<!tpu.dma_semaphore, #tpu.memory_space<semaphore_mem>>) src(%dma_wait3A_60 : memref<16384x1024xf32, #tpu.memory_space<hbm>>) dst(%dma_wait3A_54 : memref<16x1024xf32, #tpu.memory_space<vmem>>)
    %add3A_61 = arith.constant 0 : i32
    %add3A_62 = arith.addi %mul3A_2, %add3A_61 : i32
    %dma_start3A_63 = arith.constant 0 : i32
    %dma_start3A_64 = arith.constant 0 : i32
    %dma_start3A_65 = arith.constant 0 : i32
    %dma_start3A_66 = tpu.memref_slice %arg6[%dma_start3A_63, %dma_start3A_64, %dma_start3A_65] : memref<6x16x1024xf32, #tpu.memory_space<vmem>> -> memref<1x16x1024xf32, #tpu.memory_space<vmem>>
    %dma_start3A_67 = tpu.memref_squeeze %dma_start3A_66 : memref<1x16x1024xf32, #tpu.memory_space<vmem>> -> memref<16x1024xf32, #tpu.memory_space<vmem>>
    %dma_start3A_68 = arith.constant 0 : i32
    %dma_start3A_69 = tpu.memref_slice %arg4[%add3A_62, %dma_start3A_68] : memref<16384x1024xf32, #tpu.memory_space<hbm>> -> memref<16x1024xf32, #tpu.memory_space<hbm>>
    %dma_start3A_70 = arith.constant 0 : i32
    %dma_start3A_71 = tpu.memref_slice %arg4[%add3A_62, %dma_start3A_70] : memref<16384x1024xf32, #tpu.memory_space<hbm>> -> memref<16x1024xf32, #tpu.memory_space<hbm>>
    %dma_start3A_72 = arith.constant 0 : i32
    %dma_start3A_73 = arith.constant 0 : i32
    %dma_start3A_74 = tpu.memref_slice %arg6[%dma_start3A_63, %dma_start3A_72, %dma_start3A_73] : memref<6x16x1024xf32, #tpu.memory_space<vmem>> -> memref<1x16x1024xf32, #tpu.memory_space<vmem>>
    %dma_start3A_75 = tpu.memref_squeeze %dma_start3A_74 : memref<1x16x1024xf32, #tpu.memory_space<vmem>> -> memref<16x1024xf32, #tpu.memory_space<vmem>>
    tpu.enqueue_dma source(%dma_start3A_75 : memref<16x1024xf32, #tpu.memory_space<vmem>>) target(%dma_start3A_71 : memref<16x1024xf32, #tpu.memory_space<hbm>>) target_semaphore(%arg13 : memref<!tpu.dma_semaphore, #tpu.memory_space<semaphore_mem>>)
    %dma_start3A_76 = arith.constant 4 : i32
    %dma_start3A_77 = arith.constant 4 : i32
    %dma_start3A_78 = arith.constant 0 : i32
    %dma_start3A_79 = arith.constant 0 : i32
    %dma_start3A_80 = tpu.memref_slice %arg6[%dma_start3A_77, %dma_start3A_78, %dma_start3A_79] : memref<6x16x1024xf32, #tpu.memory_space<vmem>> -> memref<1x16x1024xf32, #tpu.memory_space<vmem>>
    %dma_start3A_81 = tpu.memref_squeeze %dma_start3A_80 : memref<1x16x1024xf32, #tpu.memory_space<vmem>> -> memref<16x1024xf32, #tpu.memory_space<vmem>>
    %dma_start3A_82 = arith.constant 0 : i32
    %dma_start3A_83 = tpu.memref_slice %arg5[%dma_start3A_76, %dma_start3A_82] : memref<32x16xi32, #tpu.memory_space<vmem>> -> memref<1x16xi32, #tpu.memory_space<vmem>>
    %dma_start3A_84 = tpu.memref_squeeze %dma_start3A_83 : memref<1x16xi32, #tpu.memory_space<vmem>> -> memref<16xi32, #tpu.memory_space<vmem>>
    %dma_start3A_85 = arith.constant 0 : i32
    %dma_start3A_86 = arith.constant 0 : i32
    %dma_start3A_87 = tpu.memref_slice %arg2[%dma_start3A_85, %dma_start3A_86] : memref<16384x1024xf32, #tpu.memory_space<hbm>> -> memref<16384x1024xf32, #tpu.memory_space<hbm>>
    tpu.enqueue_indirect_dma source(%dma_start3A_87 : memref<16384x1024xf32, #tpu.memory_space<hbm>>) target(%dma_start3A_81 : memref<16x1024xf32, #tpu.memory_space<vmem>>) offsets(%dma_start3A_84 : memref<16xi32, #tpu.memory_space<vmem>>) semaphore(%arg11 : memref<!tpu.dma_semaphore, #tpu.memory_space<semaphore_mem>>)
    %dma_wait3A_88 = arith.constant 1 : i32
    %dma_wait3A_89 = arith.constant 1 : i32
    %dma_wait3A_90 = arith.constant 0 : i32
    %dma_wait3A_91 = arith.constant 0 : i32
    %dma_wait3A_92 = tpu.memref_slice %arg6[%dma_wait3A_89, %dma_wait3A_90, %dma_wait3A_91] : memref<6x16x1024xf32, #tpu.memory_space<vmem>> -> memref<1x16x1024xf32, #tpu.memory_space<vmem>>
    %dma_wait3A_93 = tpu.memref_squeeze %dma_wait3A_92 : memref<1x16x1024xf32, #tpu.memory_space<vmem>> -> memref<16x1024xf32, #tpu.memory_space<vmem>>
    %dma_wait3A_94 = arith.constant 0 : i32
    %dma_wait3A_95 = tpu.memref_slice %arg5[%dma_wait3A_88, %dma_wait3A_94] : memref<32x16xi32, #tpu.memory_space<vmem>> -> memref<1x16xi32, #tpu.memory_space<vmem>>
    %dma_wait3A_96 = tpu.memref_squeeze %dma_wait3A_95 : memref<1x16xi32, #tpu.memory_space<vmem>> -> memref<16xi32, #tpu.memory_space<vmem>>
    %dma_wait3A_97 = arith.constant 0 : i32
    %dma_wait3A_98 = arith.constant 0 : i32
    %dma_wait3A_99 = tpu.memref_slice %arg2[%dma_wait3A_97, %dma_wait3A_98] : memref<16384x1024xf32, #tpu.memory_space<hbm>> -> memref<16384x1024xf32, #tpu.memory_space<hbm>>
    tpu.wait_indirect_dma semaphore(%arg8 : memref<!tpu.dma_semaphore, #tpu.memory_space<semaphore_mem>>) src(%dma_wait3A_99 : memref<16384x1024xf32, #tpu.memory_space<hbm>>) dst(%dma_wait3A_93 : memref<16x1024xf32, #tpu.memory_space<vmem>>)
    %add3A_100 = arith.constant 16 : i32
    %add3A_101 = arith.addi %mul3A_2, %add3A_100 : i32
    %dma_start3A_102 = arith.constant 1 : i32
    %dma_start3A_103 = arith.constant 0 : i32
    %dma_start3A_104 = arith.constant 0 : i32
    %dma_start3A_105 = tpu.memref_slice %arg6[%dma_start3A_102, %dma_start3A_103, %dma_start3A_104] : memref<6x16x1024xf32, #tpu.memory_space<vmem>> -> memref<1x16x1024xf32, #tpu.memory_space<vmem>>
    %dma_start3A_106 = tpu.memref_squeeze %dma_start3A_105 : memref<1x16x1024xf32, #tpu.memory_space<vmem>> -> memref<16x1024xf32, #tpu.memory_space<vmem>>
    %dma_start3A_107 = arith.constant 0 : i32
    %dma_start3A_108 = tpu.memref_slice %arg4[%add3A_101, %dma_start3A_107] : memref<16384x1024xf32, #tpu.memory_space<hbm>> -> memref<16x1024xf32, #tpu.memory_space<hbm>>
    %dma_start3A_109 = arith.constant 0 : i32
    %dma_start3A_110 = tpu.memref_slice %arg4[%add3A_101, %dma_start3A_109] : memref<16384x1024xf32, #tpu.memory_space<hbm>> -> memref<16x1024xf32, #tpu.memory_space<hbm>>
    %dma_start3A_111 = arith.constant 0 : i32
    %dma_start3A_112 = arith.constant 0 : i32
    %dma_start3A_113 = tpu.memref_slice %arg6[%dma_start3A_102, %dma_start3A_111, %dma_start3A_112] : memref<6x16x1024xf32, #tpu.memory_space<vmem>> -> memref<1x16x1024xf32, #tpu.memory_space<vmem>>
    %dma_start3A_114 = tpu.memref_squeeze %dma_start3A_113 : memref<1x16x1024xf32, #tpu.memory_space<vmem>> -> memref<16x1024xf32, #tpu.memory_space<vmem>>
    tpu.enqueue_dma source(%dma_start3A_114 : memref<16x1024xf32, #tpu.memory_space<vmem>>) target(%dma_start3A_110 : memref<16x1024xf32, #tpu.memory_space<hbm>>) target_semaphore(%arg14 : memref<!tpu.dma_semaphore, #tpu.memory_space<semaphore_mem>>)
    %dma_start3A_115 = arith.constant 5 : i32
    %dma_start3A_116 = arith.constant 5 : i32
    %dma_start3A_117 = arith.constant 0 : i32
    %dma_start3A_118 = arith.constant 0 : i32
    %dma_start3A_119 = tpu.memref_slice %arg6[%dma_start3A_116, %dma_start3A_117, %dma_start3A_118] : memref<6x16x1024xf32, #tpu.memory_space<vmem>> -> memref<1x16x1024xf32, #tpu.memory_space<vmem>>
    %dma_start3A_120 = tpu.memref_squeeze %dma_start3A_119 : memref<1x16x1024xf32, #tpu.memory_space<vmem>> -> memref<16x1024xf32, #tpu.memory_space<vmem>>
    %dma_start3A_121 = arith.constant 0 : i32
    %dma_start3A_122 = tpu.memref_slice %arg5[%dma_start3A_115, %dma_start3A_121] : memref<32x16xi32, #tpu.memory_space<vmem>> -> memref<1x16xi32, #tpu.memory_space<vmem>>
    %dma_start3A_123 = tpu.memref_squeeze %dma_start3A_122 : memref<1x16xi32, #tpu.memory_space<vmem>> -> memref<16xi32, #tpu.memory_space<vmem>>
    %dma_start3A_124 = arith.constant 0 : i32
    %dma_start3A_125 = arith.constant 0 : i32
    %dma_start3A_126 = tpu.memref_slice %arg2[%dma_start3A_124, %dma_start3A_125] : memref<16384x1024xf32, #tpu.memory_space<hbm>> -> memref<16384x1024xf32, #tpu.memory_space<hbm>>
    tpu.enqueue_indirect_dma source(%dma_start3A_126 : memref<16384x1024xf32, #tpu.memory_space<hbm>>) target(%dma_start3A_120 : memref<16x1024xf32, #tpu.memory_space<vmem>>) offsets(%dma_start3A_123 : memref<16xi32, #tpu.memory_space<vmem>>) semaphore(%arg12 : memref<!tpu.dma_semaphore, #tpu.memory_space<semaphore_mem>>)
    %dma_wait3A_127 = arith.constant 2 : i32
    %dma_wait3A_128 = arith.constant 2 : i32
    %dma_wait3A_129 = arith.constant 0 : i32
    %dma_wait3A_130 = arith.constant 0 : i32
    %dma_wait3A_131 = tpu.memref_slice %arg6[%dma_wait3A_128, %dma_wait3A_129, %dma_wait3A_130] : memref<6x16x1024xf32, #tpu.memory_space<vmem>> -> memref<1x16x1024xf32, #tpu.memory_space<vmem>>
    %dma_wait3A_132 = tpu.memref_squeeze %dma_wait3A_131 : memref<1x16x1024xf32, #tpu.memory_space<vmem>> -> memref<16x1024xf32, #tpu.memory_space<vmem>>
    %dma_wait3A_133 = arith.constant 0 : i32
    %dma_wait3A_134 = tpu.memref_slice %arg5[%dma_wait3A_127, %dma_wait3A_133] : memref<32x16xi32, #tpu.memory_space<vmem>> -> memref<1x16xi32, #tpu.memory_space<vmem>>
    %dma_wait3A_135 = tpu.memref_squeeze %dma_wait3A_134 : memref<1x16xi32, #tpu.memory_space<vmem>> -> memref<16xi32, #tpu.memory_space<vmem>>
    %dma_wait3A_136 = arith.constant 0 : i32
    %dma_wait3A_137 = arith.constant 0 : i32
    %dma_wait3A_138 = tpu.memref_slice %arg2[%dma_wait3A_136, %dma_wait3A_137] : memref<16384x1024xf32, #tpu.memory_space<hbm>> -> memref<16384x1024xf32, #tpu.memory_space<hbm>>
    tpu.wait_indirect_dma semaphore(%arg9 : memref<!tpu.dma_semaphore, #tpu.memory_space<semaphore_mem>>) src(%dma_wait3A_138 : memref<16384x1024xf32, #tpu.memory_space<hbm>>) dst(%dma_wait3A_132 : memref<16x1024xf32, #tpu.memory_space<vmem>>)
    %add3A_139 = arith.constant 32 : i32
    %add3A_140 = arith.addi %mul3A_2, %add3A_139 : i32
    %dma_start3A_141 = arith.constant 2 : i32
    %dma_start3A_142 = arith.constant 0 : i32
    %dma_start3A_143 = arith.constant 0 : i32
    %dma_start3A_144 = tpu.memref_slice %arg6[%dma_start3A_141, %dma_start3A_142, %dma_start3A_143] : memref<6x16x1024xf32, #tpu.memory_space<vmem>> -> memref<1x16x1024xf32, #tpu.memory_space<vmem>>
    %dma_start3A_145 = tpu.memref_squeeze %dma_start3A_144 : memref<1x16x1024xf32, #tpu.memory_space<vmem>> -> memref<16x1024xf32, #tpu.memory_space<vmem>>
    %dma_start3A_146 = arith.constant 0 : i32
    %dma_start3A_147 = tpu.memref_slice %arg4[%add3A_140, %dma_start3A_146] : memref<16384x1024xf32, #tpu.memory_space<hbm>> -> memref<16x1024xf32, #tpu.memory_space<hbm>>
    %dma_start3A_148 = arith.constant 0 : i32
    %dma_start3A_149 = tpu.memref_slice %arg4[%add3A_140, %dma_start3A_148] : memref<16384x1024xf32, #tpu.memory_space<hbm>> -> memref<16x1024xf32, #tpu.memory_space<hbm>>
    %dma_start3A_150 = arith.constant 0 : i32
    %dma_start3A_151 = arith.constant 0 : i32
    %dma_start3A_152 = tpu.memref_slice %arg6[%dma_start3A_141, %dma_start3A_150, %dma_start3A_151] : memref<6x16x1024xf32, #tpu.memory_space<vmem>> -> memref<1x16x1024xf32, #tpu.memory_space<vmem>>
    %dma_start3A_153 = tpu.memref_squeeze %dma_start3A_152 : memref<1x16x1024xf32, #tpu.memory_space<vmem>> -> memref<16x1024xf32, #tpu.memory_space<vmem>>
    tpu.enqueue_dma source(%dma_start3A_153 : memref<16x1024xf32, #tpu.memory_space<vmem>>) target(%dma_start3A_149 : memref<16x1024xf32, #tpu.memory_space<hbm>>) target_semaphore(%arg15 : memref<!tpu.dma_semaphore, #tpu.memory_space<semaphore_mem>>)
    %dma_wait3A_154 = arith.constant 0 : i32
    %dma_wait3A_155 = arith.constant 0 : i32
    %dma_wait3A_156 = arith.constant 0 : i32
    %dma_wait3A_157 = tpu.memref_slice %arg6[%dma_wait3A_154, %dma_wait3A_155, %dma_wait3A_156] : memref<6x16x1024xf32, #tpu.memory_space<vmem>> -> memref<1x16x1024xf32, #tpu.memory_space<vmem>>
    %dma_wait3A_158 = tpu.memref_squeeze %dma_wait3A_157 : memref<1x16x1024xf32, #tpu.memory_space<vmem>> -> memref<16x1024xf32, #tpu.memory_space<vmem>>
    %dma_wait3A_159 = arith.constant 0 : i32
    %dma_wait3A_160 = tpu.memref_slice %arg4[%add3A_62, %dma_wait3A_159] : memref<16384x1024xf32, #tpu.memory_space<hbm>> -> memref<16x1024xf32, #tpu.memory_space<hbm>>
    %dma_wait3A_161 = arith.constant 0 : i32
    %dma_wait3A_162 = tpu.memref_slice %arg4[%add3A_62, %dma_wait3A_161] : memref<16384x1024xf32, #tpu.memory_space<hbm>> -> memref<16x1024xf32, #tpu.memory_space<hbm>>
    %dma_wait3A_163 = arith.constant 0 : i32
    %dma_wait3A_164 = arith.constant 0 : i32
    %dma_wait3A_165 = tpu.memref_slice %arg6[%dma_wait3A_154, %dma_wait3A_163, %dma_wait3A_164] : memref<6x16x1024xf32, #tpu.memory_space<vmem>> -> memref<1x16x1024xf32, #tpu.memory_space<vmem>>
    %dma_wait3A_166 = tpu.memref_squeeze %dma_wait3A_165 : memref<1x16x1024xf32, #tpu.memory_space<vmem>> -> memref<16x1024xf32, #tpu.memory_space<vmem>>
    tpu.wait_dma2 semaphore(%arg13 : memref<!tpu.dma_semaphore, #tpu.memory_space<semaphore_mem>>) src(%dma_wait3A_166 : memref<16x1024xf32, #tpu.memory_space<vmem>>) dst(%dma_wait3A_162 : memref<16x1024xf32, #tpu.memory_space<hbm>>)
    %dma_start3A_167 = arith.constant 6 : i32
    %dma_start3A_168 = arith.constant 0 : i32
    %dma_start3A_169 = arith.constant 0 : i32
    %dma_start3A_170 = arith.constant 0 : i32
    %dma_start3A_171 = tpu.memref_slice %arg6[%dma_start3A_168, %dma_start3A_169, %dma_start3A_170] : memref<6x16x1024xf32, #tpu.memory_space<vmem>> -> memref<1x16x1024xf32, #tpu.memory_space<vmem>>
    %dma_start3A_172 = tpu.memref_squeeze %dma_start3A_171 : memref<1x16x1024xf32, #tpu.memory_space<vmem>> -> memref<16x1024xf32, #tpu.memory_space<vmem>>
    %dma_start3A_173 = arith.constant 0 : i32
    %dma_start3A_174 = tpu.memref_slice %arg5[%dma_start3A_167, %dma_start3A_173] : memref<32x16xi32, #tpu.memory_space<vmem>> -> memref<1x16xi32, #tpu.memory_space<vmem>>
    %dma_start3A_175 = tpu.memref_squeeze %dma_start3A_174 : memref<1x16xi32, #tpu.memory_space<vmem>> -> memref<16xi32, #tpu.memory_space<vmem>>
    %dma_start3A_176 = arith.constant 0 : i32
    %dma_start3A_177 = arith.constant 0 : i32
    %dma_start3A_178 = tpu.memref_slice %arg2[%dma_start3A_176, %dma_start3A_177] : memref<16384x1024xf32, #tpu.memory_space<hbm>> -> memref<16384x1024xf32, #tpu.memory_space<hbm>>
    tpu.enqueue_indirect_dma source(%dma_start3A_178 : memref<16384x1024xf32, #tpu.memory_space<hbm>>) target(%dma_start3A_172 : memref<16x1024xf32, #tpu.memory_space<vmem>>) offsets(%dma_start3A_175 : memref<16xi32, #tpu.memory_space<vmem>>) semaphore(%arg7 : memref<!tpu.dma_semaphore, #tpu.memory_space<semaphore_mem>>)
    %dma_wait3A_179 = arith.constant 3 : i32
    %dma_wait3A_180 = arith.constant 3 : i32
    %dma_wait3A_181 = arith.constant 0 : i32
    %dma_wait3A_182 = arith.constant 0 : i32
    %dma_wait3A_183 = tpu.memref_slice %arg6[%dma_wait3A_180, %dma_wait3A_181, %dma_wait3A_182] : memref<6x16x1024xf32, #tpu.memory_space<vmem>> -> memref<1x16x1024xf32, #tpu.memory_space<vmem>>
    %dma_wait3A_184 = tpu.memref_squeeze %dma_wait3A_183 : memref<1x16x1024xf32, #tpu.memory_space<vmem>> -> memref<16x1024xf32, #tpu.memory_space<vmem>>
    %dma_wait3A_185 = arith.constant 0 : i32
    %dma_wait3A_186 = tpu.memref_slice %arg5[%dma_wait3A_179, %dma_wait3A_185] : memref<32x16xi32, #tpu.memory_space<vmem>> -> memref<1x16xi32, #tpu.memory_space<vmem>>
    %dma_wait3A_187 = tpu.memref_squeeze %dma_wait3A_186 : memref<1x16xi32, #tpu.memory_space<vmem>> -> memref<16xi32, #tpu.memory_space<vmem>>
    %dma_wait3A_188 = arith.constant 0 : i32
    %dma_wait3A_189 = arith.constant 0 : i32
    %dma_wait3A_190 = tpu.memref_slice %arg2[%dma_wait3A_188, %dma_wait3A_189] : memref<16384x1024xf32, #tpu.memory_space<hbm>> -> memref<16384x1024xf32, #tpu.memory_space<hbm>>
    tpu.wait_indirect_dma semaphore(%arg10 : memref<!tpu.dma_semaphore, #tpu.memory_space<semaphore_mem>>) src(%dma_wait3A_190 : memref<16384x1024xf32, #tpu.memory_space<hbm>>) dst(%dma_wait3A_184 : memref<16x1024xf32, #tpu.memory_space<vmem>>)
    %add3A_191 = arith.constant 48 : i32
    %add3A_192 = arith.addi %mul3A_2, %add3A_191 : i32
    %dma_start3A_193 = arith.constant 3 : i32
    %dma_start3A_194 = arith.constant 0 : i32
    %dma_start3A_195 = arith.constant 0 : i32
    %dma_start3A_196 = tpu.memref_slice %arg6[%dma_start3A_193, %dma_start3A_194, %dma_start3A_195] : memref<6x16x1024xf32, #tpu.memory_space<vmem>> -> memref<1x16x1024xf32, #tpu.memory_space<vmem>>
    %dma_start3A_197 = tpu.memref_squeeze %dma_start3A_196 : memref<1x16x1024xf32, #tpu.memory_space<vmem>> -> memref<16x1024xf32, #tpu.memory_space<vmem>>
    %dma_start3A_198 = arith.constant 0 : i32
    %dma_start3A_199 = tpu.memref_slice %arg4[%add3A_192, %dma_start3A_198] : memref<16384x1024xf32, #tpu.memory_space<hbm>> -> memref<16x1024xf32, #tpu.memory_space<hbm>>
    %dma_start3A_200 = arith.constant 0 : i32
    %dma_start3A_201 = tpu.memref_slice %arg4[%add3A_192, %dma_start3A_200] : memref<16384x1024xf32, #tpu.memory_space<hbm>> -> memref<16x1024xf32, #tpu.memory_space<hbm>>
    %dma_start3A_202 = arith.constant 0 : i32
    %dma_start3A_203 = arith.constant 0 : i32
    %dma_start3A_204 = tpu.memref_slice %arg6[%dma_start3A_193, %dma_start3A_202, %dma_start3A_203] : memref<6x16x1024xf32, #tpu.memory_space<vmem>> -> memref<1x16x1024xf32, #tpu.memory_space<vmem>>
    %dma_start3A_205 = tpu.memref_squeeze %dma_start3A_204 : memref<1x16x1024xf32, #tpu.memory_space<vmem>> -> memref<16x1024xf32, #tpu.memory_space<vmem>>
    tpu.enqueue_dma source(%dma_start3A_205 : memref<16x1024xf32, #tpu.memory_space<vmem>>) target(%dma_start3A_201 : memref<16x1024xf32, #tpu.memory_space<hbm>>) target_semaphore(%arg16 : memref<!tpu.dma_semaphore, #tpu.memory_space<semaphore_mem>>)
    %dma_wait3A_206 = arith.constant 1 : i32
    %dma_wait3A_207 = arith.constant 0 : i32
    %dma_wait3A_208 = arith.constant 0 : i32
    %dma_wait3A_209 = tpu.memref_slice %arg6[%dma_wait3A_206, %dma_wait3A_207, %dma_wait3A_208] : memref<6x16x1024xf32, #tpu.memory_space<vmem>> -> memref<1x16x1024xf32, #tpu.memory_space<vmem>>
    %dma_wait3A_210 = tpu.memref_squeeze %dma_wait3A_209 : memref<1x16x1024xf32, #tpu.memory_space<vmem>> -> memref<16x1024xf32, #tpu.memory_space<vmem>>
    %dma_wait3A_211 = arith.constant 0 : i32
    %dma_wait3A_212 = tpu.memref_slice %arg4[%add3A_101, %dma_wait3A_211] : memref<16384x1024xf32, #tpu.memory_space<hbm>> -> memref<16x1024xf32, #tpu.memory_space<hbm>>
    %dma_wait3A_213 = arith.constant 0 : i32
    %dma_wait3A_214 = tpu.memref_slice %arg4[%add3A_101, %dma_wait3A_213] : memref<16384x1024xf32, #tpu.memory_space<hbm>> -> memref<16x1024xf32, #tpu.memory_space<hbm>>
    %dma_wait3A_215 = arith.constant 0 : i32
    %dma_wait3A_216 = arith.constant 0 : i32
    %dma_wait3A_217 = tpu.memref_slice %arg6[%dma_wait3A_206, %dma_wait3A_215, %dma_wait3A_216] : memref<6x16x1024xf32, #tpu.memory_space<vmem>> -> memref<1x16x1024xf32, #tpu.memory_space<vmem>>
    %dma_wait3A_218 = tpu.memref_squeeze %dma_wait3A_217 : memref<1x16x1024xf32, #tpu.memory_space<vmem>> -> memref<16x1024xf32, #tpu.memory_space<vmem>>
    tpu.wait_dma2 semaphore(%arg14 : memref<!tpu.dma_semaphore, #tpu.memory_space<semaphore_mem>>) src(%dma_wait3A_218 : memref<16x1024xf32, #tpu.memory_space<vmem>>) dst(%dma_wait3A_214 : memref<16x1024xf32, #tpu.memory_space<hbm>>)
    %dma_start3A_219 = arith.constant 7 : i32
    %dma_start3A_220 = arith.constant 1 : i32
    %dma_start3A_221 = arith.constant 0 : i32
    %dma_start3A_222 = arith.constant 0 : i32
    %dma_start3A_223 = tpu.memref_slice %arg6[%dma_start3A_220, %dma_start3A_221, %dma_start3A_222] : memref<6x16x1024xf32, #tpu.memory_space<vmem>> -> memref<1x16x1024xf32, #tpu.memory_space<vmem>>
    %dma_start3A_224 = tpu.memref_squeeze %dma_start3A_223 : memref<1x16x1024xf32, #tpu.memory_space<vmem>> -> memref<16x1024xf32, #tpu.memory_space<vmem>>
    %dma_start3A_225 = arith.constant 0 : i32
    %dma_start3A_226 = tpu.memref_slice %arg5[%dma_start3A_219, %dma_start3A_225] : memref<32x16xi32, #tpu.memory_space<vmem>> -> memref<1x16xi32, #tpu.memory_space<vmem>>
    %dma_start3A_227 = tpu.memref_squeeze %dma_start3A_226 : memref<1x16xi32, #tpu.memory_space<vmem>> -> memref<16xi32, #tpu.memory_space<vmem>>
    %dma_start3A_228 = arith.constant 0 : i32
    %dma_start3A_229 = arith.constant 0 : i32
    %dma_start3A_230 = tpu.memref_slice %arg2[%dma_start3A_228, %dma_start3A_229] : memref<16384x1024xf32, #tpu.memory_space<hbm>> -> memref<16384x1024xf32, #tpu.memory_space<hbm>>
    tpu.enqueue_indirect_dma source(%dma_start3A_230 : memref<16384x1024xf32, #tpu.memory_space<hbm>>) target(%dma_start3A_224 : memref<16x1024xf32, #tpu.memory_space<vmem>>) offsets(%dma_start3A_227 : memref<16xi32, #tpu.memory_space<vmem>>) semaphore(%arg8 : memref<!tpu.dma_semaphore, #tpu.memory_space<semaphore_mem>>)
    %dma_wait3A_231 = arith.constant 4 : i32
    %dma_wait3A_232 = arith.constant 4 : i32
    %dma_wait3A_233 = arith.constant 0 : i32
    %dma_wait3A_234 = arith.constant 0 : i32
    %dma_wait3A_235 = tpu.memref_slice %arg6[%dma_wait3A_232, %dma_wait3A_233, %dma_wait3A_234] : memref<6x16x1024xf32, #tpu.memory_space<vmem>> -> memref<1x16x1024xf32, #tpu.memory_space<vmem>>
    %dma_wait3A_236 = tpu.memref_squeeze %dma_wait3A_235 : memref<1x16x1024xf32, #tpu.memory_space<vmem>> -> memref<16x1024xf32, #tpu.memory_space<vmem>>
    %dma_wait3A_237 = arith.constant 0 : i32
    %dma_wait3A_238 = tpu.memref_slice %arg5[%dma_wait3A_231, %dma_wait3A_237] : memref<32x16xi32, #tpu.memory_space<vmem>> -> memref<1x16xi32, #tpu.memory_space<vmem>>
    %dma_wait3A_239 = tpu.memref_squeeze %dma_wait3A_238 : memref<1x16xi32, #tpu.memory_space<vmem>> -> memref<16xi32, #tpu.memory_space<vmem>>
    %dma_wait3A_240 = arith.constant 0 : i32
    %dma_wait3A_241 = arith.constant 0 : i32
    %dma_wait3A_242 = tpu.memref_slice %arg2[%dma_wait3A_240, %dma_wait3A_241] : memref<16384x1024xf32, #tpu.memory_space<hbm>> -> memref<16384x1024xf32, #tpu.memory_space<hbm>>
    tpu.wait_indirect_dma semaphore(%arg11 : memref<!tpu.dma_semaphore, #tpu.memory_space<semaphore_mem>>) src(%dma_wait3A_242 : memref<16384x1024xf32, #tpu.memory_space<hbm>>) dst(%dma_wait3A_236 : memref<16x1024xf32, #tpu.memory_space<vmem>>)
    %add3A_243 = arith.constant 64 : i32
    %add3A_244 = arith.addi %mul3A_2, %add3A_243 : i32
    %dma_start3A_245 = arith.constant 4 : i32
    %dma_start3A_246 = arith.constant 0 : i32
    %dma_start3A_247 = arith.constant 0 : i32
    %dma_start3A_248 = tpu.memref_slice %arg6[%dma_start3A_245, %dma_start3A_246, %dma_start3A_247] : memref<6x16x1024xf32, #tpu.memory_space<vmem>> -> memref<1x16x1024xf32, #tpu.memory_space<vmem>>
    %dma_start3A_249 = tpu.memref_squeeze %dma_start3A_248 : memref<1x16x1024xf32, #tpu.memory_space<vmem>> -> memref<16x1024xf32, #tpu.memory_space<vmem>>
    %dma_start3A_250 = arith.constant 0 : i32
    %dma_start3A_251 = tpu.memref_slice %arg4[%add3A_244, %dma_start3A_250] : memref<16384x1024xf32, #tpu.memory_space<hbm>> -> memref<16x1024xf32, #tpu.memory_space<hbm>>
    %dma_start3A_252 = arith.constant 0 : i32
    %dma_start3A_253 = tpu.memref_slice %arg4[%add3A_244, %dma_start3A_252] : memref<16384x1024xf32, #tpu.memory_space<hbm>> -> memref<16x1024xf32, #tpu.memory_space<hbm>>
    %dma_start3A_254 = arith.constant 0 : i32
    %dma_start3A_255 = arith.constant 0 : i32
    %dma_start3A_256 = tpu.memref_slice %arg6[%dma_start3A_245, %dma_start3A_254, %dma_start3A_255] : memref<6x16x1024xf32, #tpu.memory_space<vmem>> -> memref<1x16x1024xf32, #tpu.memory_space<vmem>>
    %dma_start3A_257 = tpu.memref_squeeze %dma_start3A_256 : memref<1x16x1024xf32, #tpu.memory_space<vmem>> -> memref<16x1024xf32, #tpu.memory_space<vmem>>
    tpu.enqueue_dma source(%dma_start3A_257 : memref<16x1024xf32, #tpu.memory_space<vmem>>) target(%dma_start3A_253 : memref<16x1024xf32, #tpu.memory_space<hbm>>) target_semaphore(%arg17 : memref<!tpu.dma_semaphore, #tpu.memory_space<semaphore_mem>>)
    %dma_wait3A_258 = arith.constant 2 : i32
    %dma_wait3A_259 = arith.constant 0 : i32
    %dma_wait3A_260 = arith.constant 0 : i32
    %dma_wait3A_261 = tpu.memref_slice %arg6[%dma_wait3A_258, %dma_wait3A_259, %dma_wait3A_260] : memref<6x16x1024xf32, #tpu.memory_space<vmem>> -> memref<1x16x1024xf32, #tpu.memory_space<vmem>>
    %dma_wait3A_262 = tpu.memref_squeeze %dma_wait3A_261 : memref<1x16x1024xf32, #tpu.memory_space<vmem>> -> memref<16x1024xf32, #tpu.memory_space<vmem>>
    %dma_wait3A_263 = arith.constant 0 : i32
    %dma_wait3A_264 = tpu.memref_slice %arg4[%add3A_140, %dma_wait3A_263] : memref<16384x1024xf32, #tpu.memory_space<hbm>> -> memref<16x1024xf32, #tpu.memory_space<hbm>>
    %dma_wait3A_265 = arith.constant 0 : i32
    %dma_wait3A_266 = tpu.memref_slice %arg4[%add3A_140, %dma_wait3A_265] : memref<16384x1024xf32, #tpu.memory_space<hbm>> -> memref<16x1024xf32, #tpu.memory_space<hbm>>
    %dma_wait3A_267 = arith.constant 0 : i32
    %dma_wait3A_268 = arith.constant 0 : i32
    %dma_wait3A_269 = tpu.memref_slice %arg6[%dma_wait3A_258, %dma_wait3A_267, %dma_wait3A_268] : memref<6x16x1024xf32, #tpu.memory_space<vmem>> -> memref<1x16x1024xf32, #tpu.memory_space<vmem>>
    %dma_wait3A_270 = tpu.memref_squeeze %dma_wait3A_269 : memref<1x16x1024xf32, #tpu.memory_space<vmem>> -> memref<16x1024xf32, #tpu.memory_space<vmem>>
    tpu.wait_dma2 semaphore(%arg15 : memref<!tpu.dma_semaphore, #tpu.memory_space<semaphore_mem>>) src(%dma_wait3A_270 : memref<16x1024xf32, #tpu.memory_space<vmem>>) dst(%dma_wait3A_266 : memref<16x1024xf32, #tpu.memory_space<hbm>>)
    %dma_start3A_271 = arith.constant 8 : i32
    %dma_start3A_272 = arith.constant 2 : i32
    %dma_start3A_273 = arith.constant 0 : i32
    %dma_start3A_274 = arith.constant 0 : i32
    %dma_start3A_275 = tpu.memref_slice %arg6[%dma_start3A_272, %dma_start3A_273, %dma_start3A_274] : memref<6x16x1024xf32, #tpu.memory_space<vmem>> -> memref<1x16x1024xf32, #tpu.memory_space<vmem>>
    %dma_start3A_276 = tpu.memref_squeeze %dma_start3A_275 : memref<1x16x1024xf32, #tpu.memory_space<vmem>> -> memref<16x1024xf32, #tpu.memory_space<vmem>>
    %dma_start3A_277 = arith.constant 0 : i32
    %dma_start3A_278 = tpu.memref_slice %arg5[%dma_start3A_271, %dma_start3A_277] : memref<32x16xi32, #tpu.memory_space<vmem>> -> memref<1x16xi32, #tpu.memory_space<vmem>>
    %dma_start3A_279 = tpu.memref_squeeze %dma_start3A_278 : memref<1x16xi32, #tpu.memory_space<vmem>> -> memref<16xi32, #tpu.memory_space<vmem>>
    %dma_start3A_280 = arith.constant 0 : i32
    %dma_start3A_281 = arith.constant 0 : i32
    %dma_start3A_282 = tpu.memref_slice %arg2[%dma_start3A_280, %dma_start3A_281] : memref<16384x1024xf32, #tpu.memory_space<hbm>> -> memref<16384x1024xf32, #tpu.memory_space<hbm>>
    tpu.enqueue_indirect_dma source(%dma_start3A_282 : memref<16384x1024xf32, #tpu.memory_space<hbm>>) target(%dma_start3A_276 : memref<16x1024xf32, #tpu.memory_space<vmem>>) offsets(%dma_start3A_279 : memref<16xi32, #tpu.memory_space<vmem>>) semaphore(%arg9 : memref<!tpu.dma_semaphore, #tpu.memory_space<semaphore_mem>>)
    %dma_wait3A_283 = arith.constant 5 : i32
    %dma_wait3A_284 = arith.constant 5 : i32
    %dma_wait3A_285 = arith.constant 0 : i32
    %dma_wait3A_286 = arith.constant 0 : i32
    %dma_wait3A_287 = tpu.memref_slice %arg6[%dma_wait3A_284, %dma_wait3A_285, %dma_wait3A_286] : memref<6x16x1024xf32, #tpu.memory_space<vmem>> -> memref<1x16x1024xf32, #tpu.memory_space<vmem>>
    %dma_wait3A_288 = tpu.memref_squeeze %dma_wait3A_287 : memref<1x16x1024xf32, #tpu.memory_space<vmem>> -> memref<16x1024xf32, #tpu.memory_space<vmem>>
    %dma_wait3A_289 = arith.constant 0 : i32
    %dma_wait3A_290 = tpu.memref_slice %arg5[%dma_wait3A_283, %dma_wait3A_289] : memref<32x16xi32, #tpu.memory_space<vmem>> -> memref<1x16xi32, #tpu.memory_space<vmem>>
    %dma_wait3A_291 = tpu.memref_squeeze %dma_wait3A_290 : memref<1x16xi32, #tpu.memory_space<vmem>> -> memref<16xi32, #tpu.memory_space<vmem>>
    %dma_wait3A_292 = arith.constant 0 : i32
    %dma_wait3A_293 = arith.constant 0 : i32
    %dma_wait3A_294 = tpu.memref_slice %arg2[%dma_wait3A_292, %dma_wait3A_293] : memref<16384x1024xf32, #tpu.memory_space<hbm>> -> memref<16384x1024xf32, #tpu.memory_space<hbm>>
    tpu.wait_indirect_dma semaphore(%arg12 : memref<!tpu.dma_semaphore, #tpu.memory_space<semaphore_mem>>) src(%dma_wait3A_294 : memref<16384x1024xf32, #tpu.memory_space<hbm>>) dst(%dma_wait3A_288 : memref<16x1024xf32, #tpu.memory_space<vmem>>)
    %add3A_295 = arith.constant 80 : i32
    %add3A_296 = arith.addi %mul3A_2, %add3A_295 : i32
    %dma_start3A_297 = arith.constant 5 : i32
    %dma_start3A_298 = arith.constant 0 : i32
    %dma_start3A_299 = arith.constant 0 : i32
    %dma_start3A_300 = tpu.memref_slice %arg6[%dma_start3A_297, %dma_start3A_298, %dma_start3A_299] : memref<6x16x1024xf32, #tpu.memory_space<vmem>> -> memref<1x16x1024xf32, #tpu.memory_space<vmem>>
    %dma_start3A_301 = tpu.memref_squeeze %dma_start3A_300 : memref<1x16x1024xf32, #tpu.memory_space<vmem>> -> memref<16x1024xf32, #tpu.memory_space<vmem>>
    %dma_start3A_302 = arith.constant 0 : i32
    %dma_start3A_303 = tpu.memref_slice %arg4[%add3A_296, %dma_start3A_302] : memref<16384x1024xf32, #tpu.memory_space<hbm>> -> memref<16x1024xf32, #tpu.memory_space<hbm>>
    %dma_start3A_304 = arith.constant 0 : i32
    %dma_start3A_305 = tpu.memref_slice %arg4[%add3A_296, %dma_start3A_304] : memref<16384x1024xf32, #tpu.memory_space<hbm>> -> memref<16x1024xf32, #tpu.memory_space<hbm>>
    %dma_start3A_306 = arith.constant 0 : i32
    %dma_start3A_307 = arith.constant 0 : i32
    %dma_start3A_308 = tpu.memref_slice %arg6[%dma_start3A_297, %dma_start3A_306, %dma_start3A_307] : memref<6x16x1024xf32, #tpu.memory_space<vmem>> -> memref<1x16x1024xf32, #tpu.memory_space<vmem>>
    %dma_start3A_309 = tpu.memref_squeeze %dma_start3A_308 : memref<1x16x1024xf32, #tpu.memory_space<vmem>> -> memref<16x1024xf32, #tpu.memory_space<vmem>>
    tpu.enqueue_dma source(%dma_start3A_309 : memref<16x1024xf32, #tpu.memory_space<vmem>>) target(%dma_start3A_305 : memref<16x1024xf32, #tpu.memory_space<hbm>>) target_semaphore(%arg18 : memref<!tpu.dma_semaphore, #tpu.memory_space<semaphore_mem>>)
    %dma_wait3A_310 = arith.constant 3 : i32
    %dma_wait3A_311 = arith.constant 0 : i32
    %dma_wait3A_312 = arith.constant 0 : i32
    %dma_wait3A_313 = tpu.memref_slice %arg6[%dma_wait3A_310, %dma_wait3A_311, %dma_wait3A_312] : memref<6x16x1024xf32, #tpu.memory_space<vmem>> -> memref<1x16x1024xf32, #tpu.memory_space<vmem>>
    %dma_wait3A_314 = tpu.memref_squeeze %dma_wait3A_313 : memref<1x16x1024xf32, #tpu.memory_space<vmem>> -> memref<16x1024xf32, #tpu.memory_space<vmem>>
    %dma_wait3A_315 = arith.constant 0 : i32
    %dma_wait3A_316 = tpu.memref_slice %arg4[%add3A_192, %dma_wait3A_315] : memref<16384x1024xf32, #tpu.memory_space<hbm>> -> memref<16x1024xf32, #tpu.memory_space<hbm>>
    %dma_wait3A_317 = arith.constant 0 : i32
    %dma_wait3A_318 = tpu.memref_slice %arg4[%add3A_192, %dma_wait3A_317] : memref<16384x1024xf32, #tpu.memory_space<hbm>> -> memref<16x1024xf32, #tpu.memory_space<hbm>>
    %dma_wait3A_319 = arith.constant 0 : i32
    %dma_wait3A_320 = arith.constant 0 : i32
    %dma_wait3A_321 = tpu.memref_slice %arg6[%dma_wait3A_310, %dma_wait3A_319, %dma_wait3A_320] : memref<6x16x1024xf32, #tpu.memory_space<vmem>> -> memref<1x16x1024xf32, #tpu.memory_space<vmem>>
    %dma_wait3A_322 = tpu.memref_squeeze %dma_wait3A_321 : memref<1x16x1024xf32, #tpu.memory_space<vmem>> -> memref<16x1024xf32, #tpu.memory_space<vmem>>
    tpu.wait_dma2 semaphore(%arg16 : memref<!tpu.dma_semaphore, #tpu.memory_space<semaphore_mem>>) src(%dma_wait3A_322 : memref<16x1024xf32, #tpu.memory_space<vmem>>) dst(%dma_wait3A_318 : memref<16x1024xf32, #tpu.memory_space<hbm>>)
    %dma_start3A_323 = arith.constant 9 : i32
    %dma_start3A_324 = arith.constant 3 : i32
    %dma_start3A_325 = arith.constant 0 : i32
    %dma_start3A_326 = arith.constant 0 : i32
    %dma_start3A_327 = tpu.memref_slice %arg6[%dma_start3A_324, %dma_start3A_325, %dma_start3A_326] : memref<6x16x1024xf32, #tpu.memory_space<vmem>> -> memref<1x16x1024xf32, #tpu.memory_space<vmem>>
    %dma_start3A_328 = tpu.memref_squeeze %dma_start3A_327 : memref<1x16x1024xf32, #tpu.memory_space<vmem>> -> memref<16x1024xf32, #tpu.memory_space<vmem>>
    %dma_start3A_329 = arith.constant 0 : i32
    %dma_start3A_330 = tpu.memref_slice %arg5[%dma_start3A_323, %dma_start3A_329] : memref<32x16xi32, #tpu.memory_space<vmem>> -> memref<1x16xi32, #tpu.memory_space<vmem>>
    %dma_start3A_331 = tpu.memref_squeeze %dma_start3A_330 : memref<1x16xi32, #tpu.memory_space<vmem>> -> memref<16xi32, #tpu.memory_space<vmem>>
    %dma_start3A_332 = arith.constant 0 : i32
    %dma_start3A_333 = arith.constant 0 : i32
    %dma_start3A_334 = tpu.memref_slice %arg2[%dma_start3A_332, %dma_start3A_333] : memref<16384x1024xf32, #tpu.memory_space<hbm>> -> memref<16384x1024xf32, #tpu.memory_space<hbm>>
    tpu.enqueue_indirect_dma source(%dma_start3A_334 : memref<16384x1024xf32, #tpu.memory_space<hbm>>) target(%dma_start3A_328 : memref<16x1024xf32, #tpu.memory_space<vmem>>) offsets(%dma_start3A_331 : memref<16xi32, #tpu.memory_space<vmem>>) semaphore(%arg10 : memref<!tpu.dma_semaphore, #tpu.memory_space<semaphore_mem>>)
    %dma_wait3A_335 = arith.constant 6 : i32
    %dma_wait3A_336 = arith.constant 0 : i32
    %dma_wait3A_337 = arith.constant 0 : i32
    %dma_wait3A_338 = arith.constant 0 : i32
    %dma_wait3A_339 = tpu.memref_slice %arg6[%dma_wait3A_336, %dma_wait3A_337, %dma_wait3A_338] : memref<6x16x1024xf32, #tpu.memory_space<vmem>> -> memref<1x16x1024xf32, #tpu.memory_space<vmem>>
    %dma_wait3A_340 = tpu.memref_squeeze %dma_wait3A_339 : memref<1x16x1024xf32, #tpu.memory_space<vmem>> -> memref<16x1024xf32, #tpu.memory_space<vmem>>
    %dma_wait3A_341 = arith.constant 0 : i32
    %dma_wait3A_342 = tpu.memref_slice %arg5[%dma_wait3A_335, %dma_wait3A_341] : memref<32x16xi32, #tpu.memory_space<vmem>> -> memref<1x16xi32, #tpu.memory_space<vmem>>
    %dma_wait3A_343 = tpu.memref_squeeze %dma_wait3A_342 : memref<1x16xi32, #tpu.memory_space<vmem>> -> memref<16xi32, #tpu.memory_space<vmem>>
    %dma_wait3A_344 = arith.constant 0 : i32
    %dma_wait3A_345 = arith.constant 0 : i32
    %dma_wait3A_346 = tpu.memref_slice %arg2[%dma_wait3A_344, %dma_wait3A_345] : memref<16384x1024xf32, #tpu.memory_space<hbm>> -> memref<16384x1024xf32, #tpu.memory_space<hbm>>
    tpu.wait_indirect_dma semaphore(%arg7 : memref<!tpu.dma_semaphore, #tpu.memory_space<semaphore_mem>>) src(%dma_wait3A_346 : memref<16384x1024xf32, #tpu.memory_space<hbm>>) dst(%dma_wait3A_340 : memref<16x1024xf32, #tpu.memory_space<vmem>>)
    %add3A_347 = arith.constant 96 : i32
    %add3A_348 = arith.addi %mul3A_2, %add3A_347 : i32
    %dma_start3A_349 = arith.constant 0 : i32
    %dma_start3A_350 = arith.constant 0 : i32
    %dma_start3A_351 = arith.constant 0 : i32
    %dma_start3A_352 = tpu.memref_slice %arg6[%dma_start3A_349, %dma_start3A_350, %dma_start3A_351] : memref<6x16x1024xf32, #tpu.memory_space<vmem>> -> memref<1x16x1024xf32, #tpu.memory_space<vmem>>
    %dma_start3A_353 = tpu.memref_squeeze %dma_start3A_352 : memref<1x16x1024xf32, #tpu.memory_space<vmem>> -> memref<16x1024xf32, #tpu.memory_space<vmem>>
    %dma_start3A_354 = arith.constant 0 : i32
    %dma_start3A_355 = tpu.memref_slice %arg4[%add3A_348, %dma_start3A_354] : memref<16384x1024xf32, #tpu.memory_space<hbm>> -> memref<16x1024xf32, #tpu.memory_space<hbm>>
    %dma_start3A_356 = arith.constant 0 : i32
    %dma_start3A_357 = tpu.memref_slice %arg4[%add3A_348, %dma_start3A_356] : memref<16384x1024xf32, #tpu.memory_space<hbm>> -> memref<16x1024xf32, #tpu.memory_space<hbm>>
    %dma_start3A_358 = arith.constant 0 : i32
    %dma_start3A_359 = arith.constant 0 : i32
    %dma_start3A_360 = tpu.memref_slice %arg6[%dma_start3A_349, %dma_start3A_358, %dma_start3A_359] : memref<6x16x1024xf32, #tpu.memory_space<vmem>> -> memref<1x16x1024xf32, #tpu.memory_space<vmem>>
    %dma_start3A_361 = tpu.memref_squeeze %dma_start3A_360 : memref<1x16x1024xf32, #tpu.memory_space<vmem>> -> memref<16x1024xf32, #tpu.memory_space<vmem>>
    tpu.enqueue_dma source(%dma_start3A_361 : memref<16x1024xf32, #tpu.memory_space<vmem>>) target(%dma_start3A_357 : memref<16x1024xf32, #tpu.memory_space<hbm>>) target_semaphore(%arg13 : memref<!tpu.dma_semaphore, #tpu.memory_space<semaphore_mem>>)
    %dma_wait3A_362 = arith.constant 4 : i32
    %dma_wait3A_363 = arith.constant 0 : i32
    %dma_wait3A_364 = arith.constant 0 : i32
    %dma_wait3A_365 = tpu.memref_slice %arg6[%dma_wait3A_362, %dma_wait3A_363, %dma_wait3A_364] : memref<6x16x1024xf32, #tpu.memory_space<vmem>> -> memref<1x16x1024xf32, #tpu.memory_space<vmem>>
    %dma_wait3A_366 = tpu.memref_squeeze %dma_wait3A_365 : memref<1x16x1024xf32, #tpu.memory_space<vmem>> -> memref<16x1024xf32, #tpu.memory_space<vmem>>
    %dma_wait3A_367 = arith.constant 0 : i32
    %dma_wait3A_368 = tpu.memref_slice %arg4[%add3A_244, %dma_wait3A_367] : memref<16384x1024xf32, #tpu.memory_space<hbm>> -> memref<16x1024xf32, #tpu.memory_space<hbm>>
    %dma_wait3A_369 = arith.constant 0 : i32
    %dma_wait3A_370 = tpu.memref_slice %arg4[%add3A_244, %dma_wait3A_369] : memref<16384x1024xf32, #tpu.memory_space<hbm>> -> memref<16x1024xf32, #tpu.memory_space<hbm>>
    %dma_wait3A_371 = arith.constant 0 : i32
    %dma_wait3A_372 = arith.constant 0 : i32
    %dma_wait3A_373 = tpu.memref_slice %arg6[%dma_wait3A_362, %dma_wait3A_371, %dma_wait3A_372] : memref<6x16x1024xf32, #tpu.memory_space<vmem>> -> memref<1x16x1024xf32, #tpu.memory_space<vmem>>
    %dma_wait3A_374 = tpu.memref_squeeze %dma_wait3A_373 : memref<1x16x1024xf32, #tpu.memory_space<vmem>> -> memref<16x1024xf32, #tpu.memory_space<vmem>>
    tpu.wait_dma2 semaphore(%arg17 : memref<!tpu.dma_semaphore, #tpu.memory_space<semaphore_mem>>) src(%dma_wait3A_374 : memref<16x1024xf32, #tpu.memory_space<vmem>>) dst(%dma_wait3A_370 : memref<16x1024xf32, #tpu.memory_space<hbm>>)
    %dma_start3A_375 = arith.constant 10 : i32
    %dma_start3A_376 = arith.constant 4 : i32
    %dma_start3A_377 = arith.constant 0 : i32
    %dma_start3A_378 = arith.constant 0 : i32
    %dma_start3A_379 = tpu.memref_slice %arg6[%dma_start3A_376, %dma_start3A_377, %dma_start3A_378] : memref<6x16x1024xf32, #tpu.memory_space<vmem>> -> memref<1x16x1024xf32, #tpu.memory_space<vmem>>
    %dma_start3A_380 = tpu.memref_squeeze %dma_start3A_379 : memref<1x16x1024xf32, #tpu.memory_space<vmem>> -> memref<16x1024xf32, #tpu.memory_space<vmem>>
    %dma_start3A_381 = arith.constant 0 : i32
    %dma_start3A_382 = tpu.memref_slice %arg5[%dma_start3A_375, %dma_start3A_381] : memref<32x16xi32, #tpu.memory_space<vmem>> -> memref<1x16xi32, #tpu.memory_space<vmem>>
    %dma_start3A_383 = tpu.memref_squeeze %dma_start3A_382 : memref<1x16xi32, #tpu.memory_space<vmem>> -> memref<16xi32, #tpu.memory_space<vmem>>
    %dma_start3A_384 = arith.constant 0 : i32
    %dma_start3A_385 = arith.constant 0 : i32
    %dma_start3A_386 = tpu.memref_slice %arg2[%dma_start3A_384, %dma_start3A_385] : memref<16384x1024xf32, #tpu.memory_space<hbm>> -> memref<16384x1024xf32, #tpu.memory_space<hbm>>
    tpu.enqueue_indirect_dma source(%dma_start3A_386 : memref<16384x1024xf32, #tpu.memory_space<hbm>>) target(%dma_start3A_380 : memref<16x1024xf32, #tpu.memory_space<vmem>>) offsets(%dma_start3A_383 : memref<16xi32, #tpu.memory_space<vmem>>) semaphore(%arg11 : memref<!tpu.dma_semaphore, #tpu.memory_space<semaphore_mem>>)
    %dma_wait3A_387 = arith.constant 7 : i32
    %dma_wait3A_388 = arith.constant 1 : i32
    %dma_wait3A_389 = arith.constant 0 : i32
    %dma_wait3A_390 = arith.constant 0 : i32
    %dma_wait3A_391 = tpu.memref_slice %arg6[%dma_wait3A_388, %dma_wait3A_389, %dma_wait3A_390] : memref<6x16x1024xf32, #tpu.memory_space<vmem>> -> memref<1x16x1024xf32, #tpu.memory_space<vmem>>
    %dma_wait3A_392 = tpu.memref_squeeze %dma_wait3A_391 : memref<1x16x1024xf32, #tpu.memory_space<vmem>> -> memref<16x1024xf32, #tpu.memory_space<vmem>>
    %dma_wait3A_393 = arith.constant 0 : i32
    %dma_wait3A_394 = tpu.memref_slice %arg5[%dma_wait3A_387, %dma_wait3A_393] : memref<32x16xi32, #tpu.memory_space<vmem>> -> memref<1x16xi32, #tpu.memory_space<vmem>>
    %dma_wait3A_395 = tpu.memref_squeeze %dma_wait3A_394 : memref<1x16xi32, #tpu.memory_space<vmem>> -> memref<16xi32, #tpu.memory_space<vmem>>
    %dma_wait3A_396 = arith.constant 0 : i32
    %dma_wait3A_397 = arith.constant 0 : i32
    %dma_wait3A_398 = tpu.memref_slice %arg2[%dma_wait3A_396, %dma_wait3A_397] : memref<16384x1024xf32, #tpu.memory_space<hbm>> -> memref<16384x1024xf32, #tpu.memory_space<hbm>>
    tpu.wait_indirect_dma semaphore(%arg8 : memref<!tpu.dma_semaphore, #tpu.memory_space<semaphore_mem>>) src(%dma_wait3A_398 : memref<16384x1024xf32, #tpu.memory_space<hbm>>) dst(%dma_wait3A_392 : memref<16x1024xf32, #tpu.memory_space<vmem>>)
    %add3A_399 = arith.constant 112 : i32
    %add3A_400 = arith.addi %mul3A_2, %add3A_399 : i32
    %dma_start3A_401 = arith.constant 1 : i32
    %dma_start3A_402 = arith.constant 0 : i32
    %dma_start3A_403 = arith.constant 0 : i32
    %dma_start3A_404 = tpu.memref_slice %arg6[%dma_start3A_401, %dma_start3A_402, %dma_start3A_403] : memref<6x16x1024xf32, #tpu.memory_space<vmem>> -> memref<1x16x1024xf32, #tpu.memory_space<vmem>>
    %dma_start3A_405 = tpu.memref_squeeze %dma_start3A_404 : memref<1x16x1024xf32, #tpu.memory_space<vmem>> -> memref<16x1024xf32, #tpu.memory_space<vmem>>
    %dma_start3A_406 = arith.constant 0 : i32
    %dma_start3A_407 = tpu.memref_slice %arg4[%add3A_400, %dma_start3A_406] : memref<16384x1024xf32, #tpu.memory_space<hbm>> -> memref<16x1024xf32, #tpu.memory_space<hbm>>
    %dma_start3A_408 = arith.constant 0 : i32
    %dma_start3A_409 = tpu.memref_slice %arg4[%add3A_400, %dma_start3A_408] : memref<16384x1024xf32, #tpu.memory_space<hbm>> -> memref<16x1024xf32, #tpu.memory_space<hbm>>
    %dma_start3A_410 = arith.constant 0 : i32
    %dma_start3A_411 = arith.constant 0 : i32
    %dma_start3A_412 = tpu.memref_slice %arg6[%dma_start3A_401, %dma_start3A_410, %dma_start3A_411] : memref<6x16x1024xf32, #tpu.memory_space<vmem>> -> memref<1x16x1024xf32, #tpu.memory_space<vmem>>
    %dma_start3A_413 = tpu.memref_squeeze %dma_start3A_412 : memref<1x16x1024xf32, #tpu.memory_space<vmem>> -> memref<16x1024xf32, #tpu.memory_space<vmem>>
    tpu.enqueue_dma source(%dma_start3A_413 : memref<16x1024xf32, #tpu.memory_space<vmem>>) target(%dma_start3A_409 : memref<16x1024xf32, #tpu.memory_space<hbm>>) target_semaphore(%arg14 : memref<!tpu.dma_semaphore, #tpu.memory_space<semaphore_mem>>)
    %dma_wait3A_414 = arith.constant 5 : i32
    %dma_wait3A_415 = arith.constant 0 : i32
    %dma_wait3A_416 = arith.constant 0 : i32
    %dma_wait3A_417 = tpu.memref_slice %arg6[%dma_wait3A_414, %dma_wait3A_415, %dma_wait3A_416] : memref<6x16x1024xf32, #tpu.memory_space<vmem>> -> memref<1x16x1024xf32, #tpu.memory_space<vmem>>
    %dma_wait3A_418 = tpu.memref_squeeze %dma_wait3A_417 : memref<1x16x1024xf32, #tpu.memory_space<vmem>> -> memref<16x1024xf32, #tpu.memory_space<vmem>>
    %dma_wait3A_419 = arith.constant 0 : i32
    %dma_wait3A_420 = tpu.memref_slice %arg4[%add3A_296, %dma_wait3A_419] : memref<16384x1024xf32, #tpu.memory_space<hbm>> -> memref<16x1024xf32, #tpu.memory_space<hbm>>
    %dma_wait3A_421 = arith.constant 0 : i32
    %dma_wait3A_422 = tpu.memref_slice %arg4[%add3A_296, %dma_wait3A_421] : memref<16384x1024xf32, #tpu.memory_space<hbm>> -> memref<16x1024xf32, #tpu.memory_space<hbm>>
    %dma_wait3A_423 = arith.constant 0 : i32
    %dma_wait3A_424 = arith.constant 0 : i32
    %dma_wait3A_425 = tpu.memref_slice %arg6[%dma_wait3A_414, %dma_wait3A_423, %dma_wait3A_424] : memref<6x16x1024xf32, #tpu.memory_space<vmem>> -> memref<1x16x1024xf32, #tpu.memory_space<vmem>>
    %dma_wait3A_426 = tpu.memref_squeeze %dma_wait3A_425 : memref<1x16x1024xf32, #tpu.memory_space<vmem>> -> memref<16x1024xf32, #tpu.memory_space<vmem>>
    tpu.wait_dma2 semaphore(%arg18 : memref<!tpu.dma_semaphore, #tpu.memory_space<semaphore_mem>>) src(%dma_wait3A_426 : memref<16x1024xf32, #tpu.memory_space<vmem>>) dst(%dma_wait3A_422 : memref<16x1024xf32, #tpu.memory_space<hbm>>)
    %dma_start3A_427 = arith.constant 11 : i32
    %dma_start3A_428 = arith.constant 5 : i32
    %dma_start3A_429 = arith.constant 0 : i32
    %dma_start3A_430 = arith.constant 0 : i32
    %dma_start3A_431 = tpu.memref_slice %arg6[%dma_start3A_428, %dma_start3A_429, %dma_start3A_430] : memref<6x16x1024xf32, #tpu.memory_space<vmem>> -> memref<1x16x1024xf32, #tpu.memory_space<vmem>>
    %dma_start3A_432 = tpu.memref_squeeze %dma_start3A_431 : memref<1x16x1024xf32, #tpu.memory_space<vmem>> -> memref<16x1024xf32, #tpu.memory_space<vmem>>
    %dma_start3A_433 = arith.constant 0 : i32
    %dma_start3A_434 = tpu.memref_slice %arg5[%dma_start3A_427, %dma_start3A_433] : memref<32x16xi32, #tpu.memory_space<vmem>> -> memref<1x16xi32, #tpu.memory_space<vmem>>
    %dma_start3A_435 = tpu.memref_squeeze %dma_start3A_434 : memref<1x16xi32, #tpu.memory_space<vmem>> -> memref<16xi32, #tpu.memory_space<vmem>>
    %dma_start3A_436 = arith.constant 0 : i32
    %dma_start3A_437 = arith.constant 0 : i32
    %dma_start3A_438 = tpu.memref_slice %arg2[%dma_start3A_436, %dma_start3A_437] : memref<16384x1024xf32, #tpu.memory_space<hbm>> -> memref<16384x1024xf32, #tpu.memory_space<hbm>>
    tpu.enqueue_indirect_dma source(%dma_start3A_438 : memref<16384x1024xf32, #tpu.memory_space<hbm>>) target(%dma_start3A_432 : memref<16x1024xf32, #tpu.memory_space<vmem>>) offsets(%dma_start3A_435 : memref<16xi32, #tpu.memory_space<vmem>>) semaphore(%arg12 : memref<!tpu.dma_semaphore, #tpu.memory_space<semaphore_mem>>)
    %dma_wait3A_439 = arith.constant 8 : i32
    %dma_wait3A_440 = arith.constant 2 : i32
    %dma_wait3A_441 = arith.constant 0 : i32
    %dma_wait3A_442 = arith.constant 0 : i32
    %dma_wait3A_443 = tpu.memref_slice %arg6[%dma_wait3A_440, %dma_wait3A_441, %dma_wait3A_442] : memref<6x16x1024xf32, #tpu.memory_space<vmem>> -> memref<1x16x1024xf32, #tpu.memory_space<vmem>>
    %dma_wait3A_444 = tpu.memref_squeeze %dma_wait3A_443 : memref<1x16x1024xf32, #tpu.memory_space<vmem>> -> memref<16x1024xf32, #tpu.memory_space<vmem>>
    %dma_wait3A_445 = arith.constant 0 : i32
    %dma_wait3A_446 = tpu.memref_slice %arg5[%dma_wait3A_439, %dma_wait3A_445] : memref<32x16xi32, #tpu.memory_space<vmem>> -> memref<1x16xi32, #tpu.memory_space<vmem>>
    %dma_wait3A_447 = tpu.memref_squeeze %dma_wait3A_446 : memref<1x16xi32, #tpu.memory_space<vmem>> -> memref<16xi32, #tpu.memory_space<vmem>>
    %dma_wait3A_448 = arith.constant 0 : i32
    %dma_wait3A_449 = arith.constant 0 : i32
    %dma_wait3A_450 = tpu.memref_slice %arg2[%dma_wait3A_448, %dma_wait3A_449] : memref<16384x1024xf32, #tpu.memory_space<hbm>> -> memref<16384x1024xf32, #tpu.memory_space<hbm>>
    tpu.wait_indirect_dma semaphore(%arg9 : memref<!tpu.dma_semaphore, #tpu.memory_space<semaphore_mem>>) src(%dma_wait3A_450 : memref<16384x1024xf32, #tpu.memory_space<hbm>>) dst(%dma_wait3A_444 : memref<16x1024xf32, #tpu.memory_space<vmem>>)
    %add3A_451 = arith.constant 128 : i32
    %add3A_452 = arith.addi %mul3A_2, %add3A_451 : i32
    %dma_start3A_453 = arith.constant 2 : i32
    %dma_start3A_454 = arith.constant 0 : i32
    %dma_start3A_455 = arith.constant 0 : i32
    %dma_start3A_456 = tpu.memref_slice %arg6[%dma_start3A_453, %dma_start3A_454, %dma_start3A_455] : memref<6x16x1024xf32, #tpu.memory_space<vmem>> -> memref<1x16x1024xf32, #tpu.memory_space<vmem>>
    %dma_start3A_457 = tpu.memref_squeeze %dma_start3A_456 : memref<1x16x1024xf32, #tpu.memory_space<vmem>> -> memref<16x1024xf32, #tpu.memory_space<vmem>>
    %dma_start3A_458 = arith.constant 0 : i32
    %dma_start3A_459 = tpu.memref_slice %arg4[%add3A_452, %dma_start3A_458] : memref<16384x1024xf32, #tpu.memory_space<hbm>> -> memref<16x1024xf32, #tpu.memory_space<hbm>>
    %dma_start3A_460 = arith.constant 0 : i32
    %dma_start3A_461 = tpu.memref_slice %arg4[%add3A_452, %dma_start3A_460] : memref<16384x1024xf32, #tpu.memory_space<hbm>> -> memref<16x1024xf32, #tpu.memory_space<hbm>>
    %dma_start3A_462 = arith.constant 0 : i32
    %dma_start3A_463 = arith.constant 0 : i32
    %dma_start3A_464 = tpu.memref_slice %arg6[%dma_start3A_453, %dma_start3A_462, %dma_start3A_463] : memref<6x16x1024xf32, #tpu.memory_space<vmem>> -> memref<1x16x1024xf32, #tpu.memory_space<vmem>>
    %dma_start3A_465 = tpu.memref_squeeze %dma_start3A_464 : memref<1x16x1024xf32, #tpu.memory_space<vmem>> -> memref<16x1024xf32, #tpu.memory_space<vmem>>
    tpu.enqueue_dma source(%dma_start3A_465 : memref<16x1024xf32, #tpu.memory_space<vmem>>) target(%dma_start3A_461 : memref<16x1024xf32, #tpu.memory_space<hbm>>) target_semaphore(%arg15 : memref<!tpu.dma_semaphore, #tpu.memory_space<semaphore_mem>>)
    %dma_wait3A_466 = arith.constant 0 : i32
    %dma_wait3A_467 = arith.constant 0 : i32
    %dma_wait3A_468 = arith.constant 0 : i32
    %dma_wait3A_469 = tpu.memref_slice %arg6[%dma_wait3A_466, %dma_wait3A_467, %dma_wait3A_468] : memref<6x16x1024xf32, #tpu.memory_space<vmem>> -> memref<1x16x1024xf32, #tpu.memory_space<vmem>>
    %dma_wait3A_470 = tpu.memref_squeeze %dma_wait3A_469 : memref<1x16x1024xf32, #tpu.memory_space<vmem>> -> memref<16x1024xf32, #tpu.memory_space<vmem>>
    %dma_wait3A_471 = arith.constant 0 : i32
    %dma_wait3A_472 = tpu.memref_slice %arg4[%add3A_348, %dma_wait3A_471] : memref<16384x1024xf32, #tpu.memory_space<hbm>> -> memref<16x1024xf32, #tpu.memory_space<hbm>>
    %dma_wait3A_473 = arith.constant 0 : i32
    %dma_wait3A_474 = tpu.memref_slice %arg4[%add3A_348, %dma_wait3A_473] : memref<16384x1024xf32, #tpu.memory_space<hbm>> -> memref<16x1024xf32, #tpu.memory_space<hbm>>
    %dma_wait3A_475 = arith.constant 0 : i32
    %dma_wait3A_476 = arith.constant 0 : i32
    %dma_wait3A_477 = tpu.memref_slice %arg6[%dma_wait3A_466, %dma_wait3A_475, %dma_wait3A_476] : memref<6x16x1024xf32, #tpu.memory_space<vmem>> -> memref<1x16x1024xf32, #tpu.memory_space<vmem>>
    %dma_wait3A_478 = tpu.memref_squeeze %dma_wait3A_477 : memref<1x16x1024xf32, #tpu.memory_space<vmem>> -> memref<16x1024xf32, #tpu.memory_space<vmem>>
    tpu.wait_dma2 semaphore(%arg13 : memref<!tpu.dma_semaphore, #tpu.memory_space<semaphore_mem>>) src(%dma_wait3A_478 : memref<16x1024xf32, #tpu.memory_space<vmem>>) dst(%dma_wait3A_474 : memref<16x1024xf32, #tpu.memory_space<hbm>>)
    %dma_start3A_479 = arith.constant 12 : i32
    %dma_start3A_480 = arith.constant 0 : i32
    %dma_start3A_481 = arith.constant 0 : i32
    %dma_start3A_482 = arith.constant 0 : i32
    %dma_start3A_483 = tpu.memref_slice %arg6[%dma_start3A_480, %dma_start3A_481, %dma_start3A_482] : memref<6x16x1024xf32, #tpu.memory_space<vmem>> -> memref<1x16x1024xf32, #tpu.memory_space<vmem>>
    %dma_start3A_484 = tpu.memref_squeeze %dma_start3A_483 : memref<1x16x1024xf32, #tpu.memory_space<vmem>> -> memref<16x1024xf32, #tpu.memory_space<vmem>>
    %dma_start3A_485 = arith.constant 0 : i32
    %dma_start3A_486 = tpu.memref_slice %arg5[%dma_start3A_479, %dma_start3A_485] : memref<32x16xi32, #tpu.memory_space<vmem>> -> memref<1x16xi32, #tpu.memory_space<vmem>>
    %dma_start3A_487 = tpu.memref_squeeze %dma_start3A_486 : memref<1x16xi32, #tpu.memory_space<vmem>> -> memref<16xi32, #tpu.memory_space<vmem>>
    %dma_start3A_488 = arith.constant 0 : i32
    %dma_start3A_489 = arith.constant 0 : i32
    %dma_start3A_490 = tpu.memref_slice %arg2[%dma_start3A_488, %dma_start3A_489] : memref<16384x1024xf32, #tpu.memory_space<hbm>> -> memref<16384x1024xf32, #tpu.memory_space<hbm>>
    tpu.enqueue_indirect_dma source(%dma_start3A_490 : memref<16384x1024xf32, #tpu.memory_space<hbm>>) target(%dma_start3A_484 : memref<16x1024xf32, #tpu.memory_space<vmem>>) offsets(%dma_start3A_487 : memref<16xi32, #tpu.memory_space<vmem>>) semaphore(%arg7 : memref<!tpu.dma_semaphore, #tpu.memory_space<semaphore_mem>>)
    %dma_wait3A_491 = arith.constant 9 : i32
    %dma_wait3A_492 = arith.constant 3 : i32
    %dma_wait3A_493 = arith.constant 0 : i32
    %dma_wait3A_494 = arith.constant 0 : i32
    %dma_wait3A_495 = tpu.memref_slice %arg6[%dma_wait3A_492, %dma_wait3A_493, %dma_wait3A_494] : memref<6x16x1024xf32, #tpu.memory_space<vmem>> -> memref<1x16x1024xf32, #tpu.memory_space<vmem>>
    %dma_wait3A_496 = tpu.memref_squeeze %dma_wait3A_495 : memref<1x16x1024xf32, #tpu.memory_space<vmem>> -> memref<16x1024xf32, #tpu.memory_space<vmem>>
    %dma_wait3A_497 = arith.constant 0 : i32
    %dma_wait3A_498 = tpu.memref_slice %arg5[%dma_wait3A_491, %dma_wait3A_497] : memref<32x16xi32, #tpu.memory_space<vmem>> -> memref<1x16xi32, #tpu.memory_space<vmem>>
    %dma_wait3A_499 = tpu.memref_squeeze %dma_wait3A_498 : memref<1x16xi32, #tpu.memory_space<vmem>> -> memref<16xi32, #tpu.memory_space<vmem>>
    %dma_wait3A_500 = arith.constant 0 : i32
    %dma_wait3A_501 = arith.constant 0 : i32
    %dma_wait3A_502 = tpu.memref_slice %arg2[%dma_wait3A_500, %dma_wait3A_501] : memref<16384x1024xf32, #tpu.memory_space<hbm>> -> memref<16384x1024xf32, #tpu.memory_space<hbm>>
    tpu.wait_indirect_dma semaphore(%arg10 : memref<!tpu.dma_semaphore, #tpu.memory_space<semaphore_mem>>) src(%dma_wait3A_502 : memref<16384x1024xf32, #tpu.memory_space<hbm>>) dst(%dma_wait3A_496 : memref<16x1024xf32, #tpu.memory_space<vmem>>)
    %add3A_503 = arith.constant 144 : i32
    %add3A_504 = arith.addi %mul3A_2, %add3A_503 : i32
    %dma_start3A_505 = arith.constant 3 : i32
    %dma_start3A_506 = arith.constant 0 : i32
    %dma_start3A_507 = arith.constant 0 : i32
    %dma_start3A_508 = tpu.memref_slice %arg6[%dma_start3A_505, %dma_start3A_506, %dma_start3A_507] : memref<6x16x1024xf32, #tpu.memory_space<vmem>> -> memref<1x16x1024xf32, #tpu.memory_space<vmem>>
    %dma_start3A_509 = tpu.memref_squeeze %dma_start3A_508 : memref<1x16x1024xf32, #tpu.memory_space<vmem>> -> memref<16x1024xf32, #tpu.memory_space<vmem>>
    %dma_start3A_510 = arith.constant 0 : i32
    %dma_start3A_511 = tpu.memref_slice %arg4[%add3A_504, %dma_start3A_510] : memref<16384x1024xf32, #tpu.memory_space<hbm>> -> memref<16x1024xf32, #tpu.memory_space<hbm>>
    %dma_start3A_512 = arith.constant 0 : i32
    %dma_start3A_513 = tpu.memref_slice %arg4[%add3A_504, %dma_start3A_512] : memref<16384x1024xf32, #tpu.memory_space<hbm>> -> memref<16x1024xf32, #tpu.memory_space<hbm>>
    %dma_start3A_514 = arith.constant 0 : i32
    %dma_start3A_515 = arith.constant 0 : i32
    %dma_start3A_516 = tpu.memref_slice %arg6[%dma_start3A_505, %dma_start3A_514, %dma_start3A_515] : memref<6x16x1024xf32, #tpu.memory_space<vmem>> -> memref<1x16x1024xf32, #tpu.memory_space<vmem>>
    %dma_start3A_517 = tpu.memref_squeeze %dma_start3A_516 : memref<1x16x1024xf32, #tpu.memory_space<vmem>> -> memref<16x1024xf32, #tpu.memory_space<vmem>>
    tpu.enqueue_dma source(%dma_start3A_517 : memref<16x1024xf32, #tpu.memory_space<vmem>>) target(%dma_start3A_513 : memref<16x1024xf32, #tpu.memory_space<hbm>>) target_semaphore(%arg16 : memref<!tpu.dma_semaphore, #tpu.memory_space<semaphore_mem>>)
    %dma_wait3A_518 = arith.constant 1 : i32
    %dma_wait3A_519 = arith.constant 0 : i32
    %dma_wait3A_520 = arith.constant 0 : i32
    %dma_wait3A_521 = tpu.memref_slice %arg6[%dma_wait3A_518, %dma_wait3A_519, %dma_wait3A_520] : memref<6x16x1024xf32, #tpu.memory_space<vmem>> -> memref<1x16x1024xf32, #tpu.memory_space<vmem>>
    %dma_wait3A_522 = tpu.memref_squeeze %dma_wait3A_521 : memref<1x16x1024xf32, #tpu.memory_space<vmem>> -> memref<16x1024xf32, #tpu.memory_space<vmem>>
    %dma_wait3A_523 = arith.constant 0 : i32
    %dma_wait3A_524 = tpu.memref_slice %arg4[%add3A_400, %dma_wait3A_523] : memref<16384x1024xf32, #tpu.memory_space<hbm>> -> memref<16x1024xf32, #tpu.memory_space<hbm>>
    %dma_wait3A_525 = arith.constant 0 : i32
    %dma_wait3A_526 = tpu.memref_slice %arg4[%add3A_400, %dma_wait3A_525] : memref<16384x1024xf32, #tpu.memory_space<hbm>> -> memref<16x1024xf32, #tpu.memory_space<hbm>>
    %dma_wait3A_527 = arith.constant 0 : i32
    %dma_wait3A_528 = arith.constant 0 : i32
    %dma_wait3A_529 = tpu.memref_slice %arg6[%dma_wait3A_518, %dma_wait3A_527, %dma_wait3A_528] : memref<6x16x1024xf32, #tpu.memory_space<vmem>> -> memref<1x16x1024xf32, #tpu.memory_space<vmem>>
    %dma_wait3A_530 = tpu.memref_squeeze %dma_wait3A_529 : memref<1x16x1024xf32, #tpu.memory_space<vmem>> -> memref<16x1024xf32, #tpu.memory_space<vmem>>
    tpu.wait_dma2 semaphore(%arg14 : memref<!tpu.dma_semaphore, #tpu.memory_space<semaphore_mem>>) src(%dma_wait3A_530 : memref<16x1024xf32, #tpu.memory_space<vmem>>) dst(%dma_wait3A_526 : memref<16x1024xf32, #tpu.memory_space<hbm>>)
    %dma_start3A_531 = arith.constant 13 : i32
    %dma_start3A_532 = arith.constant 1 : i32
    %dma_start3A_533 = arith.constant 0 : i32
    %dma_start3A_534 = arith.constant 0 : i32
    %dma_start3A_535 = tpu.memref_slice %arg6[%dma_start3A_532, %dma_start3A_533, %dma_start3A_534] : memref<6x16x1024xf32, #tpu.memory_space<vmem>> -> memref<1x16x1024xf32, #tpu.memory_space<vmem>>
    %dma_start3A_536 = tpu.memref_squeeze %dma_start3A_535 : memref<1x16x1024xf32, #tpu.memory_space<vmem>> -> memref<16x1024xf32, #tpu.memory_space<vmem>>
    %dma_start3A_537 = arith.constant 0 : i32
    %dma_start3A_538 = tpu.memref_slice %arg5[%dma_start3A_531, %dma_start3A_537] : memref<32x16xi32, #tpu.memory_space<vmem>> -> memref<1x16xi32, #tpu.memory_space<vmem>>
    %dma_start3A_539 = tpu.memref_squeeze %dma_start3A_538 : memref<1x16xi32, #tpu.memory_space<vmem>> -> memref<16xi32, #tpu.memory_space<vmem>>
    %dma_start3A_540 = arith.constant 0 : i32
    %dma_start3A_541 = arith.constant 0 : i32
    %dma_start3A_542 = tpu.memref_slice %arg2[%dma_start3A_540, %dma_start3A_541] : memref<16384x1024xf32, #tpu.memory_space<hbm>> -> memref<16384x1024xf32, #tpu.memory_space<hbm>>
    tpu.enqueue_indirect_dma source(%dma_start3A_542 : memref<16384x1024xf32, #tpu.memory_space<hbm>>) target(%dma_start3A_536 : memref<16x1024xf32, #tpu.memory_space<vmem>>) offsets(%dma_start3A_539 : memref<16xi32, #tpu.memory_space<vmem>>) semaphore(%arg8 : memref<!tpu.dma_semaphore, #tpu.memory_space<semaphore_mem>>)
    %dma_wait3A_543 = arith.constant 10 : i32
    %dma_wait3A_544 = arith.constant 4 : i32
    %dma_wait3A_545 = arith.constant 0 : i32
    %dma_wait3A_546 = arith.constant 0 : i32
    %dma_wait3A_547 = tpu.memref_slice %arg6[%dma_wait3A_544, %dma_wait3A_545, %dma_wait3A_546] : memref<6x16x1024xf32, #tpu.memory_space<vmem>> -> memref<1x16x1024xf32, #tpu.memory_space<vmem>>
    %dma_wait3A_548 = tpu.memref_squeeze %dma_wait3A_547 : memref<1x16x1024xf32, #tpu.memory_space<vmem>> -> memref<16x1024xf32, #tpu.memory_space<vmem>>
    %dma_wait3A_549 = arith.constant 0 : i32
    %dma_wait3A_550 = tpu.memref_slice %arg5[%dma_wait3A_543, %dma_wait3A_549] : memref<32x16xi32, #tpu.memory_space<vmem>> -> memref<1x16xi32, #tpu.memory_space<vmem>>
    %dma_wait3A_551 = tpu.memref_squeeze %dma_wait3A_550 : memref<1x16xi32, #tpu.memory_space<vmem>> -> memref<16xi32, #tpu.memory_space<vmem>>
    %dma_wait3A_552 = arith.constant 0 : i32
    %dma_wait3A_553 = arith.constant 0 : i32
    %dma_wait3A_554 = tpu.memref_slice %arg2[%dma_wait3A_552, %dma_wait3A_553] : memref<16384x1024xf32, #tpu.memory_space<hbm>> -> memref<16384x1024xf32, #tpu.memory_space<hbm>>
    tpu.wait_indirect_dma semaphore(%arg11 : memref<!tpu.dma_semaphore, #tpu.memory_space<semaphore_mem>>) src(%dma_wait3A_554 : memref<16384x1024xf32, #tpu.memory_space<hbm>>) dst(%dma_wait3A_548 : memref<16x1024xf32, #tpu.memory_space<vmem>>)
    %add3A_555 = arith.constant 160 : i32
    %add3A_556 = arith.addi %mul3A_2, %add3A_555 : i32
    %dma_start3A_557 = arith.constant 4 : i32
    %dma_start3A_558 = arith.constant 0 : i32
    %dma_start3A_559 = arith.constant 0 : i32
    %dma_start3A_560 = tpu.memref_slice %arg6[%dma_start3A_557, %dma_start3A_558, %dma_start3A_559] : memref<6x16x1024xf32, #tpu.memory_space<vmem>> -> memref<1x16x1024xf32, #tpu.memory_space<vmem>>
    %dma_start3A_561 = tpu.memref_squeeze %dma_start3A_560 : memref<1x16x1024xf32, #tpu.memory_space<vmem>> -> memref<16x1024xf32, #tpu.memory_space<vmem>>
    %dma_start3A_562 = arith.constant 0 : i32
    %dma_start3A_563 = tpu.memref_slice %arg4[%add3A_556, %dma_start3A_562] : memref<16384x1024xf32, #tpu.memory_space<hbm>> -> memref<16x1024xf32, #tpu.memory_space<hbm>>
    %dma_start3A_564 = arith.constant 0 : i32
    %dma_start3A_565 = tpu.memref_slice %arg4[%add3A_556, %dma_start3A_564] : memref<16384x1024xf32, #tpu.memory_space<hbm>> -> memref<16x1024xf32, #tpu.memory_space<hbm>>
    %dma_start3A_566 = arith.constant 0 : i32
    %dma_start3A_567 = arith.constant 0 : i32
    %dma_start3A_568 = tpu.memref_slice %arg6[%dma_start3A_557, %dma_start3A_566, %dma_start3A_567] : memref<6x16x1024xf32, #tpu.memory_space<vmem>> -> memref<1x16x1024xf32, #tpu.memory_space<vmem>>
    %dma_start3A_569 = tpu.memref_squeeze %dma_start3A_568 : memref<1x16x1024xf32, #tpu.memory_space<vmem>> -> memref<16x1024xf32, #tpu.memory_space<vmem>>
    tpu.enqueue_dma source(%dma_start3A_569 : memref<16x1024xf32, #tpu.memory_space<vmem>>) target(%dma_start3A_565 : memref<16x1024xf32, #tpu.memory_space<hbm>>) target_semaphore(%arg17 : memref<!tpu.dma_semaphore, #tpu.memory_space<semaphore_mem>>)
    %dma_wait3A_570 = arith.constant 2 : i32
    %dma_wait3A_571 = arith.constant 0 : i32
    %dma_wait3A_572 = arith.constant 0 : i32
    %dma_wait3A_573 = tpu.memref_slice %arg6[%dma_wait3A_570, %dma_wait3A_571, %dma_wait3A_572] : memref<6x16x1024xf32, #tpu.memory_space<vmem>> -> memref<1x16x1024xf32, #tpu.memory_space<vmem>>
    %dma_wait3A_574 = tpu.memref_squeeze %dma_wait3A_573 : memref<1x16x1024xf32, #tpu.memory_space<vmem>> -> memref<16x1024xf32, #tpu.memory_space<vmem>>
    %dma_wait3A_575 = arith.constant 0 : i32
    %dma_wait3A_576 = tpu.memref_slice %arg4[%add3A_452, %dma_wait3A_575] : memref<16384x1024xf32, #tpu.memory_space<hbm>> -> memref<16x1024xf32, #tpu.memory_space<hbm>>
    %dma_wait3A_577 = arith.constant 0 : i32
    %dma_wait3A_578 = tpu.memref_slice %arg4[%add3A_452, %dma_wait3A_577] : memref<16384x1024xf32, #tpu.memory_space<hbm>> -> memref<16x1024xf32, #tpu.memory_space<hbm>>
    %dma_wait3A_579 = arith.constant 0 : i32
    %dma_wait3A_580 = arith.constant 0 : i32
    %dma_wait3A_581 = tpu.memref_slice %arg6[%dma_wait3A_570, %dma_wait3A_579, %dma_wait3A_580] : memref<6x16x1024xf32, #tpu.memory_space<vmem>> -> memref<1x16x1024xf32, #tpu.memory_space<vmem>>
    %dma_wait3A_582 = tpu.memref_squeeze %dma_wait3A_581 : memref<1x16x1024xf32, #tpu.memory_space<vmem>> -> memref<16x1024xf32, #tpu.memory_space<vmem>>
    tpu.wait_dma2 semaphore(%arg15 : memref<!tpu.dma_semaphore, #tpu.memory_space<semaphore_mem>>) src(%dma_wait3A_582 : memref<16x1024xf32, #tpu.memory_space<vmem>>) dst(%dma_wait3A_578 : memref<16x1024xf32, #tpu.memory_space<hbm>>)
    %dma_start3A_583 = arith.constant 14 : i32
    %dma_start3A_584 = arith.constant 2 : i32
    %dma_start3A_585 = arith.constant 0 : i32
    %dma_start3A_586 = arith.constant 0 : i32
    %dma_start3A_587 = tpu.memref_slice %arg6[%dma_start3A_584, %dma_start3A_585, %dma_start3A_586] : memref<6x16x1024xf32, #tpu.memory_space<vmem>> -> memref<1x16x1024xf32, #tpu.memory_space<vmem>>
    %dma_start3A_588 = tpu.memref_squeeze %dma_start3A_587 : memref<1x16x1024xf32, #tpu.memory_space<vmem>> -> memref<16x1024xf32, #tpu.memory_space<vmem>>
    %dma_start3A_589 = arith.constant 0 : i32
    %dma_start3A_590 = tpu.memref_slice %arg5[%dma_start3A_583, %dma_start3A_589] : memref<32x16xi32, #tpu.memory_space<vmem>> -> memref<1x16xi32, #tpu.memory_space<vmem>>
    %dma_start3A_591 = tpu.memref_squeeze %dma_start3A_590 : memref<1x16xi32, #tpu.memory_space<vmem>> -> memref<16xi32, #tpu.memory_space<vmem>>
    %dma_start3A_592 = arith.constant 0 : i32
    %dma_start3A_593 = arith.constant 0 : i32
    %dma_start3A_594 = tpu.memref_slice %arg2[%dma_start3A_592, %dma_start3A_593] : memref<16384x1024xf32, #tpu.memory_space<hbm>> -> memref<16384x1024xf32, #tpu.memory_space<hbm>>
    tpu.enqueue_indirect_dma source(%dma_start3A_594 : memref<16384x1024xf32, #tpu.memory_space<hbm>>) target(%dma_start3A_588 : memref<16x1024xf32, #tpu.memory_space<vmem>>) offsets(%dma_start3A_591 : memref<16xi32, #tpu.memory_space<vmem>>) semaphore(%arg9 : memref<!tpu.dma_semaphore, #tpu.memory_space<semaphore_mem>>)
    %dma_wait3A_595 = arith.constant 11 : i32
    %dma_wait3A_596 = arith.constant 5 : i32
    %dma_wait3A_597 = arith.constant 0 : i32
    %dma_wait3A_598 = arith.constant 0 : i32
    %dma_wait3A_599 = tpu.memref_slice %arg6[%dma_wait3A_596, %dma_wait3A_597, %dma_wait3A_598] : memref<6x16x1024xf32, #tpu.memory_space<vmem>> -> memref<1x16x1024xf32, #tpu.memory_space<vmem>>
    %dma_wait3A_600 = tpu.memref_squeeze %dma_wait3A_599 : memref<1x16x1024xf32, #tpu.memory_space<vmem>> -> memref<16x1024xf32, #tpu.memory_space<vmem>>
    %dma_wait3A_601 = arith.constant 0 : i32
    %dma_wait3A_602 = tpu.memref_slice %arg5[%dma_wait3A_595, %dma_wait3A_601] : memref<32x16xi32, #tpu.memory_space<vmem>> -> memref<1x16xi32, #tpu.memory_space<vmem>>
    %dma_wait3A_603 = tpu.memref_squeeze %dma_wait3A_602 : memref<1x16xi32, #tpu.memory_space<vmem>> -> memref<16xi32, #tpu.memory_space<vmem>>
    %dma_wait3A_604 = arith.constant 0 : i32
    %dma_wait3A_605 = arith.constant 0 : i32
    %dma_wait3A_606 = tpu.memref_slice %arg2[%dma_wait3A_604, %dma_wait3A_605] : memref<16384x1024xf32, #tpu.memory_space<hbm>> -> memref<16384x1024xf32, #tpu.memory_space<hbm>>
    tpu.wait_indirect_dma semaphore(%arg12 : memref<!tpu.dma_semaphore, #tpu.memory_space<semaphore_mem>>) src(%dma_wait3A_606 : memref<16384x1024xf32, #tpu.memory_space<hbm>>) dst(%dma_wait3A_600 : memref<16x1024xf32, #tpu.memory_space<vmem>>)
    %add3A_607 = arith.constant 176 : i32
    %add3A_608 = arith.addi %mul3A_2, %add3A_607 : i32
    %dma_start3A_609 = arith.constant 5 : i32
    %dma_start3A_610 = arith.constant 0 : i32
    %dma_start3A_611 = arith.constant 0 : i32
    %dma_start3A_612 = tpu.memref_slice %arg6[%dma_start3A_609, %dma_start3A_610, %dma_start3A_611] : memref<6x16x1024xf32, #tpu.memory_space<vmem>> -> memref<1x16x1024xf32, #tpu.memory_space<vmem>>
    %dma_start3A_613 = tpu.memref_squeeze %dma_start3A_612 : memref<1x16x1024xf32, #tpu.memory_space<vmem>> -> memref<16x1024xf32, #tpu.memory_space<vmem>>
    %dma_start3A_614 = arith.constant 0 : i32
    %dma_start3A_615 = tpu.memref_slice %arg4[%add3A_608, %dma_start3A_614] : memref<16384x1024xf32, #tpu.memory_space<hbm>> -> memref<16x1024xf32, #tpu.memory_space<hbm>>
    %dma_start3A_616 = arith.constant 0 : i32
    %dma_start3A_617 = tpu.memref_slice %arg4[%add3A_608, %dma_start3A_616] : memref<16384x1024xf32, #tpu.memory_space<hbm>> -> memref<16x1024xf32, #tpu.memory_space<hbm>>
    %dma_start3A_618 = arith.constant 0 : i32
    %dma_start3A_619 = arith.constant 0 : i32
    %dma_start3A_620 = tpu.memref_slice %arg6[%dma_start3A_609, %dma_start3A_618, %dma_start3A_619] : memref<6x16x1024xf32, #tpu.memory_space<vmem>> -> memref<1x16x1024xf32, #tpu.memory_space<vmem>>
    %dma_start3A_621 = tpu.memref_squeeze %dma_start3A_620 : memref<1x16x1024xf32, #tpu.memory_space<vmem>> -> memref<16x1024xf32, #tpu.memory_space<vmem>>
    tpu.enqueue_dma source(%dma_start3A_621 : memref<16x1024xf32, #tpu.memory_space<vmem>>) target(%dma_start3A_617 : memref<16x1024xf32, #tpu.memory_space<hbm>>) target_semaphore(%arg18 : memref<!tpu.dma_semaphore, #tpu.memory_space<semaphore_mem>>)
    %dma_wait3A_622 = arith.constant 3 : i32
    %dma_wait3A_623 = arith.constant 0 : i32
    %dma_wait3A_624 = arith.constant 0 : i32
    %dma_wait3A_625 = tpu.memref_slice %arg6[%dma_wait3A_622, %dma_wait3A_623, %dma_wait3A_624] : memref<6x16x1024xf32, #tpu.memory_space<vmem>> -> memref<1x16x1024xf32, #tpu.memory_space<vmem>>
    %dma_wait3A_626 = tpu.memref_squeeze %dma_wait3A_625 : memref<1x16x1024xf32, #tpu.memory_space<vmem>> -> memref<16x1024xf32, #tpu.memory_space<vmem>>
    %dma_wait3A_627 = arith.constant 0 : i32
    %dma_wait3A_628 = tpu.memref_slice %arg4[%add3A_504, %dma_wait3A_627] : memref<16384x1024xf32, #tpu.memory_space<hbm>> -> memref<16x1024xf32, #tpu.memory_space<hbm>>
    %dma_wait3A_629 = arith.constant 0 : i32
    %dma_wait3A_630 = tpu.memref_slice %arg4[%add3A_504, %dma_wait3A_629] : memref<16384x1024xf32, #tpu.memory_space<hbm>> -> memref<16x1024xf32, #tpu.memory_space<hbm>>
    %dma_wait3A_631 = arith.constant 0 : i32
    %dma_wait3A_632 = arith.constant 0 : i32
    %dma_wait3A_633 = tpu.memref_slice %arg6[%dma_wait3A_622, %dma_wait3A_631, %dma_wait3A_632] : memref<6x16x1024xf32, #tpu.memory_space<vmem>> -> memref<1x16x1024xf32, #tpu.memory_space<vmem>>
    %dma_wait3A_634 = tpu.memref_squeeze %dma_wait3A_633 : memref<1x16x1024xf32, #tpu.memory_space<vmem>> -> memref<16x1024xf32, #tpu.memory_space<vmem>>
    tpu.wait_dma2 semaphore(%arg16 : memref<!tpu.dma_semaphore, #tpu.memory_space<semaphore_mem>>) src(%dma_wait3A_634 : memref<16x1024xf32, #tpu.memory_space<vmem>>) dst(%dma_wait3A_630 : memref<16x1024xf32, #tpu.memory_space<hbm>>)
    %dma_start3A_635 = arith.constant 15 : i32
    %dma_start3A_636 = arith.constant 3 : i32
    %dma_start3A_637 = arith.constant 0 : i32
    %dma_start3A_638 = arith.constant 0 : i32
    %dma_start3A_639 = tpu.memref_slice %arg6[%dma_start3A_636, %dma_start3A_637, %dma_start3A_638] : memref<6x16x1024xf32, #tpu.memory_space<vmem>> -> memref<1x16x1024xf32, #tpu.memory_space<vmem>>
    %dma_start3A_640 = tpu.memref_squeeze %dma_start3A_639 : memref<1x16x1024xf32, #tpu.memory_space<vmem>> -> memref<16x1024xf32, #tpu.memory_space<vmem>>
    %dma_start3A_641 = arith.constant 0 : i32
    %dma_start3A_642 = tpu.memref_slice %arg5[%dma_start3A_635, %dma_start3A_641] : memref<32x16xi32, #tpu.memory_space<vmem>> -> memref<1x16xi32, #tpu.memory_space<vmem>>
    %dma_start3A_643 = tpu.memref_squeeze %dma_start3A_642 : memref<1x16xi32, #tpu.memory_space<vmem>> -> memref<16xi32, #tpu.memory_space<vmem>>
    %dma_start3A_644 = arith.constant 0 : i32
    %dma_start3A_645 = arith.constant 0 : i32
    %dma_start3A_646 = tpu.memref_slice %arg2[%dma_start3A_644, %dma_start3A_645] : memref<16384x1024xf32, #tpu.memory_space<hbm>> -> memref<16384x1024xf32, #tpu.memory_space<hbm>>
    tpu.enqueue_indirect_dma source(%dma_start3A_646 : memref<16384x1024xf32, #tpu.memory_space<hbm>>) target(%dma_start3A_640 : memref<16x1024xf32, #tpu.memory_space<vmem>>) offsets(%dma_start3A_643 : memref<16xi32, #tpu.memory_space<vmem>>) semaphore(%arg10 : memref<!tpu.dma_semaphore, #tpu.memory_space<semaphore_mem>>)
    %dma_wait3A_647 = arith.constant 12 : i32
    %dma_wait3A_648 = arith.constant 0 : i32
    %dma_wait3A_649 = arith.constant 0 : i32
    %dma_wait3A_650 = arith.constant 0 : i32
    %dma_wait3A_651 = tpu.memref_slice %arg6[%dma_wait3A_648, %dma_wait3A_649, %dma_wait3A_650] : memref<6x16x1024xf32, #tpu.memory_space<vmem>> -> memref<1x16x1024xf32, #tpu.memory_space<vmem>>
    %dma_wait3A_652 = tpu.memref_squeeze %dma_wait3A_651 : memref<1x16x1024xf32, #tpu.memory_space<vmem>> -> memref<16x1024xf32, #tpu.memory_space<vmem>>
    %dma_wait3A_653 = arith.constant 0 : i32
    %dma_wait3A_654 = tpu.memref_slice %arg5[%dma_wait3A_647, %dma_wait3A_653] : memref<32x16xi32, #tpu.memory_space<vmem>> -> memref<1x16xi32, #tpu.memory_space<vmem>>
    %dma_wait3A_655 = tpu.memref_squeeze %dma_wait3A_654 : memref<1x16xi32, #tpu.memory_space<vmem>> -> memref<16xi32, #tpu.memory_space<vmem>>
    %dma_wait3A_656 = arith.constant 0 : i32
    %dma_wait3A_657 = arith.constant 0 : i32
    %dma_wait3A_658 = tpu.memref_slice %arg2[%dma_wait3A_656, %dma_wait3A_657] : memref<16384x1024xf32, #tpu.memory_space<hbm>> -> memref<16384x1024xf32, #tpu.memory_space<hbm>>
    tpu.wait_indirect_dma semaphore(%arg7 : memref<!tpu.dma_semaphore, #tpu.memory_space<semaphore_mem>>) src(%dma_wait3A_658 : memref<16384x1024xf32, #tpu.memory_space<hbm>>) dst(%dma_wait3A_652 : memref<16x1024xf32, #tpu.memory_space<vmem>>)
    %add3A_659 = arith.constant 192 : i32
    %add3A_660 = arith.addi %mul3A_2, %add3A_659 : i32
    %dma_start3A_661 = arith.constant 0 : i32
    %dma_start3A_662 = arith.constant 0 : i32
    %dma_start3A_663 = arith.constant 0 : i32
    %dma_start3A_664 = tpu.memref_slice %arg6[%dma_start3A_661, %dma_start3A_662, %dma_start3A_663] : memref<6x16x1024xf32, #tpu.memory_space<vmem>> -> memref<1x16x1024xf32, #tpu.memory_space<vmem>>
    %dma_start3A_665 = tpu.memref_squeeze %dma_start3A_664 : memref<1x16x1024xf32, #tpu.memory_space<vmem>> -> memref<16x1024xf32, #tpu.memory_space<vmem>>
    %dma_start3A_666 = arith.constant 0 : i32
    %dma_start3A_667 = tpu.memref_slice %arg4[%add3A_660, %dma_start3A_666] : memref<16384x1024xf32, #tpu.memory_space<hbm>> -> memref<16x1024xf32, #tpu.memory_space<hbm>>
    %dma_start3A_668 = arith.constant 0 : i32
    %dma_start3A_669 = tpu.memref_slice %arg4[%add3A_660, %dma_start3A_668] : memref<16384x1024xf32, #tpu.memory_space<hbm>> -> memref<16x1024xf32, #tpu.memory_space<hbm>>
    %dma_start3A_670 = arith.constant 0 : i32
    %dma_start3A_671 = arith.constant 0 : i32
    %dma_start3A_672 = tpu.memref_slice %arg6[%dma_start3A_661, %dma_start3A_670, %dma_start3A_671] : memref<6x16x1024xf32, #tpu.memory_space<vmem>> -> memref<1x16x1024xf32, #tpu.memory_space<vmem>>
    %dma_start3A_673 = tpu.memref_squeeze %dma_start3A_672 : memref<1x16x1024xf32, #tpu.memory_space<vmem>> -> memref<16x1024xf32, #tpu.memory_space<vmem>>
    tpu.enqueue_dma source(%dma_start3A_673 : memref<16x1024xf32, #tpu.memory_space<vmem>>) target(%dma_start3A_669 : memref<16x1024xf32, #tpu.memory_space<hbm>>) target_semaphore(%arg13 : memref<!tpu.dma_semaphore, #tpu.memory_space<semaphore_mem>>)
    %dma_wait3A_674 = arith.constant 4 : i32
    %dma_wait3A_675 = arith.constant 0 : i32
    %dma_wait3A_676 = arith.constant 0 : i32
    %dma_wait3A_677 = tpu.memref_slice %arg6[%dma_wait3A_674, %dma_wait3A_675, %dma_wait3A_676] : memref<6x16x1024xf32, #tpu.memory_space<vmem>> -> memref<1x16x1024xf32, #tpu.memory_space<vmem>>
    %dma_wait3A_678 = tpu.memref_squeeze %dma_wait3A_677 : memref<1x16x1024xf32, #tpu.memory_space<vmem>> -> memref<16x1024xf32, #tpu.memory_space<vmem>>
    %dma_wait3A_679 = arith.constant 0 : i32
    %dma_wait3A_680 = tpu.memref_slice %arg4[%add3A_556, %dma_wait3A_679] : memref<16384x1024xf32, #tpu.memory_space<hbm>> -> memref<16x1024xf32, #tpu.memory_space<hbm>>
    %dma_wait3A_681 = arith.constant 0 : i32
    %dma_wait3A_682 = tpu.memref_slice %arg4[%add3A_556, %dma_wait3A_681] : memref<16384x1024xf32, #tpu.memory_space<hbm>> -> memref<16x1024xf32, #tpu.memory_space<hbm>>
    %dma_wait3A_683 = arith.constant 0 : i32
    %dma_wait3A_684 = arith.constant 0 : i32
    %dma_wait3A_685 = tpu.memref_slice %arg6[%dma_wait3A_674, %dma_wait3A_683, %dma_wait3A_684] : memref<6x16x1024xf32, #tpu.memory_space<vmem>> -> memref<1x16x1024xf32, #tpu.memory_space<vmem>>
    %dma_wait3A_686 = tpu.memref_squeeze %dma_wait3A_685 : memref<1x16x1024xf32, #tpu.memory_space<vmem>> -> memref<16x1024xf32, #tpu.memory_space<vmem>>
    tpu.wait_dma2 semaphore(%arg17 : memref<!tpu.dma_semaphore, #tpu.memory_space<semaphore_mem>>) src(%dma_wait3A_686 : memref<16x1024xf32, #tpu.memory_space<vmem>>) dst(%dma_wait3A_682 : memref<16x1024xf32, #tpu.memory_space<hbm>>)
    %dma_start3A_687 = arith.constant 16 : i32
    %dma_start3A_688 = arith.constant 4 : i32
    %dma_start3A_689 = arith.constant 0 : i32
    %dma_start3A_690 = arith.constant 0 : i32
    %dma_start3A_691 = tpu.memref_slice %arg6[%dma_start3A_688, %dma_start3A_689, %dma_start3A_690] : memref<6x16x1024xf32, #tpu.memory_space<vmem>> -> memref<1x16x1024xf32, #tpu.memory_space<vmem>>
    %dma_start3A_692 = tpu.memref_squeeze %dma_start3A_691 : memref<1x16x1024xf32, #tpu.memory_space<vmem>> -> memref<16x1024xf32, #tpu.memory_space<vmem>>
    %dma_start3A_693 = arith.constant 0 : i32
    %dma_start3A_694 = tpu.memref_slice %arg5[%dma_start3A_687, %dma_start3A_693] : memref<32x16xi32, #tpu.memory_space<vmem>> -> memref<1x16xi32, #tpu.memory_space<vmem>>
    %dma_start3A_695 = tpu.memref_squeeze %dma_start3A_694 : memref<1x16xi32, #tpu.memory_space<vmem>> -> memref<16xi32, #tpu.memory_space<vmem>>
    %dma_start3A_696 = arith.constant 0 : i32
    %dma_start3A_697 = arith.constant 0 : i32
    %dma_start3A_698 = tpu.memref_slice %arg2[%dma_start3A_696, %dma_start3A_697] : memref<16384x1024xf32, #tpu.memory_space<hbm>> -> memref<16384x1024xf32, #tpu.memory_space<hbm>>
    tpu.enqueue_indirect_dma source(%dma_start3A_698 : memref<16384x1024xf32, #tpu.memory_space<hbm>>) target(%dma_start3A_692 : memref<16x1024xf32, #tpu.memory_space<vmem>>) offsets(%dma_start3A_695 : memref<16xi32, #tpu.memory_space<vmem>>) semaphore(%arg11 : memref<!tpu.dma_semaphore, #tpu.memory_space<semaphore_mem>>)
    %dma_wait3A_699 = arith.constant 13 : i32
    %dma_wait3A_700 = arith.constant 1 : i32
    %dma_wait3A_701 = arith.constant 0 : i32
    %dma_wait3A_702 = arith.constant 0 : i32
    %dma_wait3A_703 = tpu.memref_slice %arg6[%dma_wait3A_700, %dma_wait3A_701, %dma_wait3A_702] : memref<6x16x1024xf32, #tpu.memory_space<vmem>> -> memref<1x16x1024xf32, #tpu.memory_space<vmem>>
    %dma_wait3A_704 = tpu.memref_squeeze %dma_wait3A_703 : memref<1x16x1024xf32, #tpu.memory_space<vmem>> -> memref<16x1024xf32, #tpu.memory_space<vmem>>
    %dma_wait3A_705 = arith.constant 0 : i32
    %dma_wait3A_706 = tpu.memref_slice %arg5[%dma_wait3A_699, %dma_wait3A_705] : memref<32x16xi32, #tpu.memory_space<vmem>> -> memref<1x16xi32, #tpu.memory_space<vmem>>
    %dma_wait3A_707 = tpu.memref_squeeze %dma_wait3A_706 : memref<1x16xi32, #tpu.memory_space<vmem>> -> memref<16xi32, #tpu.memory_space<vmem>>
    %dma_wait3A_708 = arith.constant 0 : i32
    %dma_wait3A_709 = arith.constant 0 : i32
    %dma_wait3A_710 = tpu.memref_slice %arg2[%dma_wait3A_708, %dma_wait3A_709] : memref<16384x1024xf32, #tpu.memory_space<hbm>> -> memref<16384x1024xf32, #tpu.memory_space<hbm>>
    tpu.wait_indirect_dma semaphore(%arg8 : memref<!tpu.dma_semaphore, #tpu.memory_space<semaphore_mem>>) src(%dma_wait3A_710 : memref<16384x1024xf32, #tpu.memory_space<hbm>>) dst(%dma_wait3A_704 : memref<16x1024xf32, #tpu.memory_space<vmem>>)
    %add3A_711 = arith.constant 208 : i32
    %add3A_712 = arith.addi %mul3A_2, %add3A_711 : i32
    %dma_start3A_713 = arith.constant 1 : i32
    %dma_start3A_714 = arith.constant 0 : i32
    %dma_start3A_715 = arith.constant 0 : i32
    %dma_start3A_716 = tpu.memref_slice %arg6[%dma_start3A_713, %dma_start3A_714, %dma_start3A_715] : memref<6x16x1024xf32, #tpu.memory_space<vmem>> -> memref<1x16x1024xf32, #tpu.memory_space<vmem>>
    %dma_start3A_717 = tpu.memref_squeeze %dma_start3A_716 : memref<1x16x1024xf32, #tpu.memory_space<vmem>> -> memref<16x1024xf32, #tpu.memory_space<vmem>>
    %dma_start3A_718 = arith.constant 0 : i32
    %dma_start3A_719 = tpu.memref_slice %arg4[%add3A_712, %dma_start3A_718] : memref<16384x1024xf32, #tpu.memory_space<hbm>> -> memref<16x1024xf32, #tpu.memory_space<hbm>>
    %dma_start3A_720 = arith.constant 0 : i32
    %dma_start3A_721 = tpu.memref_slice %arg4[%add3A_712, %dma_start3A_720] : memref<16384x1024xf32, #tpu.memory_space<hbm>> -> memref<16x1024xf32, #tpu.memory_space<hbm>>
    %dma_start3A_722 = arith.constant 0 : i32
    %dma_start3A_723 = arith.constant 0 : i32
    %dma_start3A_724 = tpu.memref_slice %arg6[%dma_start3A_713, %dma_start3A_722, %dma_start3A_723] : memref<6x16x1024xf32, #tpu.memory_space<vmem>> -> memref<1x16x1024xf32, #tpu.memory_space<vmem>>
    %dma_start3A_725 = tpu.memref_squeeze %dma_start3A_724 : memref<1x16x1024xf32, #tpu.memory_space<vmem>> -> memref<16x1024xf32, #tpu.memory_space<vmem>>
    tpu.enqueue_dma source(%dma_start3A_725 : memref<16x1024xf32, #tpu.memory_space<vmem>>) target(%dma_start3A_721 : memref<16x1024xf32, #tpu.memory_space<hbm>>) target_semaphore(%arg14 : memref<!tpu.dma_semaphore, #tpu.memory_space<semaphore_mem>>)
    %dma_wait3A_726 = arith.constant 5 : i32
    %dma_wait3A_727 = arith.constant 0 : i32
    %dma_wait3A_728 = arith.constant 0 : i32
    %dma_wait3A_729 = tpu.memref_slice %arg6[%dma_wait3A_726, %dma_wait3A_727, %dma_wait3A_728] : memref<6x16x1024xf32, #tpu.memory_space<vmem>> -> memref<1x16x1024xf32, #tpu.memory_space<vmem>>
    %dma_wait3A_730 = tpu.memref_squeeze %dma_wait3A_729 : memref<1x16x1024xf32, #tpu.memory_space<vmem>> -> memref<16x1024xf32, #tpu.memory_space<vmem>>
    %dma_wait3A_731 = arith.constant 0 : i32
    %dma_wait3A_732 = tpu.memref_slice %arg4[%add3A_608, %dma_wait3A_731] : memref<16384x1024xf32, #tpu.memory_space<hbm>> -> memref<16x1024xf32, #tpu.memory_space<hbm>>
    %dma_wait3A_733 = arith.constant 0 : i32
    %dma_wait3A_734 = tpu.memref_slice %arg4[%add3A_608, %dma_wait3A_733] : memref<16384x1024xf32, #tpu.memory_space<hbm>> -> memref<16x1024xf32, #tpu.memory_space<hbm>>
    %dma_wait3A_735 = arith.constant 0 : i32
    %dma_wait3A_736 = arith.constant 0 : i32
    %dma_wait3A_737 = tpu.memref_slice %arg6[%dma_wait3A_726, %dma_wait3A_735, %dma_wait3A_736] : memref<6x16x1024xf32, #tpu.memory_space<vmem>> -> memref<1x16x1024xf32, #tpu.memory_space<vmem>>
    %dma_wait3A_738 = tpu.memref_squeeze %dma_wait3A_737 : memref<1x16x1024xf32, #tpu.memory_space<vmem>> -> memref<16x1024xf32, #tpu.memory_space<vmem>>
    tpu.wait_dma2 semaphore(%arg18 : memref<!tpu.dma_semaphore, #tpu.memory_space<semaphore_mem>>) src(%dma_wait3A_738 : memref<16x1024xf32, #tpu.memory_space<vmem>>) dst(%dma_wait3A_734 : memref<16x1024xf32, #tpu.memory_space<hbm>>)
    %dma_start3A_739 = arith.constant 17 : i32
    %dma_start3A_740 = arith.constant 5 : i32
    %dma_start3A_741 = arith.constant 0 : i32
    %dma_start3A_742 = arith.constant 0 : i32
    %dma_start3A_743 = tpu.memref_slice %arg6[%dma_start3A_740, %dma_start3A_741, %dma_start3A_742] : memref<6x16x1024xf32, #tpu.memory_space<vmem>> -> memref<1x16x1024xf32, #tpu.memory_space<vmem>>
    %dma_start3A_744 = tpu.memref_squeeze %dma_start3A_743 : memref<1x16x1024xf32, #tpu.memory_space<vmem>> -> memref<16x1024xf32, #tpu.memory_space<vmem>>
    %dma_start3A_745 = arith.constant 0 : i32
    %dma_start3A_746 = tpu.memref_slice %arg5[%dma_start3A_739, %dma_start3A_745] : memref<32x16xi32, #tpu.memory_space<vmem>> -> memref<1x16xi32, #tpu.memory_space<vmem>>
    %dma_start3A_747 = tpu.memref_squeeze %dma_start3A_746 : memref<1x16xi32, #tpu.memory_space<vmem>> -> memref<16xi32, #tpu.memory_space<vmem>>
    %dma_start3A_748 = arith.constant 0 : i32
    %dma_start3A_749 = arith.constant 0 : i32
    %dma_start3A_750 = tpu.memref_slice %arg2[%dma_start3A_748, %dma_start3A_749] : memref<16384x1024xf32, #tpu.memory_space<hbm>> -> memref<16384x1024xf32, #tpu.memory_space<hbm>>
    tpu.enqueue_indirect_dma source(%dma_start3A_750 : memref<16384x1024xf32, #tpu.memory_space<hbm>>) target(%dma_start3A_744 : memref<16x1024xf32, #tpu.memory_space<vmem>>) offsets(%dma_start3A_747 : memref<16xi32, #tpu.memory_space<vmem>>) semaphore(%arg12 : memref<!tpu.dma_semaphore, #tpu.memory_space<semaphore_mem>>)
    %dma_wait3A_751 = arith.constant 14 : i32
    %dma_wait3A_752 = arith.constant 2 : i32
    %dma_wait3A_753 = arith.constant 0 : i32
    %dma_wait3A_754 = arith.constant 0 : i32
    %dma_wait3A_755 = tpu.memref_slice %arg6[%dma_wait3A_752, %dma_wait3A_753, %dma_wait3A_754] : memref<6x16x1024xf32, #tpu.memory_space<vmem>> -> memref<1x16x1024xf32, #tpu.memory_space<vmem>>
    %dma_wait3A_756 = tpu.memref_squeeze %dma_wait3A_755 : memref<1x16x1024xf32, #tpu.memory_space<vmem>> -> memref<16x1024xf32, #tpu.memory_space<vmem>>
    %dma_wait3A_757 = arith.constant 0 : i32
    %dma_wait3A_758 = tpu.memref_slice %arg5[%dma_wait3A_751, %dma_wait3A_757] : memref<32x16xi32, #tpu.memory_space<vmem>> -> memref<1x16xi32, #tpu.memory_space<vmem>>
    %dma_wait3A_759 = tpu.memref_squeeze %dma_wait3A_758 : memref<1x16xi32, #tpu.memory_space<vmem>> -> memref<16xi32, #tpu.memory_space<vmem>>
    %dma_wait3A_760 = arith.constant 0 : i32
    %dma_wait3A_761 = arith.constant 0 : i32
    %dma_wait3A_762 = tpu.memref_slice %arg2[%dma_wait3A_760, %dma_wait3A_761] : memref<16384x1024xf32, #tpu.memory_space<hbm>> -> memref<16384x1024xf32, #tpu.memory_space<hbm>>
    tpu.wait_indirect_dma semaphore(%arg9 : memref<!tpu.dma_semaphore, #tpu.memory_space<semaphore_mem>>) src(%dma_wait3A_762 : memref<16384x1024xf32, #tpu.memory_space<hbm>>) dst(%dma_wait3A_756 : memref<16x1024xf32, #tpu.memory_space<vmem>>)
    %add3A_763 = arith.constant 224 : i32
    %add3A_764 = arith.addi %mul3A_2, %add3A_763 : i32
    %dma_start3A_765 = arith.constant 2 : i32
    %dma_start3A_766 = arith.constant 0 : i32
    %dma_start3A_767 = arith.constant 0 : i32
    %dma_start3A_768 = tpu.memref_slice %arg6[%dma_start3A_765, %dma_start3A_766, %dma_start3A_767] : memref<6x16x1024xf32, #tpu.memory_space<vmem>> -> memref<1x16x1024xf32, #tpu.memory_space<vmem>>
    %dma_start3A_769 = tpu.memref_squeeze %dma_start3A_768 : memref<1x16x1024xf32, #tpu.memory_space<vmem>> -> memref<16x1024xf32, #tpu.memory_space<vmem>>
    %dma_start3A_770 = arith.constant 0 : i32
    %dma_start3A_771 = tpu.memref_slice %arg4[%add3A_764, %dma_start3A_770] : memref<16384x1024xf32, #tpu.memory_space<hbm>> -> memref<16x1024xf32, #tpu.memory_space<hbm>>
    %dma_start3A_772 = arith.constant 0 : i32
    %dma_start3A_773 = tpu.memref_slice %arg4[%add3A_764, %dma_start3A_772] : memref<16384x1024xf32, #tpu.memory_space<hbm>> -> memref<16x1024xf32, #tpu.memory_space<hbm>>
    %dma_start3A_774 = arith.constant 0 : i32
    %dma_start3A_775 = arith.constant 0 : i32
    %dma_start3A_776 = tpu.memref_slice %arg6[%dma_start3A_765, %dma_start3A_774, %dma_start3A_775] : memref<6x16x1024xf32, #tpu.memory_space<vmem>> -> memref<1x16x1024xf32, #tpu.memory_space<vmem>>
    %dma_start3A_777 = tpu.memref_squeeze %dma_start3A_776 : memref<1x16x1024xf32, #tpu.memory_space<vmem>> -> memref<16x1024xf32, #tpu.memory_space<vmem>>
    tpu.enqueue_dma source(%dma_start3A_777 : memref<16x1024xf32, #tpu.memory_space<vmem>>) target(%dma_start3A_773 : memref<16x1024xf32, #tpu.memory_space<hbm>>) target_semaphore(%arg15 : memref<!tpu.dma_semaphore, #tpu.memory_space<semaphore_mem>>)
    %dma_wait3A_778 = arith.constant 0 : i32
    %dma_wait3A_779 = arith.constant 0 : i32
    %dma_wait3A_780 = arith.constant 0 : i32
    %dma_wait3A_781 = tpu.memref_slice %arg6[%dma_wait3A_778, %dma_wait3A_779, %dma_wait3A_780] : memref<6x16x1024xf32, #tpu.memory_space<vmem>> -> memref<1x16x1024xf32, #tpu.memory_space<vmem>>
    %dma_wait3A_782 = tpu.memref_squeeze %dma_wait3A_781 : memref<1x16x1024xf32, #tpu.memory_space<vmem>> -> memref<16x1024xf32, #tpu.memory_space<vmem>>
    %dma_wait3A_783 = arith.constant 0 : i32
    %dma_wait3A_784 = tpu.memref_slice %arg4[%add3A_660, %dma_wait3A_783] : memref<16384x1024xf32, #tpu.memory_space<hbm>> -> memref<16x1024xf32, #tpu.memory_space<hbm>>
    %dma_wait3A_785 = arith.constant 0 : i32
    %dma_wait3A_786 = tpu.memref_slice %arg4[%add3A_660, %dma_wait3A_785] : memref<16384x1024xf32, #tpu.memory_space<hbm>> -> memref<16x1024xf32, #tpu.memory_space<hbm>>
    %dma_wait3A_787 = arith.constant 0 : i32
    %dma_wait3A_788 = arith.constant 0 : i32
    %dma_wait3A_789 = tpu.memref_slice %arg6[%dma_wait3A_778, %dma_wait3A_787, %dma_wait3A_788] : memref<6x16x1024xf32, #tpu.memory_space<vmem>> -> memref<1x16x1024xf32, #tpu.memory_space<vmem>>
    %dma_wait3A_790 = tpu.memref_squeeze %dma_wait3A_789 : memref<1x16x1024xf32, #tpu.memory_space<vmem>> -> memref<16x1024xf32, #tpu.memory_space<vmem>>
    tpu.wait_dma2 semaphore(%arg13 : memref<!tpu.dma_semaphore, #tpu.memory_space<semaphore_mem>>) src(%dma_wait3A_790 : memref<16x1024xf32, #tpu.memory_space<vmem>>) dst(%dma_wait3A_786 : memref<16x1024xf32, #tpu.memory_space<hbm>>)
    %dma_start3A_791 = arith.constant 18 : i32
    %dma_start3A_792 = arith.constant 0 : i32
    %dma_start3A_793 = arith.constant 0 : i32
    %dma_start3A_794 = arith.constant 0 : i32
    %dma_start3A_795 = tpu.memref_slice %arg6[%dma_start3A_792, %dma_start3A_793, %dma_start3A_794] : memref<6x16x1024xf32, #tpu.memory_space<vmem>> -> memref<1x16x1024xf32, #tpu.memory_space<vmem>>
    %dma_start3A_796 = tpu.memref_squeeze %dma_start3A_795 : memref<1x16x1024xf32, #tpu.memory_space<vmem>> -> memref<16x1024xf32, #tpu.memory_space<vmem>>
    %dma_start3A_797 = arith.constant 0 : i32
    %dma_start3A_798 = tpu.memref_slice %arg5[%dma_start3A_791, %dma_start3A_797] : memref<32x16xi32, #tpu.memory_space<vmem>> -> memref<1x16xi32, #tpu.memory_space<vmem>>
    %dma_start3A_799 = tpu.memref_squeeze %dma_start3A_798 : memref<1x16xi32, #tpu.memory_space<vmem>> -> memref<16xi32, #tpu.memory_space<vmem>>
    %dma_start3A_800 = arith.constant 0 : i32
    %dma_start3A_801 = arith.constant 0 : i32
    %dma_start3A_802 = tpu.memref_slice %arg2[%dma_start3A_800, %dma_start3A_801] : memref<16384x1024xf32, #tpu.memory_space<hbm>> -> memref<16384x1024xf32, #tpu.memory_space<hbm>>
    tpu.enqueue_indirect_dma source(%dma_start3A_802 : memref<16384x1024xf32, #tpu.memory_space<hbm>>) target(%dma_start3A_796 : memref<16x1024xf32, #tpu.memory_space<vmem>>) offsets(%dma_start3A_799 : memref<16xi32, #tpu.memory_space<vmem>>) semaphore(%arg7 : memref<!tpu.dma_semaphore, #tpu.memory_space<semaphore_mem>>)
    %dma_wait3A_803 = arith.constant 15 : i32
    %dma_wait3A_804 = arith.constant 3 : i32
    %dma_wait3A_805 = arith.constant 0 : i32
    %dma_wait3A_806 = arith.constant 0 : i32
    %dma_wait3A_807 = tpu.memref_slice %arg6[%dma_wait3A_804, %dma_wait3A_805, %dma_wait3A_806] : memref<6x16x1024xf32, #tpu.memory_space<vmem>> -> memref<1x16x1024xf32, #tpu.memory_space<vmem>>
    %dma_wait3A_808 = tpu.memref_squeeze %dma_wait3A_807 : memref<1x16x1024xf32, #tpu.memory_space<vmem>> -> memref<16x1024xf32, #tpu.memory_space<vmem>>
    %dma_wait3A_809 = arith.constant 0 : i32
    %dma_wait3A_810 = tpu.memref_slice %arg5[%dma_wait3A_803, %dma_wait3A_809] : memref<32x16xi32, #tpu.memory_space<vmem>> -> memref<1x16xi32, #tpu.memory_space<vmem>>
    %dma_wait3A_811 = tpu.memref_squeeze %dma_wait3A_810 : memref<1x16xi32, #tpu.memory_space<vmem>> -> memref<16xi32, #tpu.memory_space<vmem>>
    %dma_wait3A_812 = arith.constant 0 : i32
    %dma_wait3A_813 = arith.constant 0 : i32
    %dma_wait3A_814 = tpu.memref_slice %arg2[%dma_wait3A_812, %dma_wait3A_813] : memref<16384x1024xf32, #tpu.memory_space<hbm>> -> memref<16384x1024xf32, #tpu.memory_space<hbm>>
    tpu.wait_indirect_dma semaphore(%arg10 : memref<!tpu.dma_semaphore, #tpu.memory_space<semaphore_mem>>) src(%dma_wait3A_814 : memref<16384x1024xf32, #tpu.memory_space<hbm>>) dst(%dma_wait3A_808 : memref<16x1024xf32, #tpu.memory_space<vmem>>)
    %add3A_815 = arith.constant 240 : i32
    %add3A_816 = arith.addi %mul3A_2, %add3A_815 : i32
    %dma_start3A_817 = arith.constant 3 : i32
    %dma_start3A_818 = arith.constant 0 : i32
    %dma_start3A_819 = arith.constant 0 : i32
    %dma_start3A_820 = tpu.memref_slice %arg6[%dma_start3A_817, %dma_start3A_818, %dma_start3A_819] : memref<6x16x1024xf32, #tpu.memory_space<vmem>> -> memref<1x16x1024xf32, #tpu.memory_space<vmem>>
    %dma_start3A_821 = tpu.memref_squeeze %dma_start3A_820 : memref<1x16x1024xf32, #tpu.memory_space<vmem>> -> memref<16x1024xf32, #tpu.memory_space<vmem>>
    %dma_start3A_822 = arith.constant 0 : i32
    %dma_start3A_823 = tpu.memref_slice %arg4[%add3A_816, %dma_start3A_822] : memref<16384x1024xf32, #tpu.memory_space<hbm>> -> memref<16x1024xf32, #tpu.memory_space<hbm>>
    %dma_start3A_824 = arith.constant 0 : i32
    %dma_start3A_825 = tpu.memref_slice %arg4[%add3A_816, %dma_start3A_824] : memref<16384x1024xf32, #tpu.memory_space<hbm>> -> memref<16x1024xf32, #tpu.memory_space<hbm>>
    %dma_start3A_826 = arith.constant 0 : i32
    %dma_start3A_827 = arith.constant 0 : i32
    %dma_start3A_828 = tpu.memref_slice %arg6[%dma_start3A_817, %dma_start3A_826, %dma_start3A_827] : memref<6x16x1024xf32, #tpu.memory_space<vmem>> -> memref<1x16x1024xf32, #tpu.memory_space<vmem>>
    %dma_start3A_829 = tpu.memref_squeeze %dma_start3A_828 : memref<1x16x1024xf32, #tpu.memory_space<vmem>> -> memref<16x1024xf32, #tpu.memory_space<vmem>>
    tpu.enqueue_dma source(%dma_start3A_829 : memref<16x1024xf32, #tpu.memory_space<vmem>>) target(%dma_start3A_825 : memref<16x1024xf32, #tpu.memory_space<hbm>>) target_semaphore(%arg16 : memref<!tpu.dma_semaphore, #tpu.memory_space<semaphore_mem>>)
    %dma_wait3A_830 = arith.constant 1 : i32
    %dma_wait3A_831 = arith.constant 0 : i32
    %dma_wait3A_832 = arith.constant 0 : i32
    %dma_wait3A_833 = tpu.memref_slice %arg6[%dma_wait3A_830, %dma_wait3A_831, %dma_wait3A_832] : memref<6x16x1024xf32, #tpu.memory_space<vmem>> -> memref<1x16x1024xf32, #tpu.memory_space<vmem>>
    %dma_wait3A_834 = tpu.memref_squeeze %dma_wait3A_833 : memref<1x16x1024xf32, #tpu.memory_space<vmem>> -> memref<16x1024xf32, #tpu.memory_space<vmem>>
    %dma_wait3A_835 = arith.constant 0 : i32
    %dma_wait3A_836 = tpu.memref_slice %arg4[%add3A_712, %dma_wait3A_835] : memref<16384x1024xf32, #tpu.memory_space<hbm>> -> memref<16x1024xf32, #tpu.memory_space<hbm>>
    %dma_wait3A_837 = arith.constant 0 : i32
    %dma_wait3A_838 = tpu.memref_slice %arg4[%add3A_712, %dma_wait3A_837] : memref<16384x1024xf32, #tpu.memory_space<hbm>> -> memref<16x1024xf32, #tpu.memory_space<hbm>>
    %dma_wait3A_839 = arith.constant 0 : i32
    %dma_wait3A_840 = arith.constant 0 : i32
    %dma_wait3A_841 = tpu.memref_slice %arg6[%dma_wait3A_830, %dma_wait3A_839, %dma_wait3A_840] : memref<6x16x1024xf32, #tpu.memory_space<vmem>> -> memref<1x16x1024xf32, #tpu.memory_space<vmem>>
    %dma_wait3A_842 = tpu.memref_squeeze %dma_wait3A_841 : memref<1x16x1024xf32, #tpu.memory_space<vmem>> -> memref<16x1024xf32, #tpu.memory_space<vmem>>
    tpu.wait_dma2 semaphore(%arg14 : memref<!tpu.dma_semaphore, #tpu.memory_space<semaphore_mem>>) src(%dma_wait3A_842 : memref<16x1024xf32, #tpu.memory_space<vmem>>) dst(%dma_wait3A_838 : memref<16x1024xf32, #tpu.memory_space<hbm>>)
    %dma_start3A_843 = arith.constant 19 : i32
    %dma_start3A_844 = arith.constant 1 : i32
    %dma_start3A_845 = arith.constant 0 : i32
    %dma_start3A_846 = arith.constant 0 : i32
    %dma_start3A_847 = tpu.memref_slice %arg6[%dma_start3A_844, %dma_start3A_845, %dma_start3A_846] : memref<6x16x1024xf32, #tpu.memory_space<vmem>> -> memref<1x16x1024xf32, #tpu.memory_space<vmem>>
    %dma_start3A_848 = tpu.memref_squeeze %dma_start3A_847 : memref<1x16x1024xf32, #tpu.memory_space<vmem>> -> memref<16x1024xf32, #tpu.memory_space<vmem>>
    %dma_start3A_849 = arith.constant 0 : i32
    %dma_start3A_850 = tpu.memref_slice %arg5[%dma_start3A_843, %dma_start3A_849] : memref<32x16xi32, #tpu.memory_space<vmem>> -> memref<1x16xi32, #tpu.memory_space<vmem>>
    %dma_start3A_851 = tpu.memref_squeeze %dma_start3A_850 : memref<1x16xi32, #tpu.memory_space<vmem>> -> memref<16xi32, #tpu.memory_space<vmem>>
    %dma_start3A_852 = arith.constant 0 : i32
    %dma_start3A_853 = arith.constant 0 : i32
    %dma_start3A_854 = tpu.memref_slice %arg2[%dma_start3A_852, %dma_start3A_853] : memref<16384x1024xf32, #tpu.memory_space<hbm>> -> memref<16384x1024xf32, #tpu.memory_space<hbm>>
    tpu.enqueue_indirect_dma source(%dma_start3A_854 : memref<16384x1024xf32, #tpu.memory_space<hbm>>) target(%dma_start3A_848 : memref<16x1024xf32, #tpu.memory_space<vmem>>) offsets(%dma_start3A_851 : memref<16xi32, #tpu.memory_space<vmem>>) semaphore(%arg8 : memref<!tpu.dma_semaphore, #tpu.memory_space<semaphore_mem>>)
    %dma_wait3A_855 = arith.constant 16 : i32
    %dma_wait3A_856 = arith.constant 4 : i32
    %dma_wait3A_857 = arith.constant 0 : i32
    %dma_wait3A_858 = arith.constant 0 : i32
    %dma_wait3A_859 = tpu.memref_slice %arg6[%dma_wait3A_856, %dma_wait3A_857, %dma_wait3A_858] : memref<6x16x1024xf32, #tpu.memory_space<vmem>> -> memref<1x16x1024xf32, #tpu.memory_space<vmem>>
    %dma_wait3A_860 = tpu.memref_squeeze %dma_wait3A_859 : memref<1x16x1024xf32, #tpu.memory_space<vmem>> -> memref<16x1024xf32, #tpu.memory_space<vmem>>
    %dma_wait3A_861 = arith.constant 0 : i32
    %dma_wait3A_862 = tpu.memref_slice %arg5[%dma_wait3A_855, %dma_wait3A_861] : memref<32x16xi32, #tpu.memory_space<vmem>> -> memref<1x16xi32, #tpu.memory_space<vmem>>
    %dma_wait3A_863 = tpu.memref_squeeze %dma_wait3A_862 : memref<1x16xi32, #tpu.memory_space<vmem>> -> memref<16xi32, #tpu.memory_space<vmem>>
    %dma_wait3A_864 = arith.constant 0 : i32
    %dma_wait3A_865 = arith.constant 0 : i32
    %dma_wait3A_866 = tpu.memref_slice %arg2[%dma_wait3A_864, %dma_wait3A_865] : memref<16384x1024xf32, #tpu.memory_space<hbm>> -> memref<16384x1024xf32, #tpu.memory_space<hbm>>
    tpu.wait_indirect_dma semaphore(%arg11 : memref<!tpu.dma_semaphore, #tpu.memory_space<semaphore_mem>>) src(%dma_wait3A_866 : memref<16384x1024xf32, #tpu.memory_space<hbm>>) dst(%dma_wait3A_860 : memref<16x1024xf32, #tpu.memory_space<vmem>>)
    %add3A_867 = arith.constant 256 : i32
    %add3A_868 = arith.addi %mul3A_2, %add3A_867 : i32
    %dma_start3A_869 = arith.constant 4 : i32
    %dma_start3A_870 = arith.constant 0 : i32
    %dma_start3A_871 = arith.constant 0 : i32
    %dma_start3A_872 = tpu.memref_slice %arg6[%dma_start3A_869, %dma_start3A_870, %dma_start3A_871] : memref<6x16x1024xf32, #tpu.memory_space<vmem>> -> memref<1x16x1024xf32, #tpu.memory_space<vmem>>
    %dma_start3A_873 = tpu.memref_squeeze %dma_start3A_872 : memref<1x16x1024xf32, #tpu.memory_space<vmem>> -> memref<16x1024xf32, #tpu.memory_space<vmem>>
    %dma_start3A_874 = arith.constant 0 : i32
    %dma_start3A_875 = tpu.memref_slice %arg4[%add3A_868, %dma_start3A_874] : memref<16384x1024xf32, #tpu.memory_space<hbm>> -> memref<16x1024xf32, #tpu.memory_space<hbm>>
    %dma_start3A_876 = arith.constant 0 : i32
    %dma_start3A_877 = tpu.memref_slice %arg4[%add3A_868, %dma_start3A_876] : memref<16384x1024xf32, #tpu.memory_space<hbm>> -> memref<16x1024xf32, #tpu.memory_space<hbm>>
    %dma_start3A_878 = arith.constant 0 : i32
    %dma_start3A_879 = arith.constant 0 : i32
    %dma_start3A_880 = tpu.memref_slice %arg6[%dma_start3A_869, %dma_start3A_878, %dma_start3A_879] : memref<6x16x1024xf32, #tpu.memory_space<vmem>> -> memref<1x16x1024xf32, #tpu.memory_space<vmem>>
    %dma_start3A_881 = tpu.memref_squeeze %dma_start3A_880 : memref<1x16x1024xf32, #tpu.memory_space<vmem>> -> memref<16x1024xf32, #tpu.memory_space<vmem>>
    tpu.enqueue_dma source(%dma_start3A_881 : memref<16x1024xf32, #tpu.memory_space<vmem>>) target(%dma_start3A_877 : memref<16x1024xf32, #tpu.memory_space<hbm>>) target_semaphore(%arg17 : memref<!tpu.dma_semaphore, #tpu.memory_space<semaphore_mem>>)
    %dma_wait3A_882 = arith.constant 2 : i32
    %dma_wait3A_883 = arith.constant 0 : i32
    %dma_wait3A_884 = arith.constant 0 : i32
    %dma_wait3A_885 = tpu.memref_slice %arg6[%dma_wait3A_882, %dma_wait3A_883, %dma_wait3A_884] : memref<6x16x1024xf32, #tpu.memory_space<vmem>> -> memref<1x16x1024xf32, #tpu.memory_space<vmem>>
    %dma_wait3A_886 = tpu.memref_squeeze %dma_wait3A_885 : memref<1x16x1024xf32, #tpu.memory_space<vmem>> -> memref<16x1024xf32, #tpu.memory_space<vmem>>
    %dma_wait3A_887 = arith.constant 0 : i32
    %dma_wait3A_888 = tpu.memref_slice %arg4[%add3A_764, %dma_wait3A_887] : memref<16384x1024xf32, #tpu.memory_space<hbm>> -> memref<16x1024xf32, #tpu.memory_space<hbm>>
    %dma_wait3A_889 = arith.constant 0 : i32
    %dma_wait3A_890 = tpu.memref_slice %arg4[%add3A_764, %dma_wait3A_889] : memref<16384x1024xf32, #tpu.memory_space<hbm>> -> memref<16x1024xf32, #tpu.memory_space<hbm>>
    %dma_wait3A_891 = arith.constant 0 : i32
    %dma_wait3A_892 = arith.constant 0 : i32
    %dma_wait3A_893 = tpu.memref_slice %arg6[%dma_wait3A_882, %dma_wait3A_891, %dma_wait3A_892] : memref<6x16x1024xf32, #tpu.memory_space<vmem>> -> memref<1x16x1024xf32, #tpu.memory_space<vmem>>
    %dma_wait3A_894 = tpu.memref_squeeze %dma_wait3A_893 : memref<1x16x1024xf32, #tpu.memory_space<vmem>> -> memref<16x1024xf32, #tpu.memory_space<vmem>>
    tpu.wait_dma2 semaphore(%arg15 : memref<!tpu.dma_semaphore, #tpu.memory_space<semaphore_mem>>) src(%dma_wait3A_894 : memref<16x1024xf32, #tpu.memory_space<vmem>>) dst(%dma_wait3A_890 : memref<16x1024xf32, #tpu.memory_space<hbm>>)
    %dma_start3A_895 = arith.constant 20 : i32
    %dma_start3A_896 = arith.constant 2 : i32
    %dma_start3A_897 = arith.constant 0 : i32
    %dma_start3A_898 = arith.constant 0 : i32
    %dma_start3A_899 = tpu.memref_slice %arg6[%dma_start3A_896, %dma_start3A_897, %dma_start3A_898] : memref<6x16x1024xf32, #tpu.memory_space<vmem>> -> memref<1x16x1024xf32, #tpu.memory_space<vmem>>
    %dma_start3A_900 = tpu.memref_squeeze %dma_start3A_899 : memref<1x16x1024xf32, #tpu.memory_space<vmem>> -> memref<16x1024xf32, #tpu.memory_space<vmem>>
    %dma_start3A_901 = arith.constant 0 : i32
    %dma_start3A_902 = tpu.memref_slice %arg5[%dma_start3A_895, %dma_start3A_901] : memref<32x16xi32, #tpu.memory_space<vmem>> -> memref<1x16xi32, #tpu.memory_space<vmem>>
    %dma_start3A_903 = tpu.memref_squeeze %dma_start3A_902 : memref<1x16xi32, #tpu.memory_space<vmem>> -> memref<16xi32, #tpu.memory_space<vmem>>
    %dma_start3A_904 = arith.constant 0 : i32
    %dma_start3A_905 = arith.constant 0 : i32
    %dma_start3A_906 = tpu.memref_slice %arg2[%dma_start3A_904, %dma_start3A_905] : memref<16384x1024xf32, #tpu.memory_space<hbm>> -> memref<16384x1024xf32, #tpu.memory_space<hbm>>
    tpu.enqueue_indirect_dma source(%dma_start3A_906 : memref<16384x1024xf32, #tpu.memory_space<hbm>>) target(%dma_start3A_900 : memref<16x1024xf32, #tpu.memory_space<vmem>>) offsets(%dma_start3A_903 : memref<16xi32, #tpu.memory_space<vmem>>) semaphore(%arg9 : memref<!tpu.dma_semaphore, #tpu.memory_space<semaphore_mem>>)
    %dma_wait3A_907 = arith.constant 17 : i32
    %dma_wait3A_908 = arith.constant 5 : i32
    %dma_wait3A_909 = arith.constant 0 : i32
    %dma_wait3A_910 = arith.constant 0 : i32
    %dma_wait3A_911 = tpu.memref_slice %arg6[%dma_wait3A_908, %dma_wait3A_909, %dma_wait3A_910] : memref<6x16x1024xf32, #tpu.memory_space<vmem>> -> memref<1x16x1024xf32, #tpu.memory_space<vmem>>
    %dma_wait3A_912 = tpu.memref_squeeze %dma_wait3A_911 : memref<1x16x1024xf32, #tpu.memory_space<vmem>> -> memref<16x1024xf32, #tpu.memory_space<vmem>>
    %dma_wait3A_913 = arith.constant 0 : i32
    %dma_wait3A_914 = tpu.memref_slice %arg5[%dma_wait3A_907, %dma_wait3A_913] : memref<32x16xi32, #tpu.memory_space<vmem>> -> memref<1x16xi32, #tpu.memory_space<vmem>>
    %dma_wait3A_915 = tpu.memref_squeeze %dma_wait3A_914 : memref<1x16xi32, #tpu.memory_space<vmem>> -> memref<16xi32, #tpu.memory_space<vmem>>
    %dma_wait3A_916 = arith.constant 0 : i32
    %dma_wait3A_917 = arith.constant 0 : i32
    %dma_wait3A_918 = tpu.memref_slice %arg2[%dma_wait3A_916, %dma_wait3A_917] : memref<16384x1024xf32, #tpu.memory_space<hbm>> -> memref<16384x1024xf32, #tpu.memory_space<hbm>>
    tpu.wait_indirect_dma semaphore(%arg12 : memref<!tpu.dma_semaphore, #tpu.memory_space<semaphore_mem>>) src(%dma_wait3A_918 : memref<16384x1024xf32, #tpu.memory_space<hbm>>) dst(%dma_wait3A_912 : memref<16x1024xf32, #tpu.memory_space<vmem>>)
    %add3A_919 = arith.constant 272 : i32
    %add3A_920 = arith.addi %mul3A_2, %add3A_919 : i32
    %dma_start3A_921 = arith.constant 5 : i32
    %dma_start3A_922 = arith.constant 0 : i32
    %dma_start3A_923 = arith.constant 0 : i32
    %dma_start3A_924 = tpu.memref_slice %arg6[%dma_start3A_921, %dma_start3A_922, %dma_start3A_923] : memref<6x16x1024xf32, #tpu.memory_space<vmem>> -> memref<1x16x1024xf32, #tpu.memory_space<vmem>>
    %dma_start3A_925 = tpu.memref_squeeze %dma_start3A_924 : memref<1x16x1024xf32, #tpu.memory_space<vmem>> -> memref<16x1024xf32, #tpu.memory_space<vmem>>
    %dma_start3A_926 = arith.constant 0 : i32
    %dma_start3A_927 = tpu.memref_slice %arg4[%add3A_920, %dma_start3A_926] : memref<16384x1024xf32, #tpu.memory_space<hbm>> -> memref<16x1024xf32, #tpu.memory_space<hbm>>
    %dma_start3A_928 = arith.constant 0 : i32
    %dma_start3A_929 = tpu.memref_slice %arg4[%add3A_920, %dma_start3A_928] : memref<16384x1024xf32, #tpu.memory_space<hbm>> -> memref<16x1024xf32, #tpu.memory_space<hbm>>
    %dma_start3A_930 = arith.constant 0 : i32
    %dma_start3A_931 = arith.constant 0 : i32
    %dma_start3A_932 = tpu.memref_slice %arg6[%dma_start3A_921, %dma_start3A_930, %dma_start3A_931] : memref<6x16x1024xf32, #tpu.memory_space<vmem>> -> memref<1x16x1024xf32, #tpu.memory_space<vmem>>
    %dma_start3A_933 = tpu.memref_squeeze %dma_start3A_932 : memref<1x16x1024xf32, #tpu.memory_space<vmem>> -> memref<16x1024xf32, #tpu.memory_space<vmem>>
    tpu.enqueue_dma source(%dma_start3A_933 : memref<16x1024xf32, #tpu.memory_space<vmem>>) target(%dma_start3A_929 : memref<16x1024xf32, #tpu.memory_space<hbm>>) target_semaphore(%arg18 : memref<!tpu.dma_semaphore, #tpu.memory_space<semaphore_mem>>)
    %dma_wait3A_934 = arith.constant 3 : i32
    %dma_wait3A_935 = arith.constant 0 : i32
    %dma_wait3A_936 = arith.constant 0 : i32
    %dma_wait3A_937 = tpu.memref_slice %arg6[%dma_wait3A_934, %dma_wait3A_935, %dma_wait3A_936] : memref<6x16x1024xf32, #tpu.memory_space<vmem>> -> memref<1x16x1024xf32, #tpu.memory_space<vmem>>
    %dma_wait3A_938 = tpu.memref_squeeze %dma_wait3A_937 : memref<1x16x1024xf32, #tpu.memory_space<vmem>> -> memref<16x1024xf32, #tpu.memory_space<vmem>>
    %dma_wait3A_939 = arith.constant 0 : i32
    %dma_wait3A_940 = tpu.memref_slice %arg4[%add3A_816, %dma_wait3A_939] : memref<16384x1024xf32, #tpu.memory_space<hbm>> -> memref<16x1024xf32, #tpu.memory_space<hbm>>
    %dma_wait3A_941 = arith.constant 0 : i32
    %dma_wait3A_942 = tpu.memref_slice %arg4[%add3A_816, %dma_wait3A_941] : memref<16384x1024xf32, #tpu.memory_space<hbm>> -> memref<16x1024xf32, #tpu.memory_space<hbm>>
    %dma_wait3A_943 = arith.constant 0 : i32
    %dma_wait3A_944 = arith.constant 0 : i32
    %dma_wait3A_945 = tpu.memref_slice %arg6[%dma_wait3A_934, %dma_wait3A_943, %dma_wait3A_944] : memref<6x16x1024xf32, #tpu.memory_space<vmem>> -> memref<1x16x1024xf32, #tpu.memory_space<vmem>>
    %dma_wait3A_946 = tpu.memref_squeeze %dma_wait3A_945 : memref<1x16x1024xf32, #tpu.memory_space<vmem>> -> memref<16x1024xf32, #tpu.memory_space<vmem>>
    tpu.wait_dma2 semaphore(%arg16 : memref<!tpu.dma_semaphore, #tpu.memory_space<semaphore_mem>>) src(%dma_wait3A_946 : memref<16x1024xf32, #tpu.memory_space<vmem>>) dst(%dma_wait3A_942 : memref<16x1024xf32, #tpu.memory_space<hbm>>)
    %dma_start3A_947 = arith.constant 21 : i32
    %dma_start3A_948 = arith.constant 3 : i32
    %dma_start3A_949 = arith.constant 0 : i32
    %dma_start3A_950 = arith.constant 0 : i32
    %dma_start3A_951 = tpu.memref_slice %arg6[%dma_start3A_948, %dma_start3A_949, %dma_start3A_950] : memref<6x16x1024xf32, #tpu.memory_space<vmem>> -> memref<1x16x1024xf32, #tpu.memory_space<vmem>>
    %dma_start3A_952 = tpu.memref_squeeze %dma_start3A_951 : memref<1x16x1024xf32, #tpu.memory_space<vmem>> -> memref<16x1024xf32, #tpu.memory_space<vmem>>
    %dma_start3A_953 = arith.constant 0 : i32
    %dma_start3A_954 = tpu.memref_slice %arg5[%dma_start3A_947, %dma_start3A_953] : memref<32x16xi32, #tpu.memory_space<vmem>> -> memref<1x16xi32, #tpu.memory_space<vmem>>
    %dma_start3A_955 = tpu.memref_squeeze %dma_start3A_954 : memref<1x16xi32, #tpu.memory_space<vmem>> -> memref<16xi32, #tpu.memory_space<vmem>>
    %dma_start3A_956 = arith.constant 0 : i32
    %dma_start3A_957 = arith.constant 0 : i32
    %dma_start3A_958 = tpu.memref_slice %arg2[%dma_start3A_956, %dma_start3A_957] : memref<16384x1024xf32, #tpu.memory_space<hbm>> -> memref<16384x1024xf32, #tpu.memory_space<hbm>>
    tpu.enqueue_indirect_dma source(%dma_start3A_958 : memref<16384x1024xf32, #tpu.memory_space<hbm>>) target(%dma_start3A_952 : memref<16x1024xf32, #tpu.memory_space<vmem>>) offsets(%dma_start3A_955 : memref<16xi32, #tpu.memory_space<vmem>>) semaphore(%arg10 : memref<!tpu.dma_semaphore, #tpu.memory_space<semaphore_mem>>)
    %dma_wait3A_959 = arith.constant 18 : i32
    %dma_wait3A_960 = arith.constant 0 : i32
    %dma_wait3A_961 = arith.constant 0 : i32
    %dma_wait3A_962 = arith.constant 0 : i32
    %dma_wait3A_963 = tpu.memref_slice %arg6[%dma_wait3A_960, %dma_wait3A_961, %dma_wait3A_962] : memref<6x16x1024xf32, #tpu.memory_space<vmem>> -> memref<1x16x1024xf32, #tpu.memory_space<vmem>>
    %dma_wait3A_964 = tpu.memref_squeeze %dma_wait3A_963 : memref<1x16x1024xf32, #tpu.memory_space<vmem>> -> memref<16x1024xf32, #tpu.memory_space<vmem>>
    %dma_wait3A_965 = arith.constant 0 : i32
    %dma_wait3A_966 = tpu.memref_slice %arg5[%dma_wait3A_959, %dma_wait3A_965] : memref<32x16xi32, #tpu.memory_space<vmem>> -> memref<1x16xi32, #tpu.memory_space<vmem>>
    %dma_wait3A_967 = tpu.memref_squeeze %dma_wait3A_966 : memref<1x16xi32, #tpu.memory_space<vmem>> -> memref<16xi32, #tpu.memory_space<vmem>>
    %dma_wait3A_968 = arith.constant 0 : i32
    %dma_wait3A_969 = arith.constant 0 : i32
    %dma_wait3A_970 = tpu.memref_slice %arg2[%dma_wait3A_968, %dma_wait3A_969] : memref<16384x1024xf32, #tpu.memory_space<hbm>> -> memref<16384x1024xf32, #tpu.memory_space<hbm>>
    tpu.wait_indirect_dma semaphore(%arg7 : memref<!tpu.dma_semaphore, #tpu.memory_space<semaphore_mem>>) src(%dma_wait3A_970 : memref<16384x1024xf32, #tpu.memory_space<hbm>>) dst(%dma_wait3A_964 : memref<16x1024xf32, #tpu.memory_space<vmem>>)
    %add3A_971 = arith.constant 288 : i32
    %add3A_972 = arith.addi %mul3A_2, %add3A_971 : i32
    %dma_start3A_973 = arith.constant 0 : i32
    %dma_start3A_974 = arith.constant 0 : i32
    %dma_start3A_975 = arith.constant 0 : i32
    %dma_start3A_976 = tpu.memref_slice %arg6[%dma_start3A_973, %dma_start3A_974, %dma_start3A_975] : memref<6x16x1024xf32, #tpu.memory_space<vmem>> -> memref<1x16x1024xf32, #tpu.memory_space<vmem>>
    %dma_start3A_977 = tpu.memref_squeeze %dma_start3A_976 : memref<1x16x1024xf32, #tpu.memory_space<vmem>> -> memref<16x1024xf32, #tpu.memory_space<vmem>>
    %dma_start3A_978 = arith.constant 0 : i32
    %dma_start3A_979 = tpu.memref_slice %arg4[%add3A_972, %dma_start3A_978] : memref<16384x1024xf32, #tpu.memory_space<hbm>> -> memref<16x1024xf32, #tpu.memory_space<hbm>>
    %dma_start3A_980 = arith.constant 0 : i32
    %dma_start3A_981 = tpu.memref_slice %arg4[%add3A_972, %dma_start3A_980] : memref<16384x1024xf32, #tpu.memory_space<hbm>> -> memref<16x1024xf32, #tpu.memory_space<hbm>>
    %dma_start3A_982 = arith.constant 0 : i32
    %dma_start3A_983 = arith.constant 0 : i32
    %dma_start3A_984 = tpu.memref_slice %arg6[%dma_start3A_973, %dma_start3A_982, %dma_start3A_983] : memref<6x16x1024xf32, #tpu.memory_space<vmem>> -> memref<1x16x1024xf32, #tpu.memory_space<vmem>>
    %dma_start3A_985 = tpu.memref_squeeze %dma_start3A_984 : memref<1x16x1024xf32, #tpu.memory_space<vmem>> -> memref<16x1024xf32, #tpu.memory_space<vmem>>
    tpu.enqueue_dma source(%dma_start3A_985 : memref<16x1024xf32, #tpu.memory_space<vmem>>) target(%dma_start3A_981 : memref<16x1024xf32, #tpu.memory_space<hbm>>) target_semaphore(%arg13 : memref<!tpu.dma_semaphore, #tpu.memory_space<semaphore_mem>>)
    %dma_wait3A_986 = arith.constant 4 : i32
    %dma_wait3A_987 = arith.constant 0 : i32
    %dma_wait3A_988 = arith.constant 0 : i32
    %dma_wait3A_989 = tpu.memref_slice %arg6[%dma_wait3A_986, %dma_wait3A_987, %dma_wait3A_988] : memref<6x16x1024xf32, #tpu.memory_space<vmem>> -> memref<1x16x1024xf32, #tpu.memory_space<vmem>>
    %dma_wait3A_990 = tpu.memref_squeeze %dma_wait3A_989 : memref<1x16x1024xf32, #tpu.memory_space<vmem>> -> memref<16x1024xf32, #tpu.memory_space<vmem>>
    %dma_wait3A_991 = arith.constant 0 : i32
    %dma_wait3A_992 = tpu.memref_slice %arg4[%add3A_868, %dma_wait3A_991] : memref<16384x1024xf32, #tpu.memory_space<hbm>> -> memref<16x1024xf32, #tpu.memory_space<hbm>>
    %dma_wait3A_993 = arith.constant 0 : i32
    %dma_wait3A_994 = tpu.memref_slice %arg4[%add3A_868, %dma_wait3A_993] : memref<16384x1024xf32, #tpu.memory_space<hbm>> -> memref<16x1024xf32, #tpu.memory_space<hbm>>
    %dma_wait3A_995 = arith.constant 0 : i32
    %dma_wait3A_996 = arith.constant 0 : i32
    %dma_wait3A_997 = tpu.memref_slice %arg6[%dma_wait3A_986, %dma_wait3A_995, %dma_wait3A_996] : memref<6x16x1024xf32, #tpu.memory_space<vmem>> -> memref<1x16x1024xf32, #tpu.memory_space<vmem>>
    %dma_wait3A_998 = tpu.memref_squeeze %dma_wait3A_997 : memref<1x16x1024xf32, #tpu.memory_space<vmem>> -> memref<16x1024xf32, #tpu.memory_space<vmem>>
    tpu.wait_dma2 semaphore(%arg17 : memref<!tpu.dma_semaphore, #tpu.memory_space<semaphore_mem>>) src(%dma_wait3A_998 : memref<16x1024xf32, #tpu.memory_space<vmem>>) dst(%dma_wait3A_994 : memref<16x1024xf32, #tpu.memory_space<hbm>>)
    %dma_start3A_999 = arith.constant 22 : i32
    %dma_start3A_1000 = arith.constant 4 : i32
    %dma_start3A_1001 = arith.constant 0 : i32
    %dma_start3A_1002 = arith.constant 0 : i32
    %dma_start3A_1003 = tpu.memref_slice %arg6[%dma_start3A_1000, %dma_start3A_1001, %dma_start3A_1002] : memref<6x16x1024xf32, #tpu.memory_space<vmem>> -> memref<1x16x1024xf32, #tpu.memory_space<vmem>>
    %dma_start3A_1004 = tpu.memref_squeeze %dma_start3A_1003 : memref<1x16x1024xf32, #tpu.memory_space<vmem>> -> memref<16x1024xf32, #tpu.memory_space<vmem>>
    %dma_start3A_1005 = arith.constant 0 : i32
    %dma_start3A_1006 = tpu.memref_slice %arg5[%dma_start3A_999, %dma_start3A_1005] : memref<32x16xi32, #tpu.memory_space<vmem>> -> memref<1x16xi32, #tpu.memory_space<vmem>>
    %dma_start3A_1007 = tpu.memref_squeeze %dma_start3A_1006 : memref<1x16xi32, #tpu.memory_space<vmem>> -> memref<16xi32, #tpu.memory_space<vmem>>
    %dma_start3A_1008 = arith.constant 0 : i32
    %dma_start3A_1009 = arith.constant 0 : i32
    %dma_start3A_1010 = tpu.memref_slice %arg2[%dma_start3A_1008, %dma_start3A_1009] : memref<16384x1024xf32, #tpu.memory_space<hbm>> -> memref<16384x1024xf32, #tpu.memory_space<hbm>>
    tpu.enqueue_indirect_dma source(%dma_start3A_1010 : memref<16384x1024xf32, #tpu.memory_space<hbm>>) target(%dma_start3A_1004 : memref<16x1024xf32, #tpu.memory_space<vmem>>) offsets(%dma_start3A_1007 : memref<16xi32, #tpu.memory_space<vmem>>) semaphore(%arg11 : memref<!tpu.dma_semaphore, #tpu.memory_space<semaphore_mem>>)
    %dma_wait3A_1011 = arith.constant 19 : i32
    %dma_wait3A_1012 = arith.constant 1 : i32
    %dma_wait3A_1013 = arith.constant 0 : i32
    %dma_wait3A_1014 = arith.constant 0 : i32
    %dma_wait3A_1015 = tpu.memref_slice %arg6[%dma_wait3A_1012, %dma_wait3A_1013, %dma_wait3A_1014] : memref<6x16x1024xf32, #tpu.memory_space<vmem>> -> memref<1x16x1024xf32, #tpu.memory_space<vmem>>
    %dma_wait3A_1016 = tpu.memref_squeeze %dma_wait3A_1015 : memref<1x16x1024xf32, #tpu.memory_space<vmem>> -> memref<16x1024xf32, #tpu.memory_space<vmem>>
    %dma_wait3A_1017 = arith.constant 0 : i32
    %dma_wait3A_1018 = tpu.memref_slice %arg5[%dma_wait3A_1011, %dma_wait3A_1017] : memref<32x16xi32, #tpu.memory_space<vmem>> -> memref<1x16xi32, #tpu.memory_space<vmem>>
    %dma_wait3A_1019 = tpu.memref_squeeze %dma_wait3A_1018 : memref<1x16xi32, #tpu.memory_space<vmem>> -> memref<16xi32, #tpu.memory_space<vmem>>
    %dma_wait3A_1020 = arith.constant 0 : i32
    %dma_wait3A_1021 = arith.constant 0 : i32
    %dma_wait3A_1022 = tpu.memref_slice %arg2[%dma_wait3A_1020, %dma_wait3A_1021] : memref<16384x1024xf32, #tpu.memory_space<hbm>> -> memref<16384x1024xf32, #tpu.memory_space<hbm>>
    tpu.wait_indirect_dma semaphore(%arg8 : memref<!tpu.dma_semaphore, #tpu.memory_space<semaphore_mem>>) src(%dma_wait3A_1022 : memref<16384x1024xf32, #tpu.memory_space<hbm>>) dst(%dma_wait3A_1016 : memref<16x1024xf32, #tpu.memory_space<vmem>>)
    %add3A_1023 = arith.constant 304 : i32
    %add3A_1024 = arith.addi %mul3A_2, %add3A_1023 : i32
    %dma_start3A_1025 = arith.constant 1 : i32
    %dma_start3A_1026 = arith.constant 0 : i32
    %dma_start3A_1027 = arith.constant 0 : i32
    %dma_start3A_1028 = tpu.memref_slice %arg6[%dma_start3A_1025, %dma_start3A_1026, %dma_start3A_1027] : memref<6x16x1024xf32, #tpu.memory_space<vmem>> -> memref<1x16x1024xf32, #tpu.memory_space<vmem>>
    %dma_start3A_1029 = tpu.memref_squeeze %dma_start3A_1028 : memref<1x16x1024xf32, #tpu.memory_space<vmem>> -> memref<16x1024xf32, #tpu.memory_space<vmem>>
    %dma_start3A_1030 = arith.constant 0 : i32
    %dma_start3A_1031 = tpu.memref_slice %arg4[%add3A_1024, %dma_start3A_1030] : memref<16384x1024xf32, #tpu.memory_space<hbm>> -> memref<16x1024xf32, #tpu.memory_space<hbm>>
    %dma_start3A_1032 = arith.constant 0 : i32
    %dma_start3A_1033 = tpu.memref_slice %arg4[%add3A_1024, %dma_start3A_1032] : memref<16384x1024xf32, #tpu.memory_space<hbm>> -> memref<16x1024xf32, #tpu.memory_space<hbm>>
    %dma_start3A_1034 = arith.constant 0 : i32
    %dma_start3A_1035 = arith.constant 0 : i32
    %dma_start3A_1036 = tpu.memref_slice %arg6[%dma_start3A_1025, %dma_start3A_1034, %dma_start3A_1035] : memref<6x16x1024xf32, #tpu.memory_space<vmem>> -> memref<1x16x1024xf32, #tpu.memory_space<vmem>>
    %dma_start3A_1037 = tpu.memref_squeeze %dma_start3A_1036 : memref<1x16x1024xf32, #tpu.memory_space<vmem>> -> memref<16x1024xf32, #tpu.memory_space<vmem>>
    tpu.enqueue_dma source(%dma_start3A_1037 : memref<16x1024xf32, #tpu.memory_space<vmem>>) target(%dma_start3A_1033 : memref<16x1024xf32, #tpu.memory_space<hbm>>) target_semaphore(%arg14 : memref<!tpu.dma_semaphore, #tpu.memory_space<semaphore_mem>>)
    %dma_wait3A_1038 = arith.constant 5 : i32
    %dma_wait3A_1039 = arith.constant 0 : i32
    %dma_wait3A_1040 = arith.constant 0 : i32
    %dma_wait3A_1041 = tpu.memref_slice %arg6[%dma_wait3A_1038, %dma_wait3A_1039, %dma_wait3A_1040] : memref<6x16x1024xf32, #tpu.memory_space<vmem>> -> memref<1x16x1024xf32, #tpu.memory_space<vmem>>
    %dma_wait3A_1042 = tpu.memref_squeeze %dma_wait3A_1041 : memref<1x16x1024xf32, #tpu.memory_space<vmem>> -> memref<16x1024xf32, #tpu.memory_space<vmem>>
    %dma_wait3A_1043 = arith.constant 0 : i32
    %dma_wait3A_1044 = tpu.memref_slice %arg4[%add3A_920, %dma_wait3A_1043] : memref<16384x1024xf32, #tpu.memory_space<hbm>> -> memref<16x1024xf32, #tpu.memory_space<hbm>>
    %dma_wait3A_1045 = arith.constant 0 : i32
    %dma_wait3A_1046 = tpu.memref_slice %arg4[%add3A_920, %dma_wait3A_1045] : memref<16384x1024xf32, #tpu.memory_space<hbm>> -> memref<16x1024xf32, #tpu.memory_space<hbm>>
    %dma_wait3A_1047 = arith.constant 0 : i32
    %dma_wait3A_1048 = arith.constant 0 : i32
    %dma_wait3A_1049 = tpu.memref_slice %arg6[%dma_wait3A_1038, %dma_wait3A_1047, %dma_wait3A_1048] : memref<6x16x1024xf32, #tpu.memory_space<vmem>> -> memref<1x16x1024xf32, #tpu.memory_space<vmem>>
    %dma_wait3A_1050 = tpu.memref_squeeze %dma_wait3A_1049 : memref<1x16x1024xf32, #tpu.memory_space<vmem>> -> memref<16x1024xf32, #tpu.memory_space<vmem>>
    tpu.wait_dma2 semaphore(%arg18 : memref<!tpu.dma_semaphore, #tpu.memory_space<semaphore_mem>>) src(%dma_wait3A_1050 : memref<16x1024xf32, #tpu.memory_space<vmem>>) dst(%dma_wait3A_1046 : memref<16x1024xf32, #tpu.memory_space<hbm>>)
    %dma_start3A_1051 = arith.constant 23 : i32
    %dma_start3A_1052 = arith.constant 5 : i32
    %dma_start3A_1053 = arith.constant 0 : i32
    %dma_start3A_1054 = arith.constant 0 : i32
    %dma_start3A_1055 = tpu.memref_slice %arg6[%dma_start3A_1052, %dma_start3A_1053, %dma_start3A_1054] : memref<6x16x1024xf32, #tpu.memory_space<vmem>> -> memref<1x16x1024xf32, #tpu.memory_space<vmem>>
    %dma_start3A_1056 = tpu.memref_squeeze %dma_start3A_1055 : memref<1x16x1024xf32, #tpu.memory_space<vmem>> -> memref<16x1024xf32, #tpu.memory_space<vmem>>
    %dma_start3A_1057 = arith.constant 0 : i32
    %dma_start3A_1058 = tpu.memref_slice %arg5[%dma_start3A_1051, %dma_start3A_1057] : memref<32x16xi32, #tpu.memory_space<vmem>> -> memref<1x16xi32, #tpu.memory_space<vmem>>
    %dma_start3A_1059 = tpu.memref_squeeze %dma_start3A_1058 : memref<1x16xi32, #tpu.memory_space<vmem>> -> memref<16xi32, #tpu.memory_space<vmem>>
    %dma_start3A_1060 = arith.constant 0 : i32
    %dma_start3A_1061 = arith.constant 0 : i32
    %dma_start3A_1062 = tpu.memref_slice %arg2[%dma_start3A_1060, %dma_start3A_1061] : memref<16384x1024xf32, #tpu.memory_space<hbm>> -> memref<16384x1024xf32, #tpu.memory_space<hbm>>
    tpu.enqueue_indirect_dma source(%dma_start3A_1062 : memref<16384x1024xf32, #tpu.memory_space<hbm>>) target(%dma_start3A_1056 : memref<16x1024xf32, #tpu.memory_space<vmem>>) offsets(%dma_start3A_1059 : memref<16xi32, #tpu.memory_space<vmem>>) semaphore(%arg12 : memref<!tpu.dma_semaphore, #tpu.memory_space<semaphore_mem>>)
    %dma_wait3A_1063 = arith.constant 20 : i32
    %dma_wait3A_1064 = arith.constant 2 : i32
    %dma_wait3A_1065 = arith.constant 0 : i32
    %dma_wait3A_1066 = arith.constant 0 : i32
    %dma_wait3A_1067 = tpu.memref_slice %arg6[%dma_wait3A_1064, %dma_wait3A_1065, %dma_wait3A_1066] : memref<6x16x1024xf32, #tpu.memory_space<vmem>> -> memref<1x16x1024xf32, #tpu.memory_space<vmem>>
    %dma_wait3A_1068 = tpu.memref_squeeze %dma_wait3A_1067 : memref<1x16x1024xf32, #tpu.memory_space<vmem>> -> memref<16x1024xf32, #tpu.memory_space<vmem>>
    %dma_wait3A_1069 = arith.constant 0 : i32
    %dma_wait3A_1070 = tpu.memref_slice %arg5[%dma_wait3A_1063, %dma_wait3A_1069] : memref<32x16xi32, #tpu.memory_space<vmem>> -> memref<1x16xi32, #tpu.memory_space<vmem>>
    %dma_wait3A_1071 = tpu.memref_squeeze %dma_wait3A_1070 : memref<1x16xi32, #tpu.memory_space<vmem>> -> memref<16xi32, #tpu.memory_space<vmem>>
    %dma_wait3A_1072 = arith.constant 0 : i32
    %dma_wait3A_1073 = arith.constant 0 : i32
    %dma_wait3A_1074 = tpu.memref_slice %arg2[%dma_wait3A_1072, %dma_wait3A_1073] : memref<16384x1024xf32, #tpu.memory_space<hbm>> -> memref<16384x1024xf32, #tpu.memory_space<hbm>>
    tpu.wait_indirect_dma semaphore(%arg9 : memref<!tpu.dma_semaphore, #tpu.memory_space<semaphore_mem>>) src(%dma_wait3A_1074 : memref<16384x1024xf32, #tpu.memory_space<hbm>>) dst(%dma_wait3A_1068 : memref<16x1024xf32, #tpu.memory_space<vmem>>)
    %add3A_1075 = arith.constant 320 : i32
    %add3A_1076 = arith.addi %mul3A_2, %add3A_1075 : i32
    %dma_start3A_1077 = arith.constant 2 : i32
    %dma_start3A_1078 = arith.constant 0 : i32
    %dma_start3A_1079 = arith.constant 0 : i32
    %dma_start3A_1080 = tpu.memref_slice %arg6[%dma_start3A_1077, %dma_start3A_1078, %dma_start3A_1079] : memref<6x16x1024xf32, #tpu.memory_space<vmem>> -> memref<1x16x1024xf32, #tpu.memory_space<vmem>>
    %dma_start3A_1081 = tpu.memref_squeeze %dma_start3A_1080 : memref<1x16x1024xf32, #tpu.memory_space<vmem>> -> memref<16x1024xf32, #tpu.memory_space<vmem>>
    %dma_start3A_1082 = arith.constant 0 : i32
    %dma_start3A_1083 = tpu.memref_slice %arg4[%add3A_1076, %dma_start3A_1082] : memref<16384x1024xf32, #tpu.memory_space<hbm>> -> memref<16x1024xf32, #tpu.memory_space<hbm>>
    %dma_start3A_1084 = arith.constant 0 : i32
    %dma_start3A_1085 = tpu.memref_slice %arg4[%add3A_1076, %dma_start3A_1084] : memref<16384x1024xf32, #tpu.memory_space<hbm>> -> memref<16x1024xf32, #tpu.memory_space<hbm>>
    %dma_start3A_1086 = arith.constant 0 : i32
    %dma_start3A_1087 = arith.constant 0 : i32
    %dma_start3A_1088 = tpu.memref_slice %arg6[%dma_start3A_1077, %dma_start3A_1086, %dma_start3A_1087] : memref<6x16x1024xf32, #tpu.memory_space<vmem>> -> memref<1x16x1024xf32, #tpu.memory_space<vmem>>
    %dma_start3A_1089 = tpu.memref_squeeze %dma_start3A_1088 : memref<1x16x1024xf32, #tpu.memory_space<vmem>> -> memref<16x1024xf32, #tpu.memory_space<vmem>>
    tpu.enqueue_dma source(%dma_start3A_1089 : memref<16x1024xf32, #tpu.memory_space<vmem>>) target(%dma_start3A_1085 : memref<16x1024xf32, #tpu.memory_space<hbm>>) target_semaphore(%arg15 : memref<!tpu.dma_semaphore, #tpu.memory_space<semaphore_mem>>)
    %dma_wait3A_1090 = arith.constant 0 : i32
    %dma_wait3A_1091 = arith.constant 0 : i32
    %dma_wait3A_1092 = arith.constant 0 : i32
    %dma_wait3A_1093 = tpu.memref_slice %arg6[%dma_wait3A_1090, %dma_wait3A_1091, %dma_wait3A_1092] : memref<6x16x1024xf32, #tpu.memory_space<vmem>> -> memref<1x16x1024xf32, #tpu.memory_space<vmem>>
    %dma_wait3A_1094 = tpu.memref_squeeze %dma_wait3A_1093 : memref<1x16x1024xf32, #tpu.memory_space<vmem>> -> memref<16x1024xf32, #tpu.memory_space<vmem>>
    %dma_wait3A_1095 = arith.constant 0 : i32
    %dma_wait3A_1096 = tpu.memref_slice %arg4[%add3A_972, %dma_wait3A_1095] : memref<16384x1024xf32, #tpu.memory_space<hbm>> -> memref<16x1024xf32, #tpu.memory_space<hbm>>
    %dma_wait3A_1097 = arith.constant 0 : i32
    %dma_wait3A_1098 = tpu.memref_slice %arg4[%add3A_972, %dma_wait3A_1097] : memref<16384x1024xf32, #tpu.memory_space<hbm>> -> memref<16x1024xf32, #tpu.memory_space<hbm>>
    %dma_wait3A_1099 = arith.constant 0 : i32
    %dma_wait3A_1100 = arith.constant 0 : i32
    %dma_wait3A_1101 = tpu.memref_slice %arg6[%dma_wait3A_1090, %dma_wait3A_1099, %dma_wait3A_1100] : memref<6x16x1024xf32, #tpu.memory_space<vmem>> -> memref<1x16x1024xf32, #tpu.memory_space<vmem>>
    %dma_wait3A_1102 = tpu.memref_squeeze %dma_wait3A_1101 : memref<1x16x1024xf32, #tpu.memory_space<vmem>> -> memref<16x1024xf32, #tpu.memory_space<vmem>>
    tpu.wait_dma2 semaphore(%arg13 : memref<!tpu.dma_semaphore, #tpu.memory_space<semaphore_mem>>) src(%dma_wait3A_1102 : memref<16x1024xf32, #tpu.memory_space<vmem>>) dst(%dma_wait3A_1098 : memref<16x1024xf32, #tpu.memory_space<hbm>>)
    %dma_start3A_1103 = arith.constant 24 : i32
    %dma_start3A_1104 = arith.constant 0 : i32
    %dma_start3A_1105 = arith.constant 0 : i32
    %dma_start3A_1106 = arith.constant 0 : i32
    %dma_start3A_1107 = tpu.memref_slice %arg6[%dma_start3A_1104, %dma_start3A_1105, %dma_start3A_1106] : memref<6x16x1024xf32, #tpu.memory_space<vmem>> -> memref<1x16x1024xf32, #tpu.memory_space<vmem>>
    %dma_start3A_1108 = tpu.memref_squeeze %dma_start3A_1107 : memref<1x16x1024xf32, #tpu.memory_space<vmem>> -> memref<16x1024xf32, #tpu.memory_space<vmem>>
    %dma_start3A_1109 = arith.constant 0 : i32
    %dma_start3A_1110 = tpu.memref_slice %arg5[%dma_start3A_1103, %dma_start3A_1109] : memref<32x16xi32, #tpu.memory_space<vmem>> -> memref<1x16xi32, #tpu.memory_space<vmem>>
    %dma_start3A_1111 = tpu.memref_squeeze %dma_start3A_1110 : memref<1x16xi32, #tpu.memory_space<vmem>> -> memref<16xi32, #tpu.memory_space<vmem>>
    %dma_start3A_1112 = arith.constant 0 : i32
    %dma_start3A_1113 = arith.constant 0 : i32
    %dma_start3A_1114 = tpu.memref_slice %arg2[%dma_start3A_1112, %dma_start3A_1113] : memref<16384x1024xf32, #tpu.memory_space<hbm>> -> memref<16384x1024xf32, #tpu.memory_space<hbm>>
    tpu.enqueue_indirect_dma source(%dma_start3A_1114 : memref<16384x1024xf32, #tpu.memory_space<hbm>>) target(%dma_start3A_1108 : memref<16x1024xf32, #tpu.memory_space<vmem>>) offsets(%dma_start3A_1111 : memref<16xi32, #tpu.memory_space<vmem>>) semaphore(%arg7 : memref<!tpu.dma_semaphore, #tpu.memory_space<semaphore_mem>>)
    %dma_wait3A_1115 = arith.constant 21 : i32
    %dma_wait3A_1116 = arith.constant 3 : i32
    %dma_wait3A_1117 = arith.constant 0 : i32
    %dma_wait3A_1118 = arith.constant 0 : i32
    %dma_wait3A_1119 = tpu.memref_slice %arg6[%dma_wait3A_1116, %dma_wait3A_1117, %dma_wait3A_1118] : memref<6x16x1024xf32, #tpu.memory_space<vmem>> -> memref<1x16x1024xf32, #tpu.memory_space<vmem>>
    %dma_wait3A_1120 = tpu.memref_squeeze %dma_wait3A_1119 : memref<1x16x1024xf32, #tpu.memory_space<vmem>> -> memref<16x1024xf32, #tpu.memory_space<vmem>>
    %dma_wait3A_1121 = arith.constant 0 : i32
    %dma_wait3A_1122 = tpu.memref_slice %arg5[%dma_wait3A_1115, %dma_wait3A_1121] : memref<32x16xi32, #tpu.memory_space<vmem>> -> memref<1x16xi32, #tpu.memory_space<vmem>>
    %dma_wait3A_1123 = tpu.memref_squeeze %dma_wait3A_1122 : memref<1x16xi32, #tpu.memory_space<vmem>> -> memref<16xi32, #tpu.memory_space<vmem>>
    %dma_wait3A_1124 = arith.constant 0 : i32
    %dma_wait3A_1125 = arith.constant 0 : i32
    %dma_wait3A_1126 = tpu.memref_slice %arg2[%dma_wait3A_1124, %dma_wait3A_1125] : memref<16384x1024xf32, #tpu.memory_space<hbm>> -> memref<16384x1024xf32, #tpu.memory_space<hbm>>
    tpu.wait_indirect_dma semaphore(%arg10 : memref<!tpu.dma_semaphore, #tpu.memory_space<semaphore_mem>>) src(%dma_wait3A_1126 : memref<16384x1024xf32, #tpu.memory_space<hbm>>) dst(%dma_wait3A_1120 : memref<16x1024xf32, #tpu.memory_space<vmem>>)
    %add3A_1127 = arith.constant 336 : i32
    %add3A_1128 = arith.addi %mul3A_2, %add3A_1127 : i32
    %dma_start3A_1129 = arith.constant 3 : i32
    %dma_start3A_1130 = arith.constant 0 : i32
    %dma_start3A_1131 = arith.constant 0 : i32
    %dma_start3A_1132 = tpu.memref_slice %arg6[%dma_start3A_1129, %dma_start3A_1130, %dma_start3A_1131] : memref<6x16x1024xf32, #tpu.memory_space<vmem>> -> memref<1x16x1024xf32, #tpu.memory_space<vmem>>
    %dma_start3A_1133 = tpu.memref_squeeze %dma_start3A_1132 : memref<1x16x1024xf32, #tpu.memory_space<vmem>> -> memref<16x1024xf32, #tpu.memory_space<vmem>>
    %dma_start3A_1134 = arith.constant 0 : i32
    %dma_start3A_1135 = tpu.memref_slice %arg4[%add3A_1128, %dma_start3A_1134] : memref<16384x1024xf32, #tpu.memory_space<hbm>> -> memref<16x1024xf32, #tpu.memory_space<hbm>>
    %dma_start3A_1136 = arith.constant 0 : i32
    %dma_start3A_1137 = tpu.memref_slice %arg4[%add3A_1128, %dma_start3A_1136] : memref<16384x1024xf32, #tpu.memory_space<hbm>> -> memref<16x1024xf32, #tpu.memory_space<hbm>>
    %dma_start3A_1138 = arith.constant 0 : i32
    %dma_start3A_1139 = arith.constant 0 : i32
    %dma_start3A_1140 = tpu.memref_slice %arg6[%dma_start3A_1129, %dma_start3A_1138, %dma_start3A_1139] : memref<6x16x1024xf32, #tpu.memory_space<vmem>> -> memref<1x16x1024xf32, #tpu.memory_space<vmem>>
    %dma_start3A_1141 = tpu.memref_squeeze %dma_start3A_1140 : memref<1x16x1024xf32, #tpu.memory_space<vmem>> -> memref<16x1024xf32, #tpu.memory_space<vmem>>
    tpu.enqueue_dma source(%dma_start3A_1141 : memref<16x1024xf32, #tpu.memory_space<vmem>>) target(%dma_start3A_1137 : memref<16x1024xf32, #tpu.memory_space<hbm>>) target_semaphore(%arg16 : memref<!tpu.dma_semaphore, #tpu.memory_space<semaphore_mem>>)
    %dma_wait3A_1142 = arith.constant 1 : i32
    %dma_wait3A_1143 = arith.constant 0 : i32
    %dma_wait3A_1144 = arith.constant 0 : i32
    %dma_wait3A_1145 = tpu.memref_slice %arg6[%dma_wait3A_1142, %dma_wait3A_1143, %dma_wait3A_1144] : memref<6x16x1024xf32, #tpu.memory_space<vmem>> -> memref<1x16x1024xf32, #tpu.memory_space<vmem>>
    %dma_wait3A_1146 = tpu.memref_squeeze %dma_wait3A_1145 : memref<1x16x1024xf32, #tpu.memory_space<vmem>> -> memref<16x1024xf32, #tpu.memory_space<vmem>>
    %dma_wait3A_1147 = arith.constant 0 : i32
    %dma_wait3A_1148 = tpu.memref_slice %arg4[%add3A_1024, %dma_wait3A_1147] : memref<16384x1024xf32, #tpu.memory_space<hbm>> -> memref<16x1024xf32, #tpu.memory_space<hbm>>
    %dma_wait3A_1149 = arith.constant 0 : i32
    %dma_wait3A_1150 = tpu.memref_slice %arg4[%add3A_1024, %dma_wait3A_1149] : memref<16384x1024xf32, #tpu.memory_space<hbm>> -> memref<16x1024xf32, #tpu.memory_space<hbm>>
    %dma_wait3A_1151 = arith.constant 0 : i32
    %dma_wait3A_1152 = arith.constant 0 : i32
    %dma_wait3A_1153 = tpu.memref_slice %arg6[%dma_wait3A_1142, %dma_wait3A_1151, %dma_wait3A_1152] : memref<6x16x1024xf32, #tpu.memory_space<vmem>> -> memref<1x16x1024xf32, #tpu.memory_space<vmem>>
    %dma_wait3A_1154 = tpu.memref_squeeze %dma_wait3A_1153 : memref<1x16x1024xf32, #tpu.memory_space<vmem>> -> memref<16x1024xf32, #tpu.memory_space<vmem>>
    tpu.wait_dma2 semaphore(%arg14 : memref<!tpu.dma_semaphore, #tpu.memory_space<semaphore_mem>>) src(%dma_wait3A_1154 : memref<16x1024xf32, #tpu.memory_space<vmem>>) dst(%dma_wait3A_1150 : memref<16x1024xf32, #tpu.memory_space<hbm>>)
    %dma_start3A_1155 = arith.constant 25 : i32
    %dma_start3A_1156 = arith.constant 1 : i32
    %dma_start3A_1157 = arith.constant 0 : i32
    %dma_start3A_1158 = arith.constant 0 : i32
    %dma_start3A_1159 = tpu.memref_slice %arg6[%dma_start3A_1156, %dma_start3A_1157, %dma_start3A_1158] : memref<6x16x1024xf32, #tpu.memory_space<vmem>> -> memref<1x16x1024xf32, #tpu.memory_space<vmem>>
    %dma_start3A_1160 = tpu.memref_squeeze %dma_start3A_1159 : memref<1x16x1024xf32, #tpu.memory_space<vmem>> -> memref<16x1024xf32, #tpu.memory_space<vmem>>
    %dma_start3A_1161 = arith.constant 0 : i32
    %dma_start3A_1162 = tpu.memref_slice %arg5[%dma_start3A_1155, %dma_start3A_1161] : memref<32x16xi32, #tpu.memory_space<vmem>> -> memref<1x16xi32, #tpu.memory_space<vmem>>
    %dma_start3A_1163 = tpu.memref_squeeze %dma_start3A_1162 : memref<1x16xi32, #tpu.memory_space<vmem>> -> memref<16xi32, #tpu.memory_space<vmem>>
    %dma_start3A_1164 = arith.constant 0 : i32
    %dma_start3A_1165 = arith.constant 0 : i32
    %dma_start3A_1166 = tpu.memref_slice %arg2[%dma_start3A_1164, %dma_start3A_1165] : memref<16384x1024xf32, #tpu.memory_space<hbm>> -> memref<16384x1024xf32, #tpu.memory_space<hbm>>
    tpu.enqueue_indirect_dma source(%dma_start3A_1166 : memref<16384x1024xf32, #tpu.memory_space<hbm>>) target(%dma_start3A_1160 : memref<16x1024xf32, #tpu.memory_space<vmem>>) offsets(%dma_start3A_1163 : memref<16xi32, #tpu.memory_space<vmem>>) semaphore(%arg8 : memref<!tpu.dma_semaphore, #tpu.memory_space<semaphore_mem>>)
    %dma_wait3A_1167 = arith.constant 22 : i32
    %dma_wait3A_1168 = arith.constant 4 : i32
    %dma_wait3A_1169 = arith.constant 0 : i32
    %dma_wait3A_1170 = arith.constant 0 : i32
    %dma_wait3A_1171 = tpu.memref_slice %arg6[%dma_wait3A_1168, %dma_wait3A_1169, %dma_wait3A_1170] : memref<6x16x1024xf32, #tpu.memory_space<vmem>> -> memref<1x16x1024xf32, #tpu.memory_space<vmem>>
    %dma_wait3A_1172 = tpu.memref_squeeze %dma_wait3A_1171 : memref<1x16x1024xf32, #tpu.memory_space<vmem>> -> memref<16x1024xf32, #tpu.memory_space<vmem>>
    %dma_wait3A_1173 = arith.constant 0 : i32
    %dma_wait3A_1174 = tpu.memref_slice %arg5[%dma_wait3A_1167, %dma_wait3A_1173] : memref<32x16xi32, #tpu.memory_space<vmem>> -> memref<1x16xi32, #tpu.memory_space<vmem>>
    %dma_wait3A_1175 = tpu.memref_squeeze %dma_wait3A_1174 : memref<1x16xi32, #tpu.memory_space<vmem>> -> memref<16xi32, #tpu.memory_space<vmem>>
    %dma_wait3A_1176 = arith.constant 0 : i32
    %dma_wait3A_1177 = arith.constant 0 : i32
    %dma_wait3A_1178 = tpu.memref_slice %arg2[%dma_wait3A_1176, %dma_wait3A_1177] : memref<16384x1024xf32, #tpu.memory_space<hbm>> -> memref<16384x1024xf32, #tpu.memory_space<hbm>>
    tpu.wait_indirect_dma semaphore(%arg11 : memref<!tpu.dma_semaphore, #tpu.memory_space<semaphore_mem>>) src(%dma_wait3A_1178 : memref<16384x1024xf32, #tpu.memory_space<hbm>>) dst(%dma_wait3A_1172 : memref<16x1024xf32, #tpu.memory_space<vmem>>)
    %add3A_1179 = arith.constant 352 : i32
    %add3A_1180 = arith.addi %mul3A_2, %add3A_1179 : i32
    %dma_start3A_1181 = arith.constant 4 : i32
    %dma_start3A_1182 = arith.constant 0 : i32
    %dma_start3A_1183 = arith.constant 0 : i32
    %dma_start3A_1184 = tpu.memref_slice %arg6[%dma_start3A_1181, %dma_start3A_1182, %dma_start3A_1183] : memref<6x16x1024xf32, #tpu.memory_space<vmem>> -> memref<1x16x1024xf32, #tpu.memory_space<vmem>>
    %dma_start3A_1185 = tpu.memref_squeeze %dma_start3A_1184 : memref<1x16x1024xf32, #tpu.memory_space<vmem>> -> memref<16x1024xf32, #tpu.memory_space<vmem>>
    %dma_start3A_1186 = arith.constant 0 : i32
    %dma_start3A_1187 = tpu.memref_slice %arg4[%add3A_1180, %dma_start3A_1186] : memref<16384x1024xf32, #tpu.memory_space<hbm>> -> memref<16x1024xf32, #tpu.memory_space<hbm>>
    %dma_start3A_1188 = arith.constant 0 : i32
    %dma_start3A_1189 = tpu.memref_slice %arg4[%add3A_1180, %dma_start3A_1188] : memref<16384x1024xf32, #tpu.memory_space<hbm>> -> memref<16x1024xf32, #tpu.memory_space<hbm>>
    %dma_start3A_1190 = arith.constant 0 : i32
    %dma_start3A_1191 = arith.constant 0 : i32
    %dma_start3A_1192 = tpu.memref_slice %arg6[%dma_start3A_1181, %dma_start3A_1190, %dma_start3A_1191] : memref<6x16x1024xf32, #tpu.memory_space<vmem>> -> memref<1x16x1024xf32, #tpu.memory_space<vmem>>
    %dma_start3A_1193 = tpu.memref_squeeze %dma_start3A_1192 : memref<1x16x1024xf32, #tpu.memory_space<vmem>> -> memref<16x1024xf32, #tpu.memory_space<vmem>>
    tpu.enqueue_dma source(%dma_start3A_1193 : memref<16x1024xf32, #tpu.memory_space<vmem>>) target(%dma_start3A_1189 : memref<16x1024xf32, #tpu.memory_space<hbm>>) target_semaphore(%arg17 : memref<!tpu.dma_semaphore, #tpu.memory_space<semaphore_mem>>)
    %dma_wait3A_1194 = arith.constant 2 : i32
    %dma_wait3A_1195 = arith.constant 0 : i32
    %dma_wait3A_1196 = arith.constant 0 : i32
    %dma_wait3A_1197 = tpu.memref_slice %arg6[%dma_wait3A_1194, %dma_wait3A_1195, %dma_wait3A_1196] : memref<6x16x1024xf32, #tpu.memory_space<vmem>> -> memref<1x16x1024xf32, #tpu.memory_space<vmem>>
    %dma_wait3A_1198 = tpu.memref_squeeze %dma_wait3A_1197 : memref<1x16x1024xf32, #tpu.memory_space<vmem>> -> memref<16x1024xf32, #tpu.memory_space<vmem>>
    %dma_wait3A_1199 = arith.constant 0 : i32
    %dma_wait3A_1200 = tpu.memref_slice %arg4[%add3A_1076, %dma_wait3A_1199] : memref<16384x1024xf32, #tpu.memory_space<hbm>> -> memref<16x1024xf32, #tpu.memory_space<hbm>>
    %dma_wait3A_1201 = arith.constant 0 : i32
    %dma_wait3A_1202 = tpu.memref_slice %arg4[%add3A_1076, %dma_wait3A_1201] : memref<16384x1024xf32, #tpu.memory_space<hbm>> -> memref<16x1024xf32, #tpu.memory_space<hbm>>
    %dma_wait3A_1203 = arith.constant 0 : i32
    %dma_wait3A_1204 = arith.constant 0 : i32
    %dma_wait3A_1205 = tpu.memref_slice %arg6[%dma_wait3A_1194, %dma_wait3A_1203, %dma_wait3A_1204] : memref<6x16x1024xf32, #tpu.memory_space<vmem>> -> memref<1x16x1024xf32, #tpu.memory_space<vmem>>
    %dma_wait3A_1206 = tpu.memref_squeeze %dma_wait3A_1205 : memref<1x16x1024xf32, #tpu.memory_space<vmem>> -> memref<16x1024xf32, #tpu.memory_space<vmem>>
    tpu.wait_dma2 semaphore(%arg15 : memref<!tpu.dma_semaphore, #tpu.memory_space<semaphore_mem>>) src(%dma_wait3A_1206 : memref<16x1024xf32, #tpu.memory_space<vmem>>) dst(%dma_wait3A_1202 : memref<16x1024xf32, #tpu.memory_space<hbm>>)
    %dma_start3A_1207 = arith.constant 26 : i32
    %dma_start3A_1208 = arith.constant 2 : i32
    %dma_start3A_1209 = arith.constant 0 : i32
    %dma_start3A_1210 = arith.constant 0 : i32
    %dma_start3A_1211 = tpu.memref_slice %arg6[%dma_start3A_1208, %dma_start3A_1209, %dma_start3A_1210] : memref<6x16x1024xf32, #tpu.memory_space<vmem>> -> memref<1x16x1024xf32, #tpu.memory_space<vmem>>
    %dma_start3A_1212 = tpu.memref_squeeze %dma_start3A_1211 : memref<1x16x1024xf32, #tpu.memory_space<vmem>> -> memref<16x1024xf32, #tpu.memory_space<vmem>>
    %dma_start3A_1213 = arith.constant 0 : i32
    %dma_start3A_1214 = tpu.memref_slice %arg5[%dma_start3A_1207, %dma_start3A_1213] : memref<32x16xi32, #tpu.memory_space<vmem>> -> memref<1x16xi32, #tpu.memory_space<vmem>>
    %dma_start3A_1215 = tpu.memref_squeeze %dma_start3A_1214 : memref<1x16xi32, #tpu.memory_space<vmem>> -> memref<16xi32, #tpu.memory_space<vmem>>
    %dma_start3A_1216 = arith.constant 0 : i32
    %dma_start3A_1217 = arith.constant 0 : i32
    %dma_start3A_1218 = tpu.memref_slice %arg2[%dma_start3A_1216, %dma_start3A_1217] : memref<16384x1024xf32, #tpu.memory_space<hbm>> -> memref<16384x1024xf32, #tpu.memory_space<hbm>>
    tpu.enqueue_indirect_dma source(%dma_start3A_1218 : memref<16384x1024xf32, #tpu.memory_space<hbm>>) target(%dma_start3A_1212 : memref<16x1024xf32, #tpu.memory_space<vmem>>) offsets(%dma_start3A_1215 : memref<16xi32, #tpu.memory_space<vmem>>) semaphore(%arg9 : memref<!tpu.dma_semaphore, #tpu.memory_space<semaphore_mem>>)
    %dma_wait3A_1219 = arith.constant 23 : i32
    %dma_wait3A_1220 = arith.constant 5 : i32
    %dma_wait3A_1221 = arith.constant 0 : i32
    %dma_wait3A_1222 = arith.constant 0 : i32
    %dma_wait3A_1223 = tpu.memref_slice %arg6[%dma_wait3A_1220, %dma_wait3A_1221, %dma_wait3A_1222] : memref<6x16x1024xf32, #tpu.memory_space<vmem>> -> memref<1x16x1024xf32, #tpu.memory_space<vmem>>
    %dma_wait3A_1224 = tpu.memref_squeeze %dma_wait3A_1223 : memref<1x16x1024xf32, #tpu.memory_space<vmem>> -> memref<16x1024xf32, #tpu.memory_space<vmem>>
    %dma_wait3A_1225 = arith.constant 0 : i32
    %dma_wait3A_1226 = tpu.memref_slice %arg5[%dma_wait3A_1219, %dma_wait3A_1225] : memref<32x16xi32, #tpu.memory_space<vmem>> -> memref<1x16xi32, #tpu.memory_space<vmem>>
    %dma_wait3A_1227 = tpu.memref_squeeze %dma_wait3A_1226 : memref<1x16xi32, #tpu.memory_space<vmem>> -> memref<16xi32, #tpu.memory_space<vmem>>
    %dma_wait3A_1228 = arith.constant 0 : i32
    %dma_wait3A_1229 = arith.constant 0 : i32
    %dma_wait3A_1230 = tpu.memref_slice %arg2[%dma_wait3A_1228, %dma_wait3A_1229] : memref<16384x1024xf32, #tpu.memory_space<hbm>> -> memref<16384x1024xf32, #tpu.memory_space<hbm>>
    tpu.wait_indirect_dma semaphore(%arg12 : memref<!tpu.dma_semaphore, #tpu.memory_space<semaphore_mem>>) src(%dma_wait3A_1230 : memref<16384x1024xf32, #tpu.memory_space<hbm>>) dst(%dma_wait3A_1224 : memref<16x1024xf32, #tpu.memory_space<vmem>>)
    %add3A_1231 = arith.constant 368 : i32
    %add3A_1232 = arith.addi %mul3A_2, %add3A_1231 : i32
    %dma_start3A_1233 = arith.constant 5 : i32
    %dma_start3A_1234 = arith.constant 0 : i32
    %dma_start3A_1235 = arith.constant 0 : i32
    %dma_start3A_1236 = tpu.memref_slice %arg6[%dma_start3A_1233, %dma_start3A_1234, %dma_start3A_1235] : memref<6x16x1024xf32, #tpu.memory_space<vmem>> -> memref<1x16x1024xf32, #tpu.memory_space<vmem>>
    %dma_start3A_1237 = tpu.memref_squeeze %dma_start3A_1236 : memref<1x16x1024xf32, #tpu.memory_space<vmem>> -> memref<16x1024xf32, #tpu.memory_space<vmem>>
    %dma_start3A_1238 = arith.constant 0 : i32
    %dma_start3A_1239 = tpu.memref_slice %arg4[%add3A_1232, %dma_start3A_1238] : memref<16384x1024xf32, #tpu.memory_space<hbm>> -> memref<16x1024xf32, #tpu.memory_space<hbm>>
    %dma_start3A_1240 = arith.constant 0 : i32
    %dma_start3A_1241 = tpu.memref_slice %arg4[%add3A_1232, %dma_start3A_1240] : memref<16384x1024xf32, #tpu.memory_space<hbm>> -> memref<16x1024xf32, #tpu.memory_space<hbm>>
    %dma_start3A_1242 = arith.constant 0 : i32
    %dma_start3A_1243 = arith.constant 0 : i32
    %dma_start3A_1244 = tpu.memref_slice %arg6[%dma_start3A_1233, %dma_start3A_1242, %dma_start3A_1243] : memref<6x16x1024xf32, #tpu.memory_space<vmem>> -> memref<1x16x1024xf32, #tpu.memory_space<vmem>>
    %dma_start3A_1245 = tpu.memref_squeeze %dma_start3A_1244 : memref<1x16x1024xf32, #tpu.memory_space<vmem>> -> memref<16x1024xf32, #tpu.memory_space<vmem>>
    tpu.enqueue_dma source(%dma_start3A_1245 : memref<16x1024xf32, #tpu.memory_space<vmem>>) target(%dma_start3A_1241 : memref<16x1024xf32, #tpu.memory_space<hbm>>) target_semaphore(%arg18 : memref<!tpu.dma_semaphore, #tpu.memory_space<semaphore_mem>>)
    %dma_wait3A_1246 = arith.constant 3 : i32
    %dma_wait3A_1247 = arith.constant 0 : i32
    %dma_wait3A_1248 = arith.constant 0 : i32
    %dma_wait3A_1249 = tpu.memref_slice %arg6[%dma_wait3A_1246, %dma_wait3A_1247, %dma_wait3A_1248] : memref<6x16x1024xf32, #tpu.memory_space<vmem>> -> memref<1x16x1024xf32, #tpu.memory_space<vmem>>
    %dma_wait3A_1250 = tpu.memref_squeeze %dma_wait3A_1249 : memref<1x16x1024xf32, #tpu.memory_space<vmem>> -> memref<16x1024xf32, #tpu.memory_space<vmem>>
    %dma_wait3A_1251 = arith.constant 0 : i32
    %dma_wait3A_1252 = tpu.memref_slice %arg4[%add3A_1128, %dma_wait3A_1251] : memref<16384x1024xf32, #tpu.memory_space<hbm>> -> memref<16x1024xf32, #tpu.memory_space<hbm>>
    %dma_wait3A_1253 = arith.constant 0 : i32
    %dma_wait3A_1254 = tpu.memref_slice %arg4[%add3A_1128, %dma_wait3A_1253] : memref<16384x1024xf32, #tpu.memory_space<hbm>> -> memref<16x1024xf32, #tpu.memory_space<hbm>>
    %dma_wait3A_1255 = arith.constant 0 : i32
    %dma_wait3A_1256 = arith.constant 0 : i32
    %dma_wait3A_1257 = tpu.memref_slice %arg6[%dma_wait3A_1246, %dma_wait3A_1255, %dma_wait3A_1256] : memref<6x16x1024xf32, #tpu.memory_space<vmem>> -> memref<1x16x1024xf32, #tpu.memory_space<vmem>>
    %dma_wait3A_1258 = tpu.memref_squeeze %dma_wait3A_1257 : memref<1x16x1024xf32, #tpu.memory_space<vmem>> -> memref<16x1024xf32, #tpu.memory_space<vmem>>
    tpu.wait_dma2 semaphore(%arg16 : memref<!tpu.dma_semaphore, #tpu.memory_space<semaphore_mem>>) src(%dma_wait3A_1258 : memref<16x1024xf32, #tpu.memory_space<vmem>>) dst(%dma_wait3A_1254 : memref<16x1024xf32, #tpu.memory_space<hbm>>)
    %dma_start3A_1259 = arith.constant 27 : i32
    %dma_start3A_1260 = arith.constant 3 : i32
    %dma_start3A_1261 = arith.constant 0 : i32
    %dma_start3A_1262 = arith.constant 0 : i32
    %dma_start3A_1263 = tpu.memref_slice %arg6[%dma_start3A_1260, %dma_start3A_1261, %dma_start3A_1262] : memref<6x16x1024xf32, #tpu.memory_space<vmem>> -> memref<1x16x1024xf32, #tpu.memory_space<vmem>>
    %dma_start3A_1264 = tpu.memref_squeeze %dma_start3A_1263 : memref<1x16x1024xf32, #tpu.memory_space<vmem>> -> memref<16x1024xf32, #tpu.memory_space<vmem>>
    %dma_start3A_1265 = arith.constant 0 : i32
    %dma_start3A_1266 = tpu.memref_slice %arg5[%dma_start3A_1259, %dma_start3A_1265] : memref<32x16xi32, #tpu.memory_space<vmem>> -> memref<1x16xi32, #tpu.memory_space<vmem>>
    %dma_start3A_1267 = tpu.memref_squeeze %dma_start3A_1266 : memref<1x16xi32, #tpu.memory_space<vmem>> -> memref<16xi32, #tpu.memory_space<vmem>>
    %dma_start3A_1268 = arith.constant 0 : i32
    %dma_start3A_1269 = arith.constant 0 : i32
    %dma_start3A_1270 = tpu.memref_slice %arg2[%dma_start3A_1268, %dma_start3A_1269] : memref<16384x1024xf32, #tpu.memory_space<hbm>> -> memref<16384x1024xf32, #tpu.memory_space<hbm>>
    tpu.enqueue_indirect_dma source(%dma_start3A_1270 : memref<16384x1024xf32, #tpu.memory_space<hbm>>) target(%dma_start3A_1264 : memref<16x1024xf32, #tpu.memory_space<vmem>>) offsets(%dma_start3A_1267 : memref<16xi32, #tpu.memory_space<vmem>>) semaphore(%arg10 : memref<!tpu.dma_semaphore, #tpu.memory_space<semaphore_mem>>)
    %dma_wait3A_1271 = arith.constant 24 : i32
    %dma_wait3A_1272 = arith.constant 0 : i32
    %dma_wait3A_1273 = arith.constant 0 : i32
    %dma_wait3A_1274 = arith.constant 0 : i32
    %dma_wait3A_1275 = tpu.memref_slice %arg6[%dma_wait3A_1272, %dma_wait3A_1273, %dma_wait3A_1274] : memref<6x16x1024xf32, #tpu.memory_space<vmem>> -> memref<1x16x1024xf32, #tpu.memory_space<vmem>>
    %dma_wait3A_1276 = tpu.memref_squeeze %dma_wait3A_1275 : memref<1x16x1024xf32, #tpu.memory_space<vmem>> -> memref<16x1024xf32, #tpu.memory_space<vmem>>
    %dma_wait3A_1277 = arith.constant 0 : i32
    %dma_wait3A_1278 = tpu.memref_slice %arg5[%dma_wait3A_1271, %dma_wait3A_1277] : memref<32x16xi32, #tpu.memory_space<vmem>> -> memref<1x16xi32, #tpu.memory_space<vmem>>
    %dma_wait3A_1279 = tpu.memref_squeeze %dma_wait3A_1278 : memref<1x16xi32, #tpu.memory_space<vmem>> -> memref<16xi32, #tpu.memory_space<vmem>>
    %dma_wait3A_1280 = arith.constant 0 : i32
    %dma_wait3A_1281 = arith.constant 0 : i32
    %dma_wait3A_1282 = tpu.memref_slice %arg2[%dma_wait3A_1280, %dma_wait3A_1281] : memref<16384x1024xf32, #tpu.memory_space<hbm>> -> memref<16384x1024xf32, #tpu.memory_space<hbm>>
    tpu.wait_indirect_dma semaphore(%arg7 : memref<!tpu.dma_semaphore, #tpu.memory_space<semaphore_mem>>) src(%dma_wait3A_1282 : memref<16384x1024xf32, #tpu.memory_space<hbm>>) dst(%dma_wait3A_1276 : memref<16x1024xf32, #tpu.memory_space<vmem>>)
    %add3A_1283 = arith.constant 384 : i32
    %add3A_1284 = arith.addi %mul3A_2, %add3A_1283 : i32
    %dma_start3A_1285 = arith.constant 0 : i32
    %dma_start3A_1286 = arith.constant 0 : i32
    %dma_start3A_1287 = arith.constant 0 : i32
    %dma_start3A_1288 = tpu.memref_slice %arg6[%dma_start3A_1285, %dma_start3A_1286, %dma_start3A_1287] : memref<6x16x1024xf32, #tpu.memory_space<vmem>> -> memref<1x16x1024xf32, #tpu.memory_space<vmem>>
    %dma_start3A_1289 = tpu.memref_squeeze %dma_start3A_1288 : memref<1x16x1024xf32, #tpu.memory_space<vmem>> -> memref<16x1024xf32, #tpu.memory_space<vmem>>
    %dma_start3A_1290 = arith.constant 0 : i32
    %dma_start3A_1291 = tpu.memref_slice %arg4[%add3A_1284, %dma_start3A_1290] : memref<16384x1024xf32, #tpu.memory_space<hbm>> -> memref<16x1024xf32, #tpu.memory_space<hbm>>
    %dma_start3A_1292 = arith.constant 0 : i32
    %dma_start3A_1293 = tpu.memref_slice %arg4[%add3A_1284, %dma_start3A_1292] : memref<16384x1024xf32, #tpu.memory_space<hbm>> -> memref<16x1024xf32, #tpu.memory_space<hbm>>
    %dma_start3A_1294 = arith.constant 0 : i32
    %dma_start3A_1295 = arith.constant 0 : i32
    %dma_start3A_1296 = tpu.memref_slice %arg6[%dma_start3A_1285, %dma_start3A_1294, %dma_start3A_1295] : memref<6x16x1024xf32, #tpu.memory_space<vmem>> -> memref<1x16x1024xf32, #tpu.memory_space<vmem>>
    %dma_start3A_1297 = tpu.memref_squeeze %dma_start3A_1296 : memref<1x16x1024xf32, #tpu.memory_space<vmem>> -> memref<16x1024xf32, #tpu.memory_space<vmem>>
    tpu.enqueue_dma source(%dma_start3A_1297 : memref<16x1024xf32, #tpu.memory_space<vmem>>) target(%dma_start3A_1293 : memref<16x1024xf32, #tpu.memory_space<hbm>>) target_semaphore(%arg13 : memref<!tpu.dma_semaphore, #tpu.memory_space<semaphore_mem>>)
    %dma_wait3A_1298 = arith.constant 4 : i32
    %dma_wait3A_1299 = arith.constant 0 : i32
    %dma_wait3A_1300 = arith.constant 0 : i32
    %dma_wait3A_1301 = tpu.memref_slice %arg6[%dma_wait3A_1298, %dma_wait3A_1299, %dma_wait3A_1300] : memref<6x16x1024xf32, #tpu.memory_space<vmem>> -> memref<1x16x1024xf32, #tpu.memory_space<vmem>>
    %dma_wait3A_1302 = tpu.memref_squeeze %dma_wait3A_1301 : memref<1x16x1024xf32, #tpu.memory_space<vmem>> -> memref<16x1024xf32, #tpu.memory_space<vmem>>
    %dma_wait3A_1303 = arith.constant 0 : i32
    %dma_wait3A_1304 = tpu.memref_slice %arg4[%add3A_1180, %dma_wait3A_1303] : memref<16384x1024xf32, #tpu.memory_space<hbm>> -> memref<16x1024xf32, #tpu.memory_space<hbm>>
    %dma_wait3A_1305 = arith.constant 0 : i32
    %dma_wait3A_1306 = tpu.memref_slice %arg4[%add3A_1180, %dma_wait3A_1305] : memref<16384x1024xf32, #tpu.memory_space<hbm>> -> memref<16x1024xf32, #tpu.memory_space<hbm>>
    %dma_wait3A_1307 = arith.constant 0 : i32
    %dma_wait3A_1308 = arith.constant 0 : i32
    %dma_wait3A_1309 = tpu.memref_slice %arg6[%dma_wait3A_1298, %dma_wait3A_1307, %dma_wait3A_1308] : memref<6x16x1024xf32, #tpu.memory_space<vmem>> -> memref<1x16x1024xf32, #tpu.memory_space<vmem>>
    %dma_wait3A_1310 = tpu.memref_squeeze %dma_wait3A_1309 : memref<1x16x1024xf32, #tpu.memory_space<vmem>> -> memref<16x1024xf32, #tpu.memory_space<vmem>>
    tpu.wait_dma2 semaphore(%arg17 : memref<!tpu.dma_semaphore, #tpu.memory_space<semaphore_mem>>) src(%dma_wait3A_1310 : memref<16x1024xf32, #tpu.memory_space<vmem>>) dst(%dma_wait3A_1306 : memref<16x1024xf32, #tpu.memory_space<hbm>>)
    %dma_start3A_1311 = arith.constant 28 : i32
    %dma_start3A_1312 = arith.constant 4 : i32
    %dma_start3A_1313 = arith.constant 0 : i32
    %dma_start3A_1314 = arith.constant 0 : i32
    %dma_start3A_1315 = tpu.memref_slice %arg6[%dma_start3A_1312, %dma_start3A_1313, %dma_start3A_1314] : memref<6x16x1024xf32, #tpu.memory_space<vmem>> -> memref<1x16x1024xf32, #tpu.memory_space<vmem>>
    %dma_start3A_1316 = tpu.memref_squeeze %dma_start3A_1315 : memref<1x16x1024xf32, #tpu.memory_space<vmem>> -> memref<16x1024xf32, #tpu.memory_space<vmem>>
    %dma_start3A_1317 = arith.constant 0 : i32
    %dma_start3A_1318 = tpu.memref_slice %arg5[%dma_start3A_1311, %dma_start3A_1317] : memref<32x16xi32, #tpu.memory_space<vmem>> -> memref<1x16xi32, #tpu.memory_space<vmem>>
    %dma_start3A_1319 = tpu.memref_squeeze %dma_start3A_1318 : memref<1x16xi32, #tpu.memory_space<vmem>> -> memref<16xi32, #tpu.memory_space<vmem>>
    %dma_start3A_1320 = arith.constant 0 : i32
    %dma_start3A_1321 = arith.constant 0 : i32
    %dma_start3A_1322 = tpu.memref_slice %arg2[%dma_start3A_1320, %dma_start3A_1321] : memref<16384x1024xf32, #tpu.memory_space<hbm>> -> memref<16384x1024xf32, #tpu.memory_space<hbm>>
    tpu.enqueue_indirect_dma source(%dma_start3A_1322 : memref<16384x1024xf32, #tpu.memory_space<hbm>>) target(%dma_start3A_1316 : memref<16x1024xf32, #tpu.memory_space<vmem>>) offsets(%dma_start3A_1319 : memref<16xi32, #tpu.memory_space<vmem>>) semaphore(%arg11 : memref<!tpu.dma_semaphore, #tpu.memory_space<semaphore_mem>>)
    %dma_wait3A_1323 = arith.constant 25 : i32
    %dma_wait3A_1324 = arith.constant 1 : i32
    %dma_wait3A_1325 = arith.constant 0 : i32
    %dma_wait3A_1326 = arith.constant 0 : i32
    %dma_wait3A_1327 = tpu.memref_slice %arg6[%dma_wait3A_1324, %dma_wait3A_1325, %dma_wait3A_1326] : memref<6x16x1024xf32, #tpu.memory_space<vmem>> -> memref<1x16x1024xf32, #tpu.memory_space<vmem>>
    %dma_wait3A_1328 = tpu.memref_squeeze %dma_wait3A_1327 : memref<1x16x1024xf32, #tpu.memory_space<vmem>> -> memref<16x1024xf32, #tpu.memory_space<vmem>>
    %dma_wait3A_1329 = arith.constant 0 : i32
    %dma_wait3A_1330 = tpu.memref_slice %arg5[%dma_wait3A_1323, %dma_wait3A_1329] : memref<32x16xi32, #tpu.memory_space<vmem>> -> memref<1x16xi32, #tpu.memory_space<vmem>>
    %dma_wait3A_1331 = tpu.memref_squeeze %dma_wait3A_1330 : memref<1x16xi32, #tpu.memory_space<vmem>> -> memref<16xi32, #tpu.memory_space<vmem>>
    %dma_wait3A_1332 = arith.constant 0 : i32
    %dma_wait3A_1333 = arith.constant 0 : i32
    %dma_wait3A_1334 = tpu.memref_slice %arg2[%dma_wait3A_1332, %dma_wait3A_1333] : memref<16384x1024xf32, #tpu.memory_space<hbm>> -> memref<16384x1024xf32, #tpu.memory_space<hbm>>
    tpu.wait_indirect_dma semaphore(%arg8 : memref<!tpu.dma_semaphore, #tpu.memory_space<semaphore_mem>>) src(%dma_wait3A_1334 : memref<16384x1024xf32, #tpu.memory_space<hbm>>) dst(%dma_wait3A_1328 : memref<16x1024xf32, #tpu.memory_space<vmem>>)
    %add3A_1335 = arith.constant 400 : i32
    %add3A_1336 = arith.addi %mul3A_2, %add3A_1335 : i32
    %dma_start3A_1337 = arith.constant 1 : i32
    %dma_start3A_1338 = arith.constant 0 : i32
    %dma_start3A_1339 = arith.constant 0 : i32
    %dma_start3A_1340 = tpu.memref_slice %arg6[%dma_start3A_1337, %dma_start3A_1338, %dma_start3A_1339] : memref<6x16x1024xf32, #tpu.memory_space<vmem>> -> memref<1x16x1024xf32, #tpu.memory_space<vmem>>
    %dma_start3A_1341 = tpu.memref_squeeze %dma_start3A_1340 : memref<1x16x1024xf32, #tpu.memory_space<vmem>> -> memref<16x1024xf32, #tpu.memory_space<vmem>>
    %dma_start3A_1342 = arith.constant 0 : i32
    %dma_start3A_1343 = tpu.memref_slice %arg4[%add3A_1336, %dma_start3A_1342] : memref<16384x1024xf32, #tpu.memory_space<hbm>> -> memref<16x1024xf32, #tpu.memory_space<hbm>>
    %dma_start3A_1344 = arith.constant 0 : i32
    %dma_start3A_1345 = tpu.memref_slice %arg4[%add3A_1336, %dma_start3A_1344] : memref<16384x1024xf32, #tpu.memory_space<hbm>> -> memref<16x1024xf32, #tpu.memory_space<hbm>>
    %dma_start3A_1346 = arith.constant 0 : i32
    %dma_start3A_1347 = arith.constant 0 : i32
    %dma_start3A_1348 = tpu.memref_slice %arg6[%dma_start3A_1337, %dma_start3A_1346, %dma_start3A_1347] : memref<6x16x1024xf32, #tpu.memory_space<vmem>> -> memref<1x16x1024xf32, #tpu.memory_space<vmem>>
    %dma_start3A_1349 = tpu.memref_squeeze %dma_start3A_1348 : memref<1x16x1024xf32, #tpu.memory_space<vmem>> -> memref<16x1024xf32, #tpu.memory_space<vmem>>
    tpu.enqueue_dma source(%dma_start3A_1349 : memref<16x1024xf32, #tpu.memory_space<vmem>>) target(%dma_start3A_1345 : memref<16x1024xf32, #tpu.memory_space<hbm>>) target_semaphore(%arg14 : memref<!tpu.dma_semaphore, #tpu.memory_space<semaphore_mem>>)
    %dma_wait3A_1350 = arith.constant 5 : i32
    %dma_wait3A_1351 = arith.constant 0 : i32
    %dma_wait3A_1352 = arith.constant 0 : i32
    %dma_wait3A_1353 = tpu.memref_slice %arg6[%dma_wait3A_1350, %dma_wait3A_1351, %dma_wait3A_1352] : memref<6x16x1024xf32, #tpu.memory_space<vmem>> -> memref<1x16x1024xf32, #tpu.memory_space<vmem>>
    %dma_wait3A_1354 = tpu.memref_squeeze %dma_wait3A_1353 : memref<1x16x1024xf32, #tpu.memory_space<vmem>> -> memref<16x1024xf32, #tpu.memory_space<vmem>>
    %dma_wait3A_1355 = arith.constant 0 : i32
    %dma_wait3A_1356 = tpu.memref_slice %arg4[%add3A_1232, %dma_wait3A_1355] : memref<16384x1024xf32, #tpu.memory_space<hbm>> -> memref<16x1024xf32, #tpu.memory_space<hbm>>
    %dma_wait3A_1357 = arith.constant 0 : i32
    %dma_wait3A_1358 = tpu.memref_slice %arg4[%add3A_1232, %dma_wait3A_1357] : memref<16384x1024xf32, #tpu.memory_space<hbm>> -> memref<16x1024xf32, #tpu.memory_space<hbm>>
    %dma_wait3A_1359 = arith.constant 0 : i32
    %dma_wait3A_1360 = arith.constant 0 : i32
    %dma_wait3A_1361 = tpu.memref_slice %arg6[%dma_wait3A_1350, %dma_wait3A_1359, %dma_wait3A_1360] : memref<6x16x1024xf32, #tpu.memory_space<vmem>> -> memref<1x16x1024xf32, #tpu.memory_space<vmem>>
    %dma_wait3A_1362 = tpu.memref_squeeze %dma_wait3A_1361 : memref<1x16x1024xf32, #tpu.memory_space<vmem>> -> memref<16x1024xf32, #tpu.memory_space<vmem>>
    tpu.wait_dma2 semaphore(%arg18 : memref<!tpu.dma_semaphore, #tpu.memory_space<semaphore_mem>>) src(%dma_wait3A_1362 : memref<16x1024xf32, #tpu.memory_space<vmem>>) dst(%dma_wait3A_1358 : memref<16x1024xf32, #tpu.memory_space<hbm>>)
    %dma_start3A_1363 = arith.constant 29 : i32
    %dma_start3A_1364 = arith.constant 5 : i32
    %dma_start3A_1365 = arith.constant 0 : i32
    %dma_start3A_1366 = arith.constant 0 : i32
    %dma_start3A_1367 = tpu.memref_slice %arg6[%dma_start3A_1364, %dma_start3A_1365, %dma_start3A_1366] : memref<6x16x1024xf32, #tpu.memory_space<vmem>> -> memref<1x16x1024xf32, #tpu.memory_space<vmem>>
    %dma_start3A_1368 = tpu.memref_squeeze %dma_start3A_1367 : memref<1x16x1024xf32, #tpu.memory_space<vmem>> -> memref<16x1024xf32, #tpu.memory_space<vmem>>
    %dma_start3A_1369 = arith.constant 0 : i32
    %dma_start3A_1370 = tpu.memref_slice %arg5[%dma_start3A_1363, %dma_start3A_1369] : memref<32x16xi32, #tpu.memory_space<vmem>> -> memref<1x16xi32, #tpu.memory_space<vmem>>
    %dma_start3A_1371 = tpu.memref_squeeze %dma_start3A_1370 : memref<1x16xi32, #tpu.memory_space<vmem>> -> memref<16xi32, #tpu.memory_space<vmem>>
    %dma_start3A_1372 = arith.constant 0 : i32
    %dma_start3A_1373 = arith.constant 0 : i32
    %dma_start3A_1374 = tpu.memref_slice %arg2[%dma_start3A_1372, %dma_start3A_1373] : memref<16384x1024xf32, #tpu.memory_space<hbm>> -> memref<16384x1024xf32, #tpu.memory_space<hbm>>
    tpu.enqueue_indirect_dma source(%dma_start3A_1374 : memref<16384x1024xf32, #tpu.memory_space<hbm>>) target(%dma_start3A_1368 : memref<16x1024xf32, #tpu.memory_space<vmem>>) offsets(%dma_start3A_1371 : memref<16xi32, #tpu.memory_space<vmem>>) semaphore(%arg12 : memref<!tpu.dma_semaphore, #tpu.memory_space<semaphore_mem>>)
    %dma_wait3A_1375 = arith.constant 26 : i32
    %dma_wait3A_1376 = arith.constant 2 : i32
    %dma_wait3A_1377 = arith.constant 0 : i32
    %dma_wait3A_1378 = arith.constant 0 : i32
    %dma_wait3A_1379 = tpu.memref_slice %arg6[%dma_wait3A_1376, %dma_wait3A_1377, %dma_wait3A_1378] : memref<6x16x1024xf32, #tpu.memory_space<vmem>> -> memref<1x16x1024xf32, #tpu.memory_space<vmem>>
    %dma_wait3A_1380 = tpu.memref_squeeze %dma_wait3A_1379 : memref<1x16x1024xf32, #tpu.memory_space<vmem>> -> memref<16x1024xf32, #tpu.memory_space<vmem>>
    %dma_wait3A_1381 = arith.constant 0 : i32
    %dma_wait3A_1382 = tpu.memref_slice %arg5[%dma_wait3A_1375, %dma_wait3A_1381] : memref<32x16xi32, #tpu.memory_space<vmem>> -> memref<1x16xi32, #tpu.memory_space<vmem>>
    %dma_wait3A_1383 = tpu.memref_squeeze %dma_wait3A_1382 : memref<1x16xi32, #tpu.memory_space<vmem>> -> memref<16xi32, #tpu.memory_space<vmem>>
    %dma_wait3A_1384 = arith.constant 0 : i32
    %dma_wait3A_1385 = arith.constant 0 : i32
    %dma_wait3A_1386 = tpu.memref_slice %arg2[%dma_wait3A_1384, %dma_wait3A_1385] : memref<16384x1024xf32, #tpu.memory_space<hbm>> -> memref<16384x1024xf32, #tpu.memory_space<hbm>>
    tpu.wait_indirect_dma semaphore(%arg9 : memref<!tpu.dma_semaphore, #tpu.memory_space<semaphore_mem>>) src(%dma_wait3A_1386 : memref<16384x1024xf32, #tpu.memory_space<hbm>>) dst(%dma_wait3A_1380 : memref<16x1024xf32, #tpu.memory_space<vmem>>)
    %add3A_1387 = arith.constant 416 : i32
    %add3A_1388 = arith.addi %mul3A_2, %add3A_1387 : i32
    %dma_start3A_1389 = arith.constant 2 : i32
    %dma_start3A_1390 = arith.constant 0 : i32
    %dma_start3A_1391 = arith.constant 0 : i32
    %dma_start3A_1392 = tpu.memref_slice %arg6[%dma_start3A_1389, %dma_start3A_1390, %dma_start3A_1391] : memref<6x16x1024xf32, #tpu.memory_space<vmem>> -> memref<1x16x1024xf32, #tpu.memory_space<vmem>>
    %dma_start3A_1393 = tpu.memref_squeeze %dma_start3A_1392 : memref<1x16x1024xf32, #tpu.memory_space<vmem>> -> memref<16x1024xf32, #tpu.memory_space<vmem>>
    %dma_start3A_1394 = arith.constant 0 : i32
    %dma_start3A_1395 = tpu.memref_slice %arg4[%add3A_1388, %dma_start3A_1394] : memref<16384x1024xf32, #tpu.memory_space<hbm>> -> memref<16x1024xf32, #tpu.memory_space<hbm>>
    %dma_start3A_1396 = arith.constant 0 : i32
    %dma_start3A_1397 = tpu.memref_slice %arg4[%add3A_1388, %dma_start3A_1396] : memref<16384x1024xf32, #tpu.memory_space<hbm>> -> memref<16x1024xf32, #tpu.memory_space<hbm>>
    %dma_start3A_1398 = arith.constant 0 : i32
    %dma_start3A_1399 = arith.constant 0 : i32
    %dma_start3A_1400 = tpu.memref_slice %arg6[%dma_start3A_1389, %dma_start3A_1398, %dma_start3A_1399] : memref<6x16x1024xf32, #tpu.memory_space<vmem>> -> memref<1x16x1024xf32, #tpu.memory_space<vmem>>
    %dma_start3A_1401 = tpu.memref_squeeze %dma_start3A_1400 : memref<1x16x1024xf32, #tpu.memory_space<vmem>> -> memref<16x1024xf32, #tpu.memory_space<vmem>>
    tpu.enqueue_dma source(%dma_start3A_1401 : memref<16x1024xf32, #tpu.memory_space<vmem>>) target(%dma_start3A_1397 : memref<16x1024xf32, #tpu.memory_space<hbm>>) target_semaphore(%arg15 : memref<!tpu.dma_semaphore, #tpu.memory_space<semaphore_mem>>)
    %dma_wait3A_1402 = arith.constant 0 : i32
    %dma_wait3A_1403 = arith.constant 0 : i32
    %dma_wait3A_1404 = arith.constant 0 : i32
    %dma_wait3A_1405 = tpu.memref_slice %arg6[%dma_wait3A_1402, %dma_wait3A_1403, %dma_wait3A_1404] : memref<6x16x1024xf32, #tpu.memory_space<vmem>> -> memref<1x16x1024xf32, #tpu.memory_space<vmem>>
    %dma_wait3A_1406 = tpu.memref_squeeze %dma_wait3A_1405 : memref<1x16x1024xf32, #tpu.memory_space<vmem>> -> memref<16x1024xf32, #tpu.memory_space<vmem>>
    %dma_wait3A_1407 = arith.constant 0 : i32
    %dma_wait3A_1408 = tpu.memref_slice %arg4[%add3A_1284, %dma_wait3A_1407] : memref<16384x1024xf32, #tpu.memory_space<hbm>> -> memref<16x1024xf32, #tpu.memory_space<hbm>>
    %dma_wait3A_1409 = arith.constant 0 : i32
    %dma_wait3A_1410 = tpu.memref_slice %arg4[%add3A_1284, %dma_wait3A_1409] : memref<16384x1024xf32, #tpu.memory_space<hbm>> -> memref<16x1024xf32, #tpu.memory_space<hbm>>
    %dma_wait3A_1411 = arith.constant 0 : i32
    %dma_wait3A_1412 = arith.constant 0 : i32
    %dma_wait3A_1413 = tpu.memref_slice %arg6[%dma_wait3A_1402, %dma_wait3A_1411, %dma_wait3A_1412] : memref<6x16x1024xf32, #tpu.memory_space<vmem>> -> memref<1x16x1024xf32, #tpu.memory_space<vmem>>
    %dma_wait3A_1414 = tpu.memref_squeeze %dma_wait3A_1413 : memref<1x16x1024xf32, #tpu.memory_space<vmem>> -> memref<16x1024xf32, #tpu.memory_space<vmem>>
    tpu.wait_dma2 semaphore(%arg13 : memref<!tpu.dma_semaphore, #tpu.memory_space<semaphore_mem>>) src(%dma_wait3A_1414 : memref<16x1024xf32, #tpu.memory_space<vmem>>) dst(%dma_wait3A_1410 : memref<16x1024xf32, #tpu.memory_space<hbm>>)
    %dma_start3A_1415 = arith.constant 30 : i32
    %dma_start3A_1416 = arith.constant 0 : i32
    %dma_start3A_1417 = arith.constant 0 : i32
    %dma_start3A_1418 = arith.constant 0 : i32
    %dma_start3A_1419 = tpu.memref_slice %arg6[%dma_start3A_1416, %dma_start3A_1417, %dma_start3A_1418] : memref<6x16x1024xf32, #tpu.memory_space<vmem>> -> memref<1x16x1024xf32, #tpu.memory_space<vmem>>
    %dma_start3A_1420 = tpu.memref_squeeze %dma_start3A_1419 : memref<1x16x1024xf32, #tpu.memory_space<vmem>> -> memref<16x1024xf32, #tpu.memory_space<vmem>>
    %dma_start3A_1421 = arith.constant 0 : i32
    %dma_start3A_1422 = tpu.memref_slice %arg5[%dma_start3A_1415, %dma_start3A_1421] : memref<32x16xi32, #tpu.memory_space<vmem>> -> memref<1x16xi32, #tpu.memory_space<vmem>>
    %dma_start3A_1423 = tpu.memref_squeeze %dma_start3A_1422 : memref<1x16xi32, #tpu.memory_space<vmem>> -> memref<16xi32, #tpu.memory_space<vmem>>
    %dma_start3A_1424 = arith.constant 0 : i32
    %dma_start3A_1425 = arith.constant 0 : i32
    %dma_start3A_1426 = tpu.memref_slice %arg2[%dma_start3A_1424, %dma_start3A_1425] : memref<16384x1024xf32, #tpu.memory_space<hbm>> -> memref<16384x1024xf32, #tpu.memory_space<hbm>>
    tpu.enqueue_indirect_dma source(%dma_start3A_1426 : memref<16384x1024xf32, #tpu.memory_space<hbm>>) target(%dma_start3A_1420 : memref<16x1024xf32, #tpu.memory_space<vmem>>) offsets(%dma_start3A_1423 : memref<16xi32, #tpu.memory_space<vmem>>) semaphore(%arg7 : memref<!tpu.dma_semaphore, #tpu.memory_space<semaphore_mem>>)
    %dma_wait3A_1427 = arith.constant 27 : i32
    %dma_wait3A_1428 = arith.constant 3 : i32
    %dma_wait3A_1429 = arith.constant 0 : i32
    %dma_wait3A_1430 = arith.constant 0 : i32
    %dma_wait3A_1431 = tpu.memref_slice %arg6[%dma_wait3A_1428, %dma_wait3A_1429, %dma_wait3A_1430] : memref<6x16x1024xf32, #tpu.memory_space<vmem>> -> memref<1x16x1024xf32, #tpu.memory_space<vmem>>
    %dma_wait3A_1432 = tpu.memref_squeeze %dma_wait3A_1431 : memref<1x16x1024xf32, #tpu.memory_space<vmem>> -> memref<16x1024xf32, #tpu.memory_space<vmem>>
    %dma_wait3A_1433 = arith.constant 0 : i32
    %dma_wait3A_1434 = tpu.memref_slice %arg5[%dma_wait3A_1427, %dma_wait3A_1433] : memref<32x16xi32, #tpu.memory_space<vmem>> -> memref<1x16xi32, #tpu.memory_space<vmem>>
    %dma_wait3A_1435 = tpu.memref_squeeze %dma_wait3A_1434 : memref<1x16xi32, #tpu.memory_space<vmem>> -> memref<16xi32, #tpu.memory_space<vmem>>
    %dma_wait3A_1436 = arith.constant 0 : i32
    %dma_wait3A_1437 = arith.constant 0 : i32
    %dma_wait3A_1438 = tpu.memref_slice %arg2[%dma_wait3A_1436, %dma_wait3A_1437] : memref<16384x1024xf32, #tpu.memory_space<hbm>> -> memref<16384x1024xf32, #tpu.memory_space<hbm>>
    tpu.wait_indirect_dma semaphore(%arg10 : memref<!tpu.dma_semaphore, #tpu.memory_space<semaphore_mem>>) src(%dma_wait3A_1438 : memref<16384x1024xf32, #tpu.memory_space<hbm>>) dst(%dma_wait3A_1432 : memref<16x1024xf32, #tpu.memory_space<vmem>>)
    %add3A_1439 = arith.constant 432 : i32
    %add3A_1440 = arith.addi %mul3A_2, %add3A_1439 : i32
    %dma_start3A_1441 = arith.constant 3 : i32
    %dma_start3A_1442 = arith.constant 0 : i32
    %dma_start3A_1443 = arith.constant 0 : i32
    %dma_start3A_1444 = tpu.memref_slice %arg6[%dma_start3A_1441, %dma_start3A_1442, %dma_start3A_1443] : memref<6x16x1024xf32, #tpu.memory_space<vmem>> -> memref<1x16x1024xf32, #tpu.memory_space<vmem>>
    %dma_start3A_1445 = tpu.memref_squeeze %dma_start3A_1444 : memref<1x16x1024xf32, #tpu.memory_space<vmem>> -> memref<16x1024xf32, #tpu.memory_space<vmem>>
    %dma_start3A_1446 = arith.constant 0 : i32
    %dma_start3A_1447 = tpu.memref_slice %arg4[%add3A_1440, %dma_start3A_1446] : memref<16384x1024xf32, #tpu.memory_space<hbm>> -> memref<16x1024xf32, #tpu.memory_space<hbm>>
    %dma_start3A_1448 = arith.constant 0 : i32
    %dma_start3A_1449 = tpu.memref_slice %arg4[%add3A_1440, %dma_start3A_1448] : memref<16384x1024xf32, #tpu.memory_space<hbm>> -> memref<16x1024xf32, #tpu.memory_space<hbm>>
    %dma_start3A_1450 = arith.constant 0 : i32
    %dma_start3A_1451 = arith.constant 0 : i32
    %dma_start3A_1452 = tpu.memref_slice %arg6[%dma_start3A_1441, %dma_start3A_1450, %dma_start3A_1451] : memref<6x16x1024xf32, #tpu.memory_space<vmem>> -> memref<1x16x1024xf32, #tpu.memory_space<vmem>>
    %dma_start3A_1453 = tpu.memref_squeeze %dma_start3A_1452 : memref<1x16x1024xf32, #tpu.memory_space<vmem>> -> memref<16x1024xf32, #tpu.memory_space<vmem>>
    tpu.enqueue_dma source(%dma_start3A_1453 : memref<16x1024xf32, #tpu.memory_space<vmem>>) target(%dma_start3A_1449 : memref<16x1024xf32, #tpu.memory_space<hbm>>) target_semaphore(%arg16 : memref<!tpu.dma_semaphore, #tpu.memory_space<semaphore_mem>>)
    %dma_wait3A_1454 = arith.constant 1 : i32
    %dma_wait3A_1455 = arith.constant 0 : i32
    %dma_wait3A_1456 = arith.constant 0 : i32
    %dma_wait3A_1457 = tpu.memref_slice %arg6[%dma_wait3A_1454, %dma_wait3A_1455, %dma_wait3A_1456] : memref<6x16x1024xf32, #tpu.memory_space<vmem>> -> memref<1x16x1024xf32, #tpu.memory_space<vmem>>
    %dma_wait3A_1458 = tpu.memref_squeeze %dma_wait3A_1457 : memref<1x16x1024xf32, #tpu.memory_space<vmem>> -> memref<16x1024xf32, #tpu.memory_space<vmem>>
    %dma_wait3A_1459 = arith.constant 0 : i32
    %dma_wait3A_1460 = tpu.memref_slice %arg4[%add3A_1336, %dma_wait3A_1459] : memref<16384x1024xf32, #tpu.memory_space<hbm>> -> memref<16x1024xf32, #tpu.memory_space<hbm>>
    %dma_wait3A_1461 = arith.constant 0 : i32
    %dma_wait3A_1462 = tpu.memref_slice %arg4[%add3A_1336, %dma_wait3A_1461] : memref<16384x1024xf32, #tpu.memory_space<hbm>> -> memref<16x1024xf32, #tpu.memory_space<hbm>>
    %dma_wait3A_1463 = arith.constant 0 : i32
    %dma_wait3A_1464 = arith.constant 0 : i32
    %dma_wait3A_1465 = tpu.memref_slice %arg6[%dma_wait3A_1454, %dma_wait3A_1463, %dma_wait3A_1464] : memref<6x16x1024xf32, #tpu.memory_space<vmem>> -> memref<1x16x1024xf32, #tpu.memory_space<vmem>>
    %dma_wait3A_1466 = tpu.memref_squeeze %dma_wait3A_1465 : memref<1x16x1024xf32, #tpu.memory_space<vmem>> -> memref<16x1024xf32, #tpu.memory_space<vmem>>
    tpu.wait_dma2 semaphore(%arg14 : memref<!tpu.dma_semaphore, #tpu.memory_space<semaphore_mem>>) src(%dma_wait3A_1466 : memref<16x1024xf32, #tpu.memory_space<vmem>>) dst(%dma_wait3A_1462 : memref<16x1024xf32, #tpu.memory_space<hbm>>)
    %dma_start3A_1467 = arith.constant 31 : i32
    %dma_start3A_1468 = arith.constant 1 : i32
    %dma_start3A_1469 = arith.constant 0 : i32
    %dma_start3A_1470 = arith.constant 0 : i32
    %dma_start3A_1471 = tpu.memref_slice %arg6[%dma_start3A_1468, %dma_start3A_1469, %dma_start3A_1470] : memref<6x16x1024xf32, #tpu.memory_space<vmem>> -> memref<1x16x1024xf32, #tpu.memory_space<vmem>>
    %dma_start3A_1472 = tpu.memref_squeeze %dma_start3A_1471 : memref<1x16x1024xf32, #tpu.memory_space<vmem>> -> memref<16x1024xf32, #tpu.memory_space<vmem>>
    %dma_start3A_1473 = arith.constant 0 : i32
    %dma_start3A_1474 = tpu.memref_slice %arg5[%dma_start3A_1467, %dma_start3A_1473] : memref<32x16xi32, #tpu.memory_space<vmem>> -> memref<1x16xi32, #tpu.memory_space<vmem>>
    %dma_start3A_1475 = tpu.memref_squeeze %dma_start3A_1474 : memref<1x16xi32, #tpu.memory_space<vmem>> -> memref<16xi32, #tpu.memory_space<vmem>>
    %dma_start3A_1476 = arith.constant 0 : i32
    %dma_start3A_1477 = arith.constant 0 : i32
    %dma_start3A_1478 = tpu.memref_slice %arg2[%dma_start3A_1476, %dma_start3A_1477] : memref<16384x1024xf32, #tpu.memory_space<hbm>> -> memref<16384x1024xf32, #tpu.memory_space<hbm>>
    tpu.enqueue_indirect_dma source(%dma_start3A_1478 : memref<16384x1024xf32, #tpu.memory_space<hbm>>) target(%dma_start3A_1472 : memref<16x1024xf32, #tpu.memory_space<vmem>>) offsets(%dma_start3A_1475 : memref<16xi32, #tpu.memory_space<vmem>>) semaphore(%arg8 : memref<!tpu.dma_semaphore, #tpu.memory_space<semaphore_mem>>)
    %dma_wait3A_1479 = arith.constant 28 : i32
    %dma_wait3A_1480 = arith.constant 4 : i32
    %dma_wait3A_1481 = arith.constant 0 : i32
    %dma_wait3A_1482 = arith.constant 0 : i32
    %dma_wait3A_1483 = tpu.memref_slice %arg6[%dma_wait3A_1480, %dma_wait3A_1481, %dma_wait3A_1482] : memref<6x16x1024xf32, #tpu.memory_space<vmem>> -> memref<1x16x1024xf32, #tpu.memory_space<vmem>>
    %dma_wait3A_1484 = tpu.memref_squeeze %dma_wait3A_1483 : memref<1x16x1024xf32, #tpu.memory_space<vmem>> -> memref<16x1024xf32, #tpu.memory_space<vmem>>
    %dma_wait3A_1485 = arith.constant 0 : i32
    %dma_wait3A_1486 = tpu.memref_slice %arg5[%dma_wait3A_1479, %dma_wait3A_1485] : memref<32x16xi32, #tpu.memory_space<vmem>> -> memref<1x16xi32, #tpu.memory_space<vmem>>
    %dma_wait3A_1487 = tpu.memref_squeeze %dma_wait3A_1486 : memref<1x16xi32, #tpu.memory_space<vmem>> -> memref<16xi32, #tpu.memory_space<vmem>>
    %dma_wait3A_1488 = arith.constant 0 : i32
    %dma_wait3A_1489 = arith.constant 0 : i32
    %dma_wait3A_1490 = tpu.memref_slice %arg2[%dma_wait3A_1488, %dma_wait3A_1489] : memref<16384x1024xf32, #tpu.memory_space<hbm>> -> memref<16384x1024xf32, #tpu.memory_space<hbm>>
    tpu.wait_indirect_dma semaphore(%arg11 : memref<!tpu.dma_semaphore, #tpu.memory_space<semaphore_mem>>) src(%dma_wait3A_1490 : memref<16384x1024xf32, #tpu.memory_space<hbm>>) dst(%dma_wait3A_1484 : memref<16x1024xf32, #tpu.memory_space<vmem>>)
    %add3A_1491 = arith.constant 448 : i32
    %add3A_1492 = arith.addi %mul3A_2, %add3A_1491 : i32
    %dma_start3A_1493 = arith.constant 4 : i32
    %dma_start3A_1494 = arith.constant 0 : i32
    %dma_start3A_1495 = arith.constant 0 : i32
    %dma_start3A_1496 = tpu.memref_slice %arg6[%dma_start3A_1493, %dma_start3A_1494, %dma_start3A_1495] : memref<6x16x1024xf32, #tpu.memory_space<vmem>> -> memref<1x16x1024xf32, #tpu.memory_space<vmem>>
    %dma_start3A_1497 = tpu.memref_squeeze %dma_start3A_1496 : memref<1x16x1024xf32, #tpu.memory_space<vmem>> -> memref<16x1024xf32, #tpu.memory_space<vmem>>
    %dma_start3A_1498 = arith.constant 0 : i32
    %dma_start3A_1499 = tpu.memref_slice %arg4[%add3A_1492, %dma_start3A_1498] : memref<16384x1024xf32, #tpu.memory_space<hbm>> -> memref<16x1024xf32, #tpu.memory_space<hbm>>
    %dma_start3A_1500 = arith.constant 0 : i32
    %dma_start3A_1501 = tpu.memref_slice %arg4[%add3A_1492, %dma_start3A_1500] : memref<16384x1024xf32, #tpu.memory_space<hbm>> -> memref<16x1024xf32, #tpu.memory_space<hbm>>
    %dma_start3A_1502 = arith.constant 0 : i32
    %dma_start3A_1503 = arith.constant 0 : i32
    %dma_start3A_1504 = tpu.memref_slice %arg6[%dma_start3A_1493, %dma_start3A_1502, %dma_start3A_1503] : memref<6x16x1024xf32, #tpu.memory_space<vmem>> -> memref<1x16x1024xf32, #tpu.memory_space<vmem>>
    %dma_start3A_1505 = tpu.memref_squeeze %dma_start3A_1504 : memref<1x16x1024xf32, #tpu.memory_space<vmem>> -> memref<16x1024xf32, #tpu.memory_space<vmem>>
    tpu.enqueue_dma source(%dma_start3A_1505 : memref<16x1024xf32, #tpu.memory_space<vmem>>) target(%dma_start3A_1501 : memref<16x1024xf32, #tpu.memory_space<hbm>>) target_semaphore(%arg17 : memref<!tpu.dma_semaphore, #tpu.memory_space<semaphore_mem>>)
    %dma_wait3A_1506 = arith.constant 29 : i32
    %dma_wait3A_1507 = arith.constant 5 : i32
    %dma_wait3A_1508 = arith.constant 0 : i32
    %dma_wait3A_1509 = arith.constant 0 : i32
    %dma_wait3A_1510 = tpu.memref_slice %arg6[%dma_wait3A_1507, %dma_wait3A_1508, %dma_wait3A_1509] : memref<6x16x1024xf32, #tpu.memory_space<vmem>> -> memref<1x16x1024xf32, #tpu.memory_space<vmem>>
    %dma_wait3A_1511 = tpu.memref_squeeze %dma_wait3A_1510 : memref<1x16x1024xf32, #tpu.memory_space<vmem>> -> memref<16x1024xf32, #tpu.memory_space<vmem>>
    %dma_wait3A_1512 = arith.constant 0 : i32
    %dma_wait3A_1513 = tpu.memref_slice %arg5[%dma_wait3A_1506, %dma_wait3A_1512] : memref<32x16xi32, #tpu.memory_space<vmem>> -> memref<1x16xi32, #tpu.memory_space<vmem>>
    %dma_wait3A_1514 = tpu.memref_squeeze %dma_wait3A_1513 : memref<1x16xi32, #tpu.memory_space<vmem>> -> memref<16xi32, #tpu.memory_space<vmem>>
    %dma_wait3A_1515 = arith.constant 0 : i32
    %dma_wait3A_1516 = arith.constant 0 : i32
    %dma_wait3A_1517 = tpu.memref_slice %arg2[%dma_wait3A_1515, %dma_wait3A_1516] : memref<16384x1024xf32, #tpu.memory_space<hbm>> -> memref<16384x1024xf32, #tpu.memory_space<hbm>>
    tpu.wait_indirect_dma semaphore(%arg12 : memref<!tpu.dma_semaphore, #tpu.memory_space<semaphore_mem>>) src(%dma_wait3A_1517 : memref<16384x1024xf32, #tpu.memory_space<hbm>>) dst(%dma_wait3A_1511 : memref<16x1024xf32, #tpu.memory_space<vmem>>)
    %add3A_1518 = arith.constant 464 : i32
    %add3A_1519 = arith.addi %mul3A_2, %add3A_1518 : i32
    %dma_start3A_1520 = arith.constant 5 : i32
    %dma_start3A_1521 = arith.constant 0 : i32
    %dma_start3A_1522 = arith.constant 0 : i32
    %dma_start3A_1523 = tpu.memref_slice %arg6[%dma_start3A_1520, %dma_start3A_1521, %dma_start3A_1522] : memref<6x16x1024xf32, #tpu.memory_space<vmem>> -> memref<1x16x1024xf32, #tpu.memory_space<vmem>>
    %dma_start3A_1524 = tpu.memref_squeeze %dma_start3A_1523 : memref<1x16x1024xf32, #tpu.memory_space<vmem>> -> memref<16x1024xf32, #tpu.memory_space<vmem>>
    %dma_start3A_1525 = arith.constant 0 : i32
    %dma_start3A_1526 = tpu.memref_slice %arg4[%add3A_1519, %dma_start3A_1525] : memref<16384x1024xf32, #tpu.memory_space<hbm>> -> memref<16x1024xf32, #tpu.memory_space<hbm>>
    %dma_start3A_1527 = arith.constant 0 : i32
    %dma_start3A_1528 = tpu.memref_slice %arg4[%add3A_1519, %dma_start3A_1527] : memref<16384x1024xf32, #tpu.memory_space<hbm>> -> memref<16x1024xf32, #tpu.memory_space<hbm>>
    %dma_start3A_1529 = arith.constant 0 : i32
    %dma_start3A_1530 = arith.constant 0 : i32
    %dma_start3A_1531 = tpu.memref_slice %arg6[%dma_start3A_1520, %dma_start3A_1529, %dma_start3A_1530] : memref<6x16x1024xf32, #tpu.memory_space<vmem>> -> memref<1x16x1024xf32, #tpu.memory_space<vmem>>
    %dma_start3A_1532 = tpu.memref_squeeze %dma_start3A_1531 : memref<1x16x1024xf32, #tpu.memory_space<vmem>> -> memref<16x1024xf32, #tpu.memory_space<vmem>>
    tpu.enqueue_dma source(%dma_start3A_1532 : memref<16x1024xf32, #tpu.memory_space<vmem>>) target(%dma_start3A_1528 : memref<16x1024xf32, #tpu.memory_space<hbm>>) target_semaphore(%arg18 : memref<!tpu.dma_semaphore, #tpu.memory_space<semaphore_mem>>)
    %dma_wait3A_1533 = arith.constant 30 : i32
    %dma_wait3A_1534 = arith.constant 0 : i32
    %dma_wait3A_1535 = arith.constant 0 : i32
    %dma_wait3A_1536 = arith.constant 0 : i32
    %dma_wait3A_1537 = tpu.memref_slice %arg6[%dma_wait3A_1534, %dma_wait3A_1535, %dma_wait3A_1536] : memref<6x16x1024xf32, #tpu.memory_space<vmem>> -> memref<1x16x1024xf32, #tpu.memory_space<vmem>>
    %dma_wait3A_1538 = tpu.memref_squeeze %dma_wait3A_1537 : memref<1x16x1024xf32, #tpu.memory_space<vmem>> -> memref<16x1024xf32, #tpu.memory_space<vmem>>
    %dma_wait3A_1539 = arith.constant 0 : i32
    %dma_wait3A_1540 = tpu.memref_slice %arg5[%dma_wait3A_1533, %dma_wait3A_1539] : memref<32x16xi32, #tpu.memory_space<vmem>> -> memref<1x16xi32, #tpu.memory_space<vmem>>
    %dma_wait3A_1541 = tpu.memref_squeeze %dma_wait3A_1540 : memref<1x16xi32, #tpu.memory_space<vmem>> -> memref<16xi32, #tpu.memory_space<vmem>>
    %dma_wait3A_1542 = arith.constant 0 : i32
    %dma_wait3A_1543 = arith.constant 0 : i32
    %dma_wait3A_1544 = tpu.memref_slice %arg2[%dma_wait3A_1542, %dma_wait3A_1543] : memref<16384x1024xf32, #tpu.memory_space<hbm>> -> memref<16384x1024xf32, #tpu.memory_space<hbm>>
    tpu.wait_indirect_dma semaphore(%arg7 : memref<!tpu.dma_semaphore, #tpu.memory_space<semaphore_mem>>) src(%dma_wait3A_1544 : memref<16384x1024xf32, #tpu.memory_space<hbm>>) dst(%dma_wait3A_1538 : memref<16x1024xf32, #tpu.memory_space<vmem>>)
    %add3A_1545 = arith.constant 480 : i32
    %add3A_1546 = arith.addi %mul3A_2, %add3A_1545 : i32
    %dma_start3A_1547 = arith.constant 0 : i32
    %dma_start3A_1548 = arith.constant 0 : i32
    %dma_start3A_1549 = arith.constant 0 : i32
    %dma_start3A_1550 = tpu.memref_slice %arg6[%dma_start3A_1547, %dma_start3A_1548, %dma_start3A_1549] : memref<6x16x1024xf32, #tpu.memory_space<vmem>> -> memref<1x16x1024xf32, #tpu.memory_space<vmem>>
    %dma_start3A_1551 = tpu.memref_squeeze %dma_start3A_1550 : memref<1x16x1024xf32, #tpu.memory_space<vmem>> -> memref<16x1024xf32, #tpu.memory_space<vmem>>
    %dma_start3A_1552 = arith.constant 0 : i32
    %dma_start3A_1553 = tpu.memref_slice %arg4[%add3A_1546, %dma_start3A_1552] : memref<16384x1024xf32, #tpu.memory_space<hbm>> -> memref<16x1024xf32, #tpu.memory_space<hbm>>
    %dma_start3A_1554 = arith.constant 0 : i32
    %dma_start3A_1555 = tpu.memref_slice %arg4[%add3A_1546, %dma_start3A_1554] : memref<16384x1024xf32, #tpu.memory_space<hbm>> -> memref<16x1024xf32, #tpu.memory_space<hbm>>
    %dma_start3A_1556 = arith.constant 0 : i32
    %dma_start3A_1557 = arith.constant 0 : i32
    %dma_start3A_1558 = tpu.memref_slice %arg6[%dma_start3A_1547, %dma_start3A_1556, %dma_start3A_1557] : memref<6x16x1024xf32, #tpu.memory_space<vmem>> -> memref<1x16x1024xf32, #tpu.memory_space<vmem>>
    %dma_start3A_1559 = tpu.memref_squeeze %dma_start3A_1558 : memref<1x16x1024xf32, #tpu.memory_space<vmem>> -> memref<16x1024xf32, #tpu.memory_space<vmem>>
    tpu.enqueue_dma source(%dma_start3A_1559 : memref<16x1024xf32, #tpu.memory_space<vmem>>) target(%dma_start3A_1555 : memref<16x1024xf32, #tpu.memory_space<hbm>>) target_semaphore(%arg13 : memref<!tpu.dma_semaphore, #tpu.memory_space<semaphore_mem>>)
    %dma_wait3A_1560 = arith.constant 31 : i32
    %dma_wait3A_1561 = arith.constant 1 : i32
    %dma_wait3A_1562 = arith.constant 0 : i32
    %dma_wait3A_1563 = arith.constant 0 : i32
    %dma_wait3A_1564 = tpu.memref_slice %arg6[%dma_wait3A_1561, %dma_wait3A_1562, %dma_wait3A_1563] : memref<6x16x1024xf32, #tpu.memory_space<vmem>> -> memref<1x16x1024xf32, #tpu.memory_space<vmem>>
    %dma_wait3A_1565 = tpu.memref_squeeze %dma_wait3A_1564 : memref<1x16x1024xf32, #tpu.memory_space<vmem>> -> memref<16x1024xf32, #tpu.memory_space<vmem>>
    %dma_wait3A_1566 = arith.constant 0 : i32
    %dma_wait3A_1567 = tpu.memref_slice %arg5[%dma_wait3A_1560, %dma_wait3A_1566] : memref<32x16xi32, #tpu.memory_space<vmem>> -> memref<1x16xi32, #tpu.memory_space<vmem>>
    %dma_wait3A_1568 = tpu.memref_squeeze %dma_wait3A_1567 : memref<1x16xi32, #tpu.memory_space<vmem>> -> memref<16xi32, #tpu.memory_space<vmem>>
    %dma_wait3A_1569 = arith.constant 0 : i32
    %dma_wait3A_1570 = arith.constant 0 : i32
    %dma_wait3A_1571 = tpu.memref_slice %arg2[%dma_wait3A_1569, %dma_wait3A_1570] : memref<16384x1024xf32, #tpu.memory_space<hbm>> -> memref<16384x1024xf32, #tpu.memory_space<hbm>>
    tpu.wait_indirect_dma semaphore(%arg8 : memref<!tpu.dma_semaphore, #tpu.memory_space<semaphore_mem>>) src(%dma_wait3A_1571 : memref<16384x1024xf32, #tpu.memory_space<hbm>>) dst(%dma_wait3A_1565 : memref<16x1024xf32, #tpu.memory_space<vmem>>)
    %add3A_1572 = arith.constant 496 : i32
    %add3A_1573 = arith.addi %mul3A_2, %add3A_1572 : i32
    %dma_start3A_1574 = arith.constant 1 : i32
    %dma_start3A_1575 = arith.constant 0 : i32
    %dma_start3A_1576 = arith.constant 0 : i32
    %dma_start3A_1577 = tpu.memref_slice %arg6[%dma_start3A_1574, %dma_start3A_1575, %dma_start3A_1576] : memref<6x16x1024xf32, #tpu.memory_space<vmem>> -> memref<1x16x1024xf32, #tpu.memory_space<vmem>>
    %dma_start3A_1578 = tpu.memref_squeeze %dma_start3A_1577 : memref<1x16x1024xf32, #tpu.memory_space<vmem>> -> memref<16x1024xf32, #tpu.memory_space<vmem>>
    %dma_start3A_1579 = arith.constant 0 : i32
    %dma_start3A_1580 = tpu.memref_slice %arg4[%add3A_1573, %dma_start3A_1579] : memref<16384x1024xf32, #tpu.memory_space<hbm>> -> memref<16x1024xf32, #tpu.memory_space<hbm>>
    %dma_start3A_1581 = arith.constant 0 : i32
    %dma_start3A_1582 = tpu.memref_slice %arg4[%add3A_1573, %dma_start3A_1581] : memref<16384x1024xf32, #tpu.memory_space<hbm>> -> memref<16x1024xf32, #tpu.memory_space<hbm>>
    %dma_start3A_1583 = arith.constant 0 : i32
    %dma_start3A_1584 = arith.constant 0 : i32
    %dma_start3A_1585 = tpu.memref_slice %arg6[%dma_start3A_1574, %dma_start3A_1583, %dma_start3A_1584] : memref<6x16x1024xf32, #tpu.memory_space<vmem>> -> memref<1x16x1024xf32, #tpu.memory_space<vmem>>
    %dma_start3A_1586 = tpu.memref_squeeze %dma_start3A_1585 : memref<1x16x1024xf32, #tpu.memory_space<vmem>> -> memref<16x1024xf32, #tpu.memory_space<vmem>>
    tpu.enqueue_dma source(%dma_start3A_1586 : memref<16x1024xf32, #tpu.memory_space<vmem>>) target(%dma_start3A_1582 : memref<16x1024xf32, #tpu.memory_space<hbm>>) target_semaphore(%arg14 : memref<!tpu.dma_semaphore, #tpu.memory_space<semaphore_mem>>)
    %dma_wait3A_1587 = arith.constant 2 : i32
    %dma_wait3A_1588 = arith.constant 0 : i32
    %dma_wait3A_1589 = arith.constant 0 : i32
    %dma_wait3A_1590 = tpu.memref_slice %arg6[%dma_wait3A_1587, %dma_wait3A_1588, %dma_wait3A_1589] : memref<6x16x1024xf32, #tpu.memory_space<vmem>> -> memref<1x16x1024xf32, #tpu.memory_space<vmem>>
    %dma_wait3A_1591 = tpu.memref_squeeze %dma_wait3A_1590 : memref<1x16x1024xf32, #tpu.memory_space<vmem>> -> memref<16x1024xf32, #tpu.memory_space<vmem>>
    %dma_wait3A_1592 = arith.constant 0 : i32
    %dma_wait3A_1593 = tpu.memref_slice %arg4[%add3A_1388, %dma_wait3A_1592] : memref<16384x1024xf32, #tpu.memory_space<hbm>> -> memref<16x1024xf32, #tpu.memory_space<hbm>>
    %dma_wait3A_1594 = arith.constant 0 : i32
    %dma_wait3A_1595 = tpu.memref_slice %arg4[%add3A_1388, %dma_wait3A_1594] : memref<16384x1024xf32, #tpu.memory_space<hbm>> -> memref<16x1024xf32, #tpu.memory_space<hbm>>
    %dma_wait3A_1596 = arith.constant 0 : i32
    %dma_wait3A_1597 = arith.constant 0 : i32
    %dma_wait3A_1598 = tpu.memref_slice %arg6[%dma_wait3A_1587, %dma_wait3A_1596, %dma_wait3A_1597] : memref<6x16x1024xf32, #tpu.memory_space<vmem>> -> memref<1x16x1024xf32, #tpu.memory_space<vmem>>
    %dma_wait3A_1599 = tpu.memref_squeeze %dma_wait3A_1598 : memref<1x16x1024xf32, #tpu.memory_space<vmem>> -> memref<16x1024xf32, #tpu.memory_space<vmem>>
    tpu.wait_dma2 semaphore(%arg15 : memref<!tpu.dma_semaphore, #tpu.memory_space<semaphore_mem>>) src(%dma_wait3A_1599 : memref<16x1024xf32, #tpu.memory_space<vmem>>) dst(%dma_wait3A_1595 : memref<16x1024xf32, #tpu.memory_space<hbm>>)
    %dma_wait3A_1600 = arith.constant 3 : i32
    %dma_wait3A_1601 = arith.constant 0 : i32
    %dma_wait3A_1602 = arith.constant 0 : i32
    %dma_wait3A_1603 = tpu.memref_slice %arg6[%dma_wait3A_1600, %dma_wait3A_1601, %dma_wait3A_1602] : memref<6x16x1024xf32, #tpu.memory_space<vmem>> -> memref<1x16x1024xf32, #tpu.memory_space<vmem>>
    %dma_wait3A_1604 = tpu.memref_squeeze %dma_wait3A_1603 : memref<1x16x1024xf32, #tpu.memory_space<vmem>> -> memref<16x1024xf32, #tpu.memory_space<vmem>>
    %dma_wait3A_1605 = arith.constant 0 : i32
    %dma_wait3A_1606 = tpu.memref_slice %arg4[%add3A_1440, %dma_wait3A_1605] : memref<16384x1024xf32, #tpu.memory_space<hbm>> -> memref<16x1024xf32, #tpu.memory_space<hbm>>
    %dma_wait3A_1607 = arith.constant 0 : i32
    %dma_wait3A_1608 = tpu.memref_slice %arg4[%add3A_1440, %dma_wait3A_1607] : memref<16384x1024xf32, #tpu.memory_space<hbm>> -> memref<16x1024xf32, #tpu.memory_space<hbm>>
    %dma_wait3A_1609 = arith.constant 0 : i32
    %dma_wait3A_1610 = arith.constant 0 : i32
    %dma_wait3A_1611 = tpu.memref_slice %arg6[%dma_wait3A_1600, %dma_wait3A_1609, %dma_wait3A_1610] : memref<6x16x1024xf32, #tpu.memory_space<vmem>> -> memref<1x16x1024xf32, #tpu.memory_space<vmem>>
    %dma_wait3A_1612 = tpu.memref_squeeze %dma_wait3A_1611 : memref<1x16x1024xf32, #tpu.memory_space<vmem>> -> memref<16x1024xf32, #tpu.memory_space<vmem>>
    tpu.wait_dma2 semaphore(%arg16 : memref<!tpu.dma_semaphore, #tpu.memory_space<semaphore_mem>>) src(%dma_wait3A_1612 : memref<16x1024xf32, #tpu.memory_space<vmem>>) dst(%dma_wait3A_1608 : memref<16x1024xf32, #tpu.memory_space<hbm>>)
    %dma_wait3A_1613 = arith.constant 4 : i32
    %dma_wait3A_1614 = arith.constant 0 : i32
    %dma_wait3A_1615 = arith.constant 0 : i32
    %dma_wait3A_1616 = tpu.memref_slice %arg6[%dma_wait3A_1613, %dma_wait3A_1614, %dma_wait3A_1615] : memref<6x16x1024xf32, #tpu.memory_space<vmem>> -> memref<1x16x1024xf32, #tpu.memory_space<vmem>>
    %dma_wait3A_1617 = tpu.memref_squeeze %dma_wait3A_1616 : memref<1x16x1024xf32, #tpu.memory_space<vmem>> -> memref<16x1024xf32, #tpu.memory_space<vmem>>
    %dma_wait3A_1618 = arith.constant 0 : i32
    %dma_wait3A_1619 = tpu.memref_slice %arg4[%add3A_1492, %dma_wait3A_1618] : memref<16384x1024xf32, #tpu.memory_space<hbm>> -> memref<16x1024xf32, #tpu.memory_space<hbm>>
    %dma_wait3A_1620 = arith.constant 0 : i32
    %dma_wait3A_1621 = tpu.memref_slice %arg4[%add3A_1492, %dma_wait3A_1620] : memref<16384x1024xf32, #tpu.memory_space<hbm>> -> memref<16x1024xf32, #tpu.memory_space<hbm>>
    %dma_wait3A_1622 = arith.constant 0 : i32
    %dma_wait3A_1623 = arith.constant 0 : i32
    %dma_wait3A_1624 = tpu.memref_slice %arg6[%dma_wait3A_1613, %dma_wait3A_1622, %dma_wait3A_1623] : memref<6x16x1024xf32, #tpu.memory_space<vmem>> -> memref<1x16x1024xf32, #tpu.memory_space<vmem>>
    %dma_wait3A_1625 = tpu.memref_squeeze %dma_wait3A_1624 : memref<1x16x1024xf32, #tpu.memory_space<vmem>> -> memref<16x1024xf32, #tpu.memory_space<vmem>>
    tpu.wait_dma2 semaphore(%arg17 : memref<!tpu.dma_semaphore, #tpu.memory_space<semaphore_mem>>) src(%dma_wait3A_1625 : memref<16x1024xf32, #tpu.memory_space<vmem>>) dst(%dma_wait3A_1621 : memref<16x1024xf32, #tpu.memory_space<hbm>>)
    %dma_wait3A_1626 = arith.constant 5 : i32
    %dma_wait3A_1627 = arith.constant 0 : i32
    %dma_wait3A_1628 = arith.constant 0 : i32
    %dma_wait3A_1629 = tpu.memref_slice %arg6[%dma_wait3A_1626, %dma_wait3A_1627, %dma_wait3A_1628] : memref<6x16x1024xf32, #tpu.memory_space<vmem>> -> memref<1x16x1024xf32, #tpu.memory_space<vmem>>
    %dma_wait3A_1630 = tpu.memref_squeeze %dma_wait3A_1629 : memref<1x16x1024xf32, #tpu.memory_space<vmem>> -> memref<16x1024xf32, #tpu.memory_space<vmem>>
    %dma_wait3A_1631 = arith.constant 0 : i32
    %dma_wait3A_1632 = tpu.memref_slice %arg4[%add3A_1519, %dma_wait3A_1631] : memref<16384x1024xf32, #tpu.memory_space<hbm>> -> memref<16x1024xf32, #tpu.memory_space<hbm>>
    %dma_wait3A_1633 = arith.constant 0 : i32
    %dma_wait3A_1634 = tpu.memref_slice %arg4[%add3A_1519, %dma_wait3A_1633] : memref<16384x1024xf32, #tpu.memory_space<hbm>> -> memref<16x1024xf32, #tpu.memory_space<hbm>>
    %dma_wait3A_1635 = arith.constant 0 : i32
    %dma_wait3A_1636 = arith.constant 0 : i32
    %dma_wait3A_1637 = tpu.memref_slice %arg6[%dma_wait3A_1626, %dma_wait3A_1635, %dma_wait3A_1636] : memref<6x16x1024xf32, #tpu.memory_space<vmem>> -> memref<1x16x1024xf32, #tpu.memory_space<vmem>>
    %dma_wait3A_1638 = tpu.memref_squeeze %dma_wait3A_1637 : memref<1x16x1024xf32, #tpu.memory_space<vmem>> -> memref<16x1024xf32, #tpu.memory_space<vmem>>
    tpu.wait_dma2 semaphore(%arg18 : memref<!tpu.dma_semaphore, #tpu.memory_space<semaphore_mem>>) src(%dma_wait3A_1638 : memref<16x1024xf32, #tpu.memory_space<vmem>>) dst(%dma_wait3A_1634 : memref<16x1024xf32, #tpu.memory_space<hbm>>)
    %dma_wait3A_1639 = arith.constant 0 : i32
    %dma_wait3A_1640 = arith.constant 0 : i32
    %dma_wait3A_1641 = arith.constant 0 : i32
    %dma_wait3A_1642 = tpu.memref_slice %arg6[%dma_wait3A_1639, %dma_wait3A_1640, %dma_wait3A_1641] : memref<6x16x1024xf32, #tpu.memory_space<vmem>> -> memref<1x16x1024xf32, #tpu.memory_space<vmem>>
    %dma_wait3A_1643 = tpu.memref_squeeze %dma_wait3A_1642 : memref<1x16x1024xf32, #tpu.memory_space<vmem>> -> memref<16x1024xf32, #tpu.memory_space<vmem>>
    %dma_wait3A_1644 = arith.constant 0 : i32
    %dma_wait3A_1645 = tpu.memref_slice %arg4[%add3A_1546, %dma_wait3A_1644] : memref<16384x1024xf32, #tpu.memory_space<hbm>> -> memref<16x1024xf32, #tpu.memory_space<hbm>>
    %dma_wait3A_1646 = arith.constant 0 : i32
    %dma_wait3A_1647 = tpu.memref_slice %arg4[%add3A_1546, %dma_wait3A_1646] : memref<16384x1024xf32, #tpu.memory_space<hbm>> -> memref<16x1024xf32, #tpu.memory_space<hbm>>
    %dma_wait3A_1648 = arith.constant 0 : i32
    %dma_wait3A_1649 = arith.constant 0 : i32
    %dma_wait3A_1650 = tpu.memref_slice %arg6[%dma_wait3A_1639, %dma_wait3A_1648, %dma_wait3A_1649] : memref<6x16x1024xf32, #tpu.memory_space<vmem>> -> memref<1x16x1024xf32, #tpu.memory_space<vmem>>
    %dma_wait3A_1651 = tpu.memref_squeeze %dma_wait3A_1650 : memref<1x16x1024xf32, #tpu.memory_space<vmem>> -> memref<16x1024xf32, #tpu.memory_space<vmem>>
    tpu.wait_dma2 semaphore(%arg13 : memref<!tpu.dma_semaphore, #tpu.memory_space<semaphore_mem>>) src(%dma_wait3A_1651 : memref<16x1024xf32, #tpu.memory_space<vmem>>) dst(%dma_wait3A_1647 : memref<16x1024xf32, #tpu.memory_space<hbm>>)
    %dma_wait3A_1652 = arith.constant 1 : i32
    %dma_wait3A_1653 = arith.constant 0 : i32
    %dma_wait3A_1654 = arith.constant 0 : i32
    %dma_wait3A_1655 = tpu.memref_slice %arg6[%dma_wait3A_1652, %dma_wait3A_1653, %dma_wait3A_1654] : memref<6x16x1024xf32, #tpu.memory_space<vmem>> -> memref<1x16x1024xf32, #tpu.memory_space<vmem>>
    %dma_wait3A_1656 = tpu.memref_squeeze %dma_wait3A_1655 : memref<1x16x1024xf32, #tpu.memory_space<vmem>> -> memref<16x1024xf32, #tpu.memory_space<vmem>>
    %dma_wait3A_1657 = arith.constant 0 : i32
    %dma_wait3A_1658 = tpu.memref_slice %arg4[%add3A_1573, %dma_wait3A_1657] : memref<16384x1024xf32, #tpu.memory_space<hbm>> -> memref<16x1024xf32, #tpu.memory_space<hbm>>
    %dma_wait3A_1659 = arith.constant 0 : i32
    %dma_wait3A_1660 = tpu.memref_slice %arg4[%add3A_1573, %dma_wait3A_1659] : memref<16384x1024xf32, #tpu.memory_space<hbm>> -> memref<16x1024xf32, #tpu.memory_space<hbm>>
    %dma_wait3A_1661 = arith.constant 0 : i32
    %dma_wait3A_1662 = arith.constant 0 : i32
    %dma_wait3A_1663 = tpu.memref_slice %arg6[%dma_wait3A_1652, %dma_wait3A_1661, %dma_wait3A_1662] : memref<6x16x1024xf32, #tpu.memory_space<vmem>> -> memref<1x16x1024xf32, #tpu.memory_space<vmem>>
    %dma_wait3A_1664 = tpu.memref_squeeze %dma_wait3A_1663 : memref<1x16x1024xf32, #tpu.memory_space<vmem>> -> memref<16x1024xf32, #tpu.memory_space<vmem>>
    tpu.wait_dma2 semaphore(%arg14 : memref<!tpu.dma_semaphore, #tpu.memory_space<semaphore_mem>>) src(%dma_wait3A_1664 : memref<16x1024xf32, #tpu.memory_space<vmem>>) dst(%dma_wait3A_1660 : memref<16x1024xf32, #tpu.memory_space<hbm>>)
    return
  }
}

</mosaic_0001>

<sc_bundles>
// kernel: kernel.3.cloned.1.call-start
scs
__scs_entry_jumppad:
0x0: {  	(pc) =	sbr.rel $0x88, $3  }
0x1: {  	(tag) =	ssettag $0x0;
	lr =	simm.s32 $0x1  }
0x2: {  	[smem:$0x3F9F] =	sst lr;
	_ =	strace $0xD0000000  }
0x3: {  	_ = 	snop  }
0x4: {  	_ = 	snop  }
0x5: {  	_ = 	snop  }
0x6: {  	_ = 	snop  }
0x7: {  	_ = 	snop  }
__scs_overlays_trampoline_lowered:
0x8: {  	[smem:$0x3FAE] =	sst s0  }
0x9: {  	[smem:$0x3FAF] =	sst s1  }
0xa: {  	[smem:$0x3FB0] =	sst s2  }
0xb: {  	[smem:$0x3FB1] =	sst s3  }
0xc: {  	[smem:$0x3FB2] =	sst s4  }
0xd: {  	[smem:$0x3FB3] =	sst s5  }
0xe: {  	[smem:$0x3FB4] =	sst s6  }
0xf: {  	[smem:$0x3FB5] =	sst s7  }
0x10: {  	[smem:$0x3FB6] =	sst s8  }
0x11: {  	[smem:$0x3FB7] =	sst s9;
	s0 =	simm.s32 @!p0 $0x0  }
0x12: {  	s1 =	sld [smem:$0x3F9D];
	s0 =	simm.s32 @p0 $0x1  }
0x13: {  	[smem:$0x3FB8] =	sst s0;
	s0 =	simm.s32 @!p1 $0x0  }
0x14: {  	s2 =	sld [smem:$0x3F9C];
	s0 =	simm.s32 @p1 $0x1  }
0x15: {  	[smem:$0x3FB9] =	sst s0;
	s0 =	simm.s32 @!p2 $0x0  }
0x16: {  	s3 =	sld [smem:$0x3FDB];
	s0 =	simm.s32 @p2 $0x1  }
0x17: {  	s4 =	simm.s32 $0x1BF5;
	[smem:$0x3FBB] =	sst s0  }
0x18: {  	s0 =	sld [smem:$0x3F9E];
	_ =	swait.ge [sflag:s4], $0x0  }
0x19: {  	s7 =	sld [smem:$0x3F9F]  }
0x1a: {  	s8 =	sadd.s32 $0xFFFFE003, lr  }
0x1b: {  	s9 =	sadd.s32 $0xFFFFFEF7, lr;
	s5 =	simm.s32 $0xFFFFFFFF;
	p2 =	slt.u32 s8, $0xFFFFF086  }
0x1c: {  	p1 =	slt.u32 s9, $0xF7A;
	s5 =	simm.s32 @!p2 $0x0  }
0x1d: {  	s5 =	simm.s32 @p1 $0x1;
	p0 =	seq.s32 s7, s2  }
0x1e: {  	s7 =	smul.u32 @!p0 $0xF7A, s2;
	p2 =	seq.s32 @!p0 s5, $0x0  }
0x1f: {  	s9 =	smul.u32 $0xF7A, s1;
	s8 =	simm.s32 @!p0 $0x1BF5;
	p2 =	por !p2, p0  }
0x20: {  	[sflag:s8] =	ssyncset.s32 @!p0 $0xFFFFF086;
	s6 =	sadd.s32 @!p0 s3, s7;
	s7 =	simm.s32 @!p0 $0x108  }
0x21: {  	s3 =	sadd.s32 s3, s9;
	s6 =	sadd.s32 @!p0 $0x88, s6;
	s7 =	simm.s32 @p2 $0x1082  }
0x22: {  	[simem:s7], [sflag:s8] =	dma.local @!p0 [hbm:s6], $0xF7A  }
0x23: {  	s9 =	sor.u32 $0xD0000000, s2;
	s6 =	simm.s32 $0x108;
	_ =	swait.ge @!p0 [sflag:s8], $0x0  }
0x24: {  	s3 =	sadd.s32 $0x88, s3;
	s6 =	simm.s32 @!p1 $0x1082;
	[sflag:s4] =	ssyncset.s32 $0xFFFFF086  }
0x25: {  	[simem:s6], [sflag:s4] =	dma.local [hbm:s3], $0xF7A  }
0x26: {  	[smem:$0x3F9F] =	sst s1;
	(tag) =	ssettag s2;
	_ =	strace s9  }
0x27: {  	s1 =	sld [smem:$0x3FAF]  }
0x28: {  	s2 =	sld [smem:$0x3FB0]  }
0x29: {  	s4 =	sld [smem:$0x3FB2]  }
0x2a: {  	p0 =	seq.s32 s5, $0x0;
	s5 =	sld [smem:$0x3FB3]  }
0x2b: {  	s6 =	sld [smem:$0x3FB4]  }
0x2c: {  	s7 =	sld [smem:$0x3FB5]  }
0x2d: {  	s3 =	simm.s32 $0x108;
	s8 =	sld [smem:$0x3FB6]  }
0x2e: {  	s3 =	simm.s32 @!p0 $0x1082;
	s9 =	sld [smem:$0x3FB7]  }
0x2f: {  	lr =	sadd.s32 s0, s3;
	s0 =	sld [smem:$0x3FAE]  }
0x30: {  	s3 =	sld [smem:$0x3FB1]  }
0x31: {  	[smem:$0x3FBA] =	sst s10  }
0x32: {  	s10 =	sld [smem:$0x3FB8];
	_ =	sdelay $0x3  }
0x33: {  	p0 =	seq.s32 s10, $0x1;
	s10 =	sld [smem:$0x3FBA];
	_ =	sdelay $0x3  }
0x34: {  	[smem:$0x3FBA] =	sst s10  }
0x35: {  	s10 =	sld [smem:$0x3FB9];
	_ =	sdelay $0x3  }
0x36: {  	p1 =	seq.s32 s10, $0x1;
	s10 =	sld [smem:$0x3FBA];
	_ =	sdelay $0x3  }
0x37: {  	[smem:$0x3FBA] =	sst s10  }
0x38: {  	s10 =	sld [smem:$0x3FBB]  }
0x39: {  	_ = 	snop;
	(pc) =	sbr.ind lr, $3  }
0x3a: {  	_ = 	snop  }
0x3b: {  	_ = 	snop  }
0x3c: {  	p2 =	seq.s32 s10, $0x1;
	s10 =	sld [smem:$0x3FBA]  }
0x3d: {  	_ =	shalt  }
0x3e: {  	_ =	shalt  }
0x3f: {  	_ =	shalt  }
0x40: {  	_ =	shalt  }
0x41: {  	_ =	shalt  }
0x42: {  	_ =	shalt  }
0x43: {  	_ =	shalt  }
0x44: {  	_ =	shalt  }
0x45: {  	_ =	shalt  }
0x46: {  	_ =	shalt  }
0x47: {  	_ =	shalt  }
0x48: {  	_ =	shalt  }
0x49: {  	_ =	shalt  }
0x4a: {  	_ =	shalt  }
0x4b: {  	_ =	shalt  }
0x4c: {  	_ =	shalt  }
0x4d: {  	_ =	shalt  }
0x4e: {  	_ =	shalt  }
0x4f: {  	_ =	shalt  }
0x50: {  	_ =	shalt  }
0x51: {  	_ =	shalt  }
0x52: {  	_ =	shalt  }
0x53: {  	_ =	shalt  }
0x54: {  	_ =	shalt  }
0x55: {  	_ =	shalt  }
0x56: {  	_ =	shalt  }
0x57: {  	_ =	shalt  }
0x58: {  	_ =	shalt  }
0x59: {  	_ =	shalt  }
0x5a: {  	_ =	shalt  }
0x5b: {  	_ =	shalt  }
0x5c: {  	_ =	shalt  }
0x5d: {  	_ =	shalt  }
0x5e: {  	_ =	shalt  }
0x5f: {  	_ =	shalt  }
0x60: {  	_ =	shalt  }
0x61: {  	_ =	shalt  }
0x62: {  	_ =	shalt  }
0x63: {  	_ =	shalt  }
0x64: {  	_ =	shalt  }
0x65: {  	_ =	shalt  }
0x66: {  	_ =	shalt  }
0x67: {  	_ =	shalt  }
0x68: {  	_ =	shalt  }
0x69: {  	_ =	shalt  }
0x6a: {  	_ =	shalt  }
0x6b: {  	_ =	shalt  }
0x6c: {  	_ =	shalt  }
0x6d: {  	_ =	shalt  }
0x6e: {  	_ =	shalt  }
0x6f: {  	_ =	shalt  }
0x70: {  	_ =	shalt  }
0x71: {  	_ =	shalt  }
0x72: {  	_ =	shalt  }
0x73: {  	_ =	shalt  }
0x74: {  	_ =	shalt  }
0x75: {  	_ =	shalt  }
0x76: {  	_ =	shalt  }
0x77: {  	_ =	shalt  }
0x78: {  	_ =	shalt  }
0x79: {  	_ =	shalt  }
0x7a: {  	_ =	shalt  }
0x7b: {  	_ =	shalt  }
0x7c: {  	_ =	shalt  }
0x7d: {  	_ =	shalt  }
0x7e: {  	_ =	shalt  }
0x7f: {  	_ =	shalt  }
0x80: {  	_ =	shalt  }
0x81: {  	_ =	shalt  }
0x82: {  	_ =	shalt  }
0x83: {  	_ =	shalt  }
0x84: {  	_ =	shalt  }
0x85: {  	_ =	shalt  }
0x86: {  	_ =	shalt  }
0x87: {  	_ =	shalt  }
.Lfunc_end0:
.L_simem_size_0:
called_computation_lowered:
.L_overlay_start_0:
0x88: {  	s2 =	sld [smem:$0x3FD9]  }
0x89: {  	s3 =	sld [smem:$0x3FFE];
	_ =	sdelay $0x1  }
0x8a: {  	s1 =	srdreg.scid  }
0x8b: {  	s0 =	sand.u32 $0x1, s1  }
0x8c: {  	s17 =	sshll.u32 s0, $0xA;
	s2 =	sadd.s32 s3, s2  }
0x8d: {  	s2 =	sadd.s32 s2, s17  }
0x8e: {  	[smem:$0x3FC6] =	sst s2  }
0x8f: {  	_ = 	snop  }
0x90: {  	s2 =	sld [smem:$0x3FC9]  }
0x91: {  	s18 =	sld [smem:$0x3FD0];
	(tm) =	ssettm $0x1  }
0x92: {  	s4 =	sld [smem:$0x3FFB];
	_ =	sdelay $0x3  }
0x93: {  	_ =	strace s4  }
0x94: {  	s4 =	sld [smem:$0x3FFC];
	_ =	sdelay $0x3  }
0x95: {  	_ =	strace s4  }
0x96: {  	s4 =	sld [smem:$0x3FFD];
	_ =	sdelay $0x3  }
0x97: {  	_ =	strace s4  }
0x98: {  	_ =	strace $0x8FFFFFFF  }
0x99: {  	s19 =	sld [smem:$0x3FDB];
	_ =	sdelay $0x1  }
0x9a: {  	s5 =	simm.s32 $_scs_section_size  }
0x9b: {  	s6 =	simm.s32 $_size__tile_overlayer_lowered;
	s7 =	simm.s32 $_tile_overlayer_lowered  }
0x9c: {  	s22 =	simm.s32 $0x1BFF;
	s21 =	sshll.u32 s7, $0x1;
	s4 =	sadd.s32 s5, s19  }
0x9d: {  	s8 =	simm.s32 $0x0;
	s20 =	sshll.u32 s6, $0x1;
	s6 =	sadd.s32 s21, s4  }
0x9e: {  	[timem:s8], [sflag:s22] =	dma.local [hbm:s6], s20  }
0x9f: {  	_ =	swait.ge [sflag:s22], s20  }
0xa0: {  	s5 =	ssub.s32 $0x0, s20;
	[sflag:s22] =	ssyncset.done $0x0  }
0xa1: {  	[sflag:s22] =	ssyncadd.s32 s5;
	_ =	sdelay $0x1  }
0xa2: {  	s23 =	simm.s32 $0x1B8B  }
0xa3: {  	_ =	swait.ge [sflag:s23], $0x1  }
0xa4: {  	[sflag:s23] =	ssyncset.done $0x0  }
0xa5: {  	s25 =	simm.s32 $0x1B8E;
	s24 =	sld [smem:$0x3FFE];
	[sflag:s23] =	ssyncadd.s32 $0xFFFFFFFF  }
0xa6: {  	s26 =	simm.s32 $execute0_lowered;
	[smem:$0x3FD2] =	sst s25  }
0xa7: {  	s6 =	sshll.u32 s26, $0x1;
	_ =	strace $0x80000046;
	[dreg:$0x1] =	wrdreg $0xFFFFFFFF  }
0xa8: {  	s28 =	simm.s32 $_size_execute0_lowered;
	s4 =	sadd.s32 s4, s6;
	[dreg:$0x0] =	wrdreg $0x0  }
0xa9: {  	s6 =	sshll.u32 s28, $0x1;
	[dreg:$0x2] =	wrdreg s4  }
0xaa: {  	[dreg:$0x3] =	wrdreg s6  }
0xab: {  	[dreg:$0x4] =	wrdreg $0xC0  }
0xac: {  	_ =	task [dreg:s8], $0x5FFFF  }
0xad: {  	[dreg:$0x1] =	wrdreg $0xFFFFFFFF  }
0xae: {  	[dreg:$0x0] =	wrdreg $0x60  }
0xaf: {  	[dreg:$0x2] =	wrdreg s2  }
0xb0: {  	[dreg:$0x3] =	wrdreg s24  }
0xb1: {  	[dreg:$0x4] =	wrdreg s18  }
0xb2: {  	[dreg:$0x5] =	wrdreg $0x9  }
0xb3: {  	_ =	task.clear_ibuf [dreg:s8], $0x6FFFF;
	_ =	strace $0x90000046  }
0xb4: {  	s29 =	simm.s32 $0x9;
	_ =	strace $0x80000048  }
0xb5: {  	_ =	swait.ge [sflag:s29], $0x1  }
0xb6: {  	[sflag:s29] =	ssyncadd.s32 $0xFFFFFFFF  }
0xb7: {  	_ =	strace $0x90000048  }
0xb8: {  	_ =	sfence  }
0xb9: {  	s30 =	sld [smem:$0x0];
	_ =	sdelay $0x2  }
0xba: {  	s31 =	sshll.u32 s1, $0xD;
	s1 =	sshrl.u32 s1, $0x2  }
0xbb: {  	s3 =	sand.u32 $0x4000, s31;
	s1 =	sadd.s32 s1, s30  }
0xbc: {  	s0 =	sor.u32 s3, s0;
	s1 =	sshll.u32 s1, $0x11  }
0xbd: {  	s0 =	sor.u32 s1, s0  }
0xbe: {  	s0 =	sadd.s32 $0x8F2B, s0  }
0xbf: {  	[sflag:s0] =	ssyncadd.remote.s32 $0x1  }
0xc0: {  	_ =	sfence.sel $0xFFFF  }
0xc1: {  	[dreg:$0x0] =	wrdreg $0xFFFFFFFF;
	(pc) =	sbr.abs _section_cstart, $3  }
0xc2: {  	[dreg:$0x1] =	wrdreg $0xFFFFFFFF  }
0xc3: {  	_ =	task.clear_ibuf [dreg:s8], $0x2FFFF;
	_ =	strace $0x9FFFFFFF  }
0xc4: {  	(tm) =	ssettm $0x7FFFFFFF  }
0xc5: {  	_ =	shalt  }
tec
execute0_lowered:
.L_overlay_start_1:
0x0: {  	(tag) =	ssettag $0x1  }
0x1: {  	s1 =	rddreg [dreg:$0x0]  }
0x2: {  	s0 =	srdreg.scid;
	s3 =	stileid.u32  }
0x3: {  	s2 =	rddreg [dreg:$0x1];
	s0 =	sand.u32 $0x1, s0;
	s3 =	sshll.u32 s3, $0x1  }
0x4: {  	s4 =	rddreg [dreg:$0x2];
	s5 =	sor.u32 s0, s3  }
0x5: {  	s3 =	simm.s32 $0x0;
	s6 =	sshll.u32 s5, $0x9;
	s5 =	sshll.u32 s5, $0x10  }
0x6: {  	[smem:$0x7FF] =	sst s3;
	s2 =	sadd.s32 s6, s2;
	s8 =	sadd.s32 s4, s5  }
0x7: {  	_ =	strace $0x80000047;
	s2 =	sadd.s32 $0x400, s2;
	[smem:$0x7FC] =	sst s8  }
0x8: {  	s21 =	sadd.s32 $0x800, s8;
	[dreg:$0x4] =	wrdreg s2  }
0x9: {  	s22 =	sadd.s32 $0x1000, s8;
	[dreg:$0x5] =	wrdreg s21  }
0xa: {  	s23 =	sadd.s32 $0x1800, s8;
	[dreg:$0x6] =	wrdreg s22  }
0xb: {  	s24 =	sadd.s32 $0x2000, s8;
	[dreg:$0x7] =	wrdreg s23  }
0xc: {  	s25 =	sadd.s32 $0x2800, s8;
	[dreg:$0x8] =	wrdreg s24  }
0xd: {  	s26 =	sadd.s32 $0x3000, s8;
	[dreg:$0x9] =	wrdreg s25  }
0xe: {  	s29 =	sadd.s32 $0x3800, s8;
	[dreg:$0xa] =	wrdreg s26  }
0xf: {  	s30 =	sadd.s32 $0x4000, s8;
	[dreg:$0xb] =	wrdreg s29  }
0x10: {  	s4 =	sadd.s32 $0x4800, s8;
	[dreg:$0xc] =	wrdreg s30  }
0x11: {  	s5 =	sadd.s32 $0x5000, s8;
	[dreg:$0xd] =	wrdreg s4  }
0x12: {  	s6 =	sadd.s32 $0x5800, s8;
	[dreg:$0xe] =	wrdreg s5  }
0x13: {  	s7 =	sadd.s32 $0x6000, s8;
	[dreg:$0xf] =	wrdreg s6  }
0x14: {  	s9 =	sadd.s32 $0x6800, s8;
	[dreg:$0x10] =	wrdreg s7  }
0x15: {  	s10 =	sadd.s32 $0x7000, s8;
	[dreg:$0x11] =	wrdreg s9  }
0x16: {  	s11 =	sadd.s32 $0x7800, s8;
	[dreg:$0x12] =	wrdreg s10  }
0x17: {  	s12 =	sadd.s32 $0x8000, s8;
	[dreg:$0x13] =	wrdreg s11  }
0x18: {  	s13 =	sadd.s32 $0x8800, s8;
	[dreg:$0x14] =	wrdreg s12  }
0x19: {  	s14 =	sadd.s32 $0x9000, s8;
	[dreg:$0x15] =	wrdreg s13  }
0x1a: {  	s15 =	sadd.s32 $0x9800, s8;
	[dreg:$0x16] =	wrdreg s14  }
0x1b: {  	s16 =	sadd.s32 $0xA000, s8;
	[dreg:$0x17] =	wrdreg s15  }
0x1c: {  	s17 =	sadd.s32 $0xA800, s8;
	[dreg:$0x18] =	wrdreg s16  }
0x1d: {  	s18 =	sadd.s32 $0xB000, s8;
	[dreg:$0x19] =	wrdreg s17  }
0x1e: {  	s19 =	sadd.s32 $0xB800, s8;
	[dreg:$0x1a] =	wrdreg s18  }
0x1f: {  	s28 =	simm.s32 $0x1;
	s20 =	sadd.s32 $0xC000, s8;
	[dreg:$0x1b] =	wrdreg s19  }
0x20: {  	s31 =	simm.s32 $0x7;
	s0 =	ssub.s32 $0x2, s0;
	[dreg:$0x1c] =	wrdreg s20  }
0x21: {  	s21 =	sadd.s32 $0xC800, s8;
	s22 =	sadd.s32 $0xD000, s8;
	s23 =	sshrl.u32 s0, $0x1  }
0x22: {  	s24 =	sadd.s32 $0xD800, s8;
	s25 =	sadd.s32 $0xE000, s8;
	s5 =	sadd.s32 $0x100, s1  }
0x23: {  	s26 =	sadd.s32 $0xE800, s8;
	s6 =	sadd.s32 $0x200, s1;
	s29 =	sadd.s32 $0xF000, s8  }
0x24: {  	s7 =	sadd.s32 $0x300, s1;
	s30 =	sadd.s32 $0xF800, s8;
	[dreg:$0x1d] =	wrdreg s21  }
0x25: {  	s2 =	simm.s32 $0x2;
	s9 =	simm.s32 $0x4;
	[dreg:$0x1e] =	wrdreg s22  }
0x26: {  	s11 =	simm.s32 $0x8;
	s12 =	simm.s32 $0x5;
	[dreg:$0x1f] =	wrdreg s24  }
0x27: {  	s13 =	simm.s32 $0x9;
	s14 =	simm.s32 $0x6;
	[smem:$0x7F9] =	sst s25  }
0x28: {  	v2 =	vlaneseq.u32;
	s15 =	simm.s32 $0xA;
	s16 =	simm.s32 $0xB;
	[smem:$0x7FA] =	sst s26  }
0x29: {  	vm0 =	vmmov $0xffff;
	v1 =	vshrl.u32 v2, $0x3;
	s17 =	simm.s32 $0xC;
	s0 =	ssub.s32 s0, s23;
	[smem:$0x7FB] =	sst s29  }
0x2a: {  	v0 =	vand.u32 $0x7, v2;
	v2 =	vor.u32 $0x8, v2;
	v1 =	vmul.u32 $0x8, v1;
	[smem:$0x7FD] =	sst s30;
	s23 =	simm.s32 $0x3;
	s0 =	smax.u32 s0, $0x1  }
.LBB2_1:
0x2b: {  	[smem:$0x7F8] =	sst s0  }
0x2c: {  	s19 =	rddreg [dreg:$0x4];
	s25 =	simm.s32 $0xD  }
0x2d: {  	[tilespmem:s3], [sflag:$0xD] =	stream.linear.gather [hbm4b:s19+s3], $0x1000, $0x38;
	[tilespmem:$0x19000] =	vst v63  }
0x2e: {  	_ =	swait.ge [sflag:s25], $0x1000  }
0x2f: {  	[sflag:s25] =	ssyncset.done $0x0  }
0x30: {  	[sflag:s25] =	ssyncadd.s32 $0xFFFFF000  }
0x31: {  	v3 =	vld [tilespmem:$0x0];
	_ =	sdelay $0x4  }
0x32: {  	v4 =	vshll.u32 v3, $0x3  }
0x33: {  	v3 =	vand.u32 $0x7, v3;
	v4 =	vand.u32 $0xFFFFFFC0, v4  }
0x34: {  	v3 =	vor.u32 v3, v4  }
0x35: {  	v4 =	vperm.xlane v3, v0;
	_ =	sdelay $0x1  }
0x36: {  	v4 =	vadd.s32 v1, v4;
	_ =	sdelay $0x3  }
0x37: {  	s26 =	simm.s32 $0x1000  }
0x38: {  	[tilespmem:s26], [sflag:$0x1] =	stream.indirect_vreg.gather [hbm4b:s1+s3], $0x80, v4, vm0, $0xb8;
	[tilespmem:$0x19000] =	vst v63  }
0x39: {  	s29 =	simm.s32 $0x1800;
	v3 =	vperm.xlane v3, v2  }
0x3a: {  	[tilespmem:s29], [sflag:$0x1] =	stream.indirect_vreg.gather [hbm4b:s5+s3], $0x80, v4, vm0, $0xb8;
	[tilespmem:$0x19000] =	vst v63  }
0x3b: {  	s30 =	simm.s32 $0x2000;
	v3 =	vadd.s32 v1, v3  }
0x3c: {  	[tilespmem:s30], [sflag:$0x1] =	stream.indirect_vreg.gather [hbm4b:s6+s3], $0x80, v4, vm0, $0xb8;
	[tilespmem:$0x19000] =	vst v63  }
0x3d: {  	s8 =	simm.s32 $0x2800  }
0x3e: {  	[tilespmem:s8], [sflag:$0x1] =	stream.indirect_vreg.gather [hbm4b:s7+s3], $0x80, v4, vm0, $0xb8;
	[tilespmem:$0x19000] =	vst v63  }
0x3f: {  	s10 =	simm.s32 $0x3000  }
0x40: {  	[tilespmem:s10], [sflag:$0x1] =	stream.indirect_vreg.gather [hbm4b:s1+s3], $0x80, v3, vm0, $0xb8;
	[tilespmem:$0x19000] =	vst v63  }
0x41: {  	s19 =	simm.s32 $0x3800  }
0x42: {  	[tilespmem:s19], [sflag:$0x1] =	stream.indirect_vreg.gather [hbm4b:s5+s3], $0x80, v3, vm0, $0xb8;
	[tilespmem:$0x19000] =	vst v63  }
0x43: {  	s20 =	simm.s32 $0x4000  }
0x44: {  	[tilespmem:s20], [sflag:$0x1] =	stream.indirect_vreg.gather [hbm4b:s6+s3], $0x80, v3, vm0, $0xb8;
	[tilespmem:$0x19000] =	vst v63  }
0x45: {  	s21 =	simm.s32 $0x4800  }
0x46: {  	[tilespmem:s21], [sflag:$0x1] =	stream.indirect_vreg.gather [hbm4b:s7+s3], $0x80, v3, vm0, $0xb8;
	[tilespmem:$0x19000] =	vst v63  }
0x47: {  	v3 =	vld [tilespmem:$0x80];
	_ =	sdelay $0x4  }
0x48: {  	v33 =	vshll.u32 v3, $0x3  }
0x49: {  	v3 =	vand.u32 $0x7, v3;
	v4 =	vand.u32 $0xFFFFFFC0, v33  }
0x4a: {  	v3 =	vor.u32 v3, v4  }
0x4b: {  	v4 =	vperm.xlane v3, v0;
	_ =	sdelay $0x1  }
0x4c: {  	v4 =	vadd.s32 v1, v4;
	_ =	sdelay $0x3  }
0x4d: {  	s22 =	simm.s32 $0x5000  }
0x4e: {  	[tilespmem:s22], [sflag:$0x2] =	stream.indirect_vreg.gather [hbm4b:s1+s3], $0x80, v4, vm0, $0xb8;
	[tilespmem:$0x19000] =	vst v63  }
0x4f: {  	s24 =	simm.s32 $0x5800;
	v3 =	vperm.xlane v3, v2  }
0x50: {  	[tilespmem:s24], [sflag:$0x2] =	stream.indirect_vreg.gather [hbm4b:s5+s3], $0x80, v4, vm0, $0xb8;
	[tilespmem:$0x19000] =	vst v63  }
0x51: {  	s26 =	simm.s32 $0x6000;
	v3 =	vadd.s32 v1, v3  }
0x52: {  	[tilespmem:s26], [sflag:$0x2] =	stream.indirect_vreg.gather [hbm4b:s6+s3], $0x80, v4, vm0, $0xb8;
	[tilespmem:$0x19000] =	vst v63  }
0x53: {  	s29 =	simm.s32 $0x6800  }
0x54: {  	[tilespmem:s29], [sflag:$0x2] =	stream.indirect_vreg.gather [hbm4b:s7+s3], $0x80, v4, vm0, $0xb8;
	[tilespmem:$0x19000] =	vst v63  }
0x55: {  	s30 =	simm.s32 $0x7000  }
0x56: {  	[tilespmem:s30], [sflag:$0x2] =	stream.indirect_vreg.gather [hbm4b:s1+s3], $0x80, v3, vm0, $0xb8;
	[tilespmem:$0x19000] =	vst v63  }
0x57: {  	s0 =	simm.s32 $0x7800  }
0x58: {  	[tilespmem:s0], [sflag:$0x2] =	stream.indirect_vreg.gather [hbm4b:s5+s3], $0x80, v3, vm0, $0xb8;
	[tilespmem:$0x19000] =	vst v63  }
0x59: {  	s8 =	simm.s32 $0x8000  }
0x5a: {  	[tilespmem:s8], [sflag:$0x2] =	stream.indirect_vreg.gather [hbm4b:s6+s3], $0x80, v3, vm0, $0xb8;
	[tilespmem:$0x19000] =	vst v63  }
0x5b: {  	s10 =	simm.s32 $0x8800  }
0x5c: {  	[tilespmem:s10], [sflag:$0x2] =	stream.indirect_vreg.gather [hbm4b:s7+s3], $0x80, v3, vm0, $0xb8;
	[tilespmem:$0x19000] =	vst v63  }
0x5d: {  	v3 =	vld [tilespmem:$0x100];
	_ =	sdelay $0x4  }
0x5e: {  	v34 =	vshll.u32 v3, $0x3  }
0x5f: {  	v3 =	vand.u32 $0x7, v3;
	v4 =	vand.u32 $0xFFFFFFC0, v34  }
0x60: {  	v3 =	vor.u32 v3, v4  }
0x61: {  	v4 =	vperm.xlane v3, v0;
	_ =	sdelay $0x1  }
0x62: {  	v4 =	vadd.s32 v1, v4;
	_ =	sdelay $0x3  }
0x63: {  	s19 =	simm.s32 $0x9000  }
0x64: {  	[tilespmem:s19], [sflag:$0x3] =	stream.indirect_vreg.gather [hbm4b:s1+s3], $0x80, v4, vm0, $0xb8;
	[tilespmem:$0x19000] =	vst v63  }
0x65: {  	s20 =	simm.s32 $0x9800;
	v3 =	vperm.xlane v3, v2  }
0x66: {  	[tilespmem:s20], [sflag:$0x3] =	stream.indirect_vreg.gather [hbm4b:s5+s3], $0x80, v4, vm0, $0xb8;
	[tilespmem:$0x19000] =	vst v63  }
0x67: {  	s22 =	simm.s32 $0xA000;
	v3 =	vadd.s32 v1, v3  }
0x68: {  	[tilespmem:s22], [sflag:$0x3] =	stream.indirect_vreg.gather [hbm4b:s6+s3], $0x80, v4, vm0, $0xb8;
	[tilespmem:$0x19000] =	vst v63  }
0x69: {  	s24 =	simm.s32 $0xA800  }
0x6a: {  	[tilespmem:s24], [sflag:$0x3] =	stream.indirect_vreg.gather [hbm4b:s7+s3], $0x80, v4, vm0, $0xb8;
	[tilespmem:$0x19000] =	vst v63  }
0x6b: {  	s26 =	simm.s32 $0xB000  }
0x6c: {  	[tilespmem:s26], [sflag:$0x3] =	stream.indirect_vreg.gather [hbm4b:s1+s3], $0x80, v3, vm0, $0xb8;
	[tilespmem:$0x19000] =	vst v63  }
0x6d: {  	s8 =	simm.s32 $0xB800  }
0x6e: {  	[tilespmem:s8], [sflag:$0x3] =	stream.indirect_vreg.gather [hbm4b:s5+s3], $0x80, v3, vm0, $0xb8;
	[tilespmem:$0x19000] =	vst v63  }
0x6f: {  	s10 =	simm.s32 $0xC000  }
0x70: {  	[tilespmem:s10], [sflag:$0x3] =	stream.indirect_vreg.gather [hbm4b:s6+s3], $0x80, v3, vm0, $0xb8;
	[tilespmem:$0x19000] =	vst v63  }
0x71: {  	s19 =	simm.s32 $0xC800  }
0x72: {  	[tilespmem:s19], [sflag:$0x3] =	stream.indirect_vreg.gather [hbm4b:s7+s3], $0x80, v3, vm0, $0xb8;
	[tilespmem:$0x19000] =	vst v63  }
0x73: {  	v3 =	vld [tilespmem:$0x180];
	_ =	sdelay $0x4  }
0x74: {  	v35 =	vshll.u32 v3, $0x3  }
0x75: {  	v3 =	vand.u32 $0x7, v3;
	v4 =	vand.u32 $0xFFFFFFC0, v35  }
0x76: {  	v3 =	vor.u32 v3, v4  }
0x77: {  	v4 =	vperm.xlane v3, v0;
	_ =	sdelay $0x1  }
0x78: {  	v4 =	vadd.s32 v1, v4;
	_ =	sdelay $0x3  }
0x79: {  	s8 =	simm.s32 $0xD000  }
0x7a: {  	[tilespmem:s8], [sflag:$0x4] =	stream.indirect_vreg.gather [hbm4b:s1+s3], $0x80, v4, vm0, $0xb8;
	[tilespmem:$0x19000] =	vst v63  }
0x7b: {  	s20 =	simm.s32 $0xD800;
	v3 =	vperm.xlane v3, v2  }
0x7c: {  	[tilespmem:s20], [sflag:$0x4] =	stream.indirect_vreg.gather [hbm4b:s5+s3], $0x80, v4, vm0, $0xb8;
	[tilespmem:$0x19000] =	vst v63  }
0x7d: {  	s22 =	simm.s32 $0xE000;
	v3 =	vadd.s32 v1, v3  }
0x7e: {  	[tilespmem:s22], [sflag:$0x4] =	stream.indirect_vreg.gather [hbm4b:s6+s3], $0x80, v4, vm0, $0xb8;
	[tilespmem:$0x19000] =	vst v63  }
0x7f: {  	s24 =	simm.s32 $0xE800  }
0x80: {  	[tilespmem:s24], [sflag:$0x4] =	stream.indirect_vreg.gather [hbm4b:s7+s3], $0x80, v4, vm0, $0xb8;
	[tilespmem:$0x19000] =	vst v63  }
0x81: {  	s26 =	simm.s32 $0xF000  }
0x82: {  	[tilespmem:s26], [sflag:$0x4] =	stream.indirect_vreg.gather [hbm4b:s1+s3], $0x80, v3, vm0, $0xb8;
	[tilespmem:$0x19000] =	vst v63  }
0x83: {  	s8 =	simm.s32 $0xF800  }
0x84: {  	[tilespmem:s8], [sflag:$0x4] =	stream.indirect_vreg.gather [hbm4b:s5+s3], $0x80, v3, vm0, $0xb8;
	[tilespmem:$0x19000] =	vst v63  }
0x85: {  	s10 =	simm.s32 $0x10000  }
0x86: {  	[tilespmem:s10], [sflag:$0x4] =	stream.indirect_vreg.gather [hbm4b:s6+s3], $0x80, v3, vm0, $0xb8;
	[tilespmem:$0x19000] =	vst v63  }
0x87: {  	s19 =	simm.s32 $0x10800  }
0x88: {  	[tilespmem:s19], [sflag:$0x4] =	stream.indirect_vreg.gather [hbm4b:s7+s3], $0x80, v3, vm0, $0xb8;
	[tilespmem:$0x19000] =	vst v63  }
0x89: {  	_ =	swait.ge [sflag:s28], $0x4000  }
0x8a: {  	s20 =	sld [smem:$0x7FC]  }
0x8b: {  	[sflag:s28] =	ssyncset.done $0x0  }
0x8c: {  	s4 =	simm.s32 $0x1000;
	[sflag:s28] =	ssyncadd.s32 $0xFFFFC000  }
0x8d: {  	[hbm4b:s20+s3] =	stream.linear.scatter [tilespmem:s4], [sflag:$0x7], $0x4000, $0x38;
	[tilespmem:$0x19000] =	vst v63  }
0x8e: {  	v3 =	vld [tilespmem:$0x200];
	_ =	sdelay $0x4  }
0x8f: {  	v36 =	vshll.u32 v3, $0x3  }
0x90: {  	v3 =	vand.u32 $0x7, v3;
	v4 =	vand.u32 $0xFFFFFFC0, v36  }
0x91: {  	v3 =	vor.u32 v3, v4  }
0x92: {  	v4 =	vperm.xlane v3, v0;
	_ =	sdelay $0x1  }
0x93: {  	v4 =	vadd.s32 v1, v4;
	_ =	sdelay $0x3  }
0x94: {  	s22 =	simm.s32 $0x11000  }
0x95: {  	[tilespmem:s22], [sflag:$0x5] =	stream.indirect_vreg.gather [hbm4b:s1+s3], $0x80, v4, vm0, $0xb8;
	[tilespmem:$0x19000] =	vst v63  }
0x96: {  	s10 =	simm.s32 $0x11800;
	v3 =	vperm.xlane v3, v2  }
0x97: {  	[tilespmem:s10], [sflag:$0x5] =	stream.indirect_vreg.gather [hbm4b:s5+s3], $0x80, v4, vm0, $0xb8;
	[tilespmem:$0x19000] =	vst v63  }
0x98: {  	s24 =	simm.s32 $0x12000;
	v3 =	vadd.s32 v1, v3  }
0x99: {  	[tilespmem:s24], [sflag:$0x5] =	stream.indirect_vreg.gather [hbm4b:s6+s3], $0x80, v4, vm0, $0xb8;
	[tilespmem:$0x19000] =	vst v63  }
0x9a: {  	s26 =	simm.s32 $0x12800  }
0x9b: {  	[tilespmem:s26], [sflag:$0x5] =	stream.indirect_vreg.gather [hbm4b:s7+s3], $0x80, v4, vm0, $0xb8;
	[tilespmem:$0x19000] =	vst v63  }
0x9c: {  	s0 =	simm.s32 $0x13000  }
0x9d: {  	[tilespmem:s0], [sflag:$0x5] =	stream.indirect_vreg.gather [hbm4b:s1+s3], $0x80, v3, vm0, $0xb8;
	[tilespmem:$0x19000] =	vst v63  }
0x9e: {  	s8 =	simm.s32 $0x13800  }
0x9f: {  	[tilespmem:s8], [sflag:$0x5] =	stream.indirect_vreg.gather [hbm4b:s5+s3], $0x80, v3, vm0, $0xb8;
	[tilespmem:$0x19000] =	vst v63  }
0xa0: {  	s19 =	simm.s32 $0x14000  }
0xa1: {  	[tilespmem:s19], [sflag:$0x5] =	stream.indirect_vreg.gather [hbm4b:s6+s3], $0x80, v3, vm0, $0xb8;
	[tilespmem:$0x19000] =	vst v63  }
0xa2: {  	s20 =	simm.s32 $0x14800  }
0xa3: {  	[tilespmem:s20], [sflag:$0x5] =	stream.indirect_vreg.gather [hbm4b:s7+s3], $0x80, v3, vm0, $0xb8;
	[tilespmem:$0x19000] =	vst v63  }
0xa4: {  	_ =	swait.ge [sflag:s2], $0x4000  }
0xa5: {  	[sflag:s2] =	ssyncset.done $0x0  }
0xa6: {  	s8 =	simm.s32 $0x5000;
	s24 =	rddreg [dreg:$0x5];
	[sflag:s2] =	ssyncadd.s32 $0xFFFFC000  }
0xa7: {  	[hbm4b:s24+s3] =	stream.linear.scatter [tilespmem:s8], [sflag:$0x8], $0x4000, $0x38;
	[tilespmem:$0x19000] =	vst v63  }
0xa8: {  	v3 =	vld [tilespmem:$0x280];
	_ =	sdelay $0x4  }
0xa9: {  	v37 =	vshll.u32 v3, $0x3  }
0xaa: {  	v3 =	vand.u32 $0x7, v3;
	v4 =	vand.u32 $0xFFFFFFC0, v37  }
0xab: {  	v3 =	vor.u32 v3, v4  }
0xac: {  	v4 =	vperm.xlane v3, v0;
	_ =	sdelay $0x1  }
0xad: {  	v4 =	vadd.s32 v1, v4;
	_ =	sdelay $0x3  }
0xae: {  	s26 =	simm.s32 $0x15000  }
0xaf: {  	[tilespmem:s26], [sflag:$0x6] =	stream.indirect_vreg.gather [hbm4b:s1+s3], $0x80, v4, vm0, $0xb8;
	[tilespmem:$0x19000] =	vst v63  }
0xb0: {  	s0 =	simm.s32 $0x15800;
	v3 =	vperm.xlane v3, v2  }
0xb1: {  	[tilespmem:s0], [sflag:$0x6] =	stream.indirect_vreg.gather [hbm4b:s5+s3], $0x80, v4, vm0, $0xb8;
	[tilespmem:$0x19000] =	vst v63  }
0xb2: {  	s20 =	simm.s32 $0x16000;
	v3 =	vadd.s32 v1, v3  }
0xb3: {  	[tilespmem:s20], [sflag:$0x6] =	stream.indirect_vreg.gather [hbm4b:s6+s3], $0x80, v4, vm0, $0xb8;
	[tilespmem:$0x19000] =	vst v63  }
0xb4: {  	s24 =	simm.s32 $0x16800  }
0xb5: {  	[tilespmem:s24], [sflag:$0x6] =	stream.indirect_vreg.gather [hbm4b:s7+s3], $0x80, v4, vm0, $0xb8;
	[tilespmem:$0x19000] =	vst v63  }
0xb6: {  	s26 =	simm.s32 $0x17000  }
0xb7: {  	[tilespmem:s26], [sflag:$0x6] =	stream.indirect_vreg.gather [hbm4b:s1+s3], $0x80, v3, vm0, $0xb8;
	[tilespmem:$0x19000] =	vst v63  }
0xb8: {  	s0 =	simm.s32 $0x17800  }
0xb9: {  	[tilespmem:s0], [sflag:$0x6] =	stream.indirect_vreg.gather [hbm4b:s5+s3], $0x80, v3, vm0, $0xb8;
	[tilespmem:$0x19000] =	vst v63  }
0xba: {  	s20 =	simm.s32 $0x18000  }
0xbb: {  	[tilespmem:s20], [sflag:$0x6] =	stream.indirect_vreg.gather [hbm4b:s6+s3], $0x80, v3, vm0, $0xb8;
	[tilespmem:$0x19000] =	vst v63  }
0xbc: {  	s24 =	simm.s32 $0x18800  }
0xbd: {  	[tilespmem:s24], [sflag:$0x6] =	stream.indirect_vreg.gather [hbm4b:s7+s3], $0x80, v3, vm0, $0xb8;
	[tilespmem:$0x19000] =	vst v63  }
0xbe: {  	_ =	swait.ge [sflag:s23], $0x4000  }
0xbf: {  	[sflag:s23] =	ssyncset.done $0x0  }
0xc0: {  	s0 =	simm.s32 $0x9000;
	s26 =	rddreg [dreg:$0x6];
	[sflag:s23] =	ssyncadd.s32 $0xFFFFC000  }
0xc1: {  	[hbm4b:s26+s3] =	stream.linear.scatter [tilespmem:s0], [sflag:$0x9], $0x4000, $0x38;
	[tilespmem:$0x19000] =	vst v63  }
0xc2: {  	_ =	swait.ge [sflag:s31], $0x4000  }
0xc3: {  	[sflag:s31] =	ssyncset.done $0x0  }
0xc4: {  	[sflag:s31] =	ssyncadd.s32 $0xFFFFC000  }
0xc5: {  	v3 =	vld [tilespmem:$0x300];
	_ =	sdelay $0x4  }
0xc6: {  	v38 =	vshll.u32 v3, $0x3  }
0xc7: {  	v3 =	vand.u32 $0x7, v3;
	v4 =	vand.u32 $0xFFFFFFC0, v38  }
0xc8: {  	v3 =	vor.u32 v3, v4  }
0xc9: {  	v4 =	vperm.xlane v3, v0;
	_ =	sdelay $0x1  }
0xca: {  	v4 =	vadd.s32 v1, v4;
	_ =	sdelay $0x3  }
0xcb: {  	s4 =	simm.s32 $0x1000  }
0xcc: {  	[tilespmem:s4], [sflag:$0x1] =	stream.indirect_vreg.gather [hbm4b:s1+s3], $0x80, v4, vm0, $0xb8;
	[tilespmem:$0x19000] =	vst v63  }
0xcd: {  	s18 =	simm.s32 $0x1800;
	v3 =	vperm.xlane v3, v2  }
0xce: {  	[tilespmem:s18], [sflag:$0x1] =	stream.indirect_vreg.gather [hbm4b:s5+s3], $0x80, v4, vm0, $0xb8;
	[tilespmem:$0x19000] =	vst v63  }
0xcf: {  	s20 =	simm.s32 $0x2000;
	v3 =	vadd.s32 v1, v3  }
0xd0: {  	[tilespmem:s20], [sflag:$0x1] =	stream.indirect_vreg.gather [hbm4b:s6+s3], $0x80, v4, vm0, $0xb8;
	[tilespmem:$0x19000] =	vst v63  }
0xd1: {  	s24 =	simm.s32 $0x2800  }
0xd2: {  	[tilespmem:s24], [sflag:$0x1] =	stream.indirect_vreg.gather [hbm4b:s7+s3], $0x80, v4, vm0, $0xb8;
	[tilespmem:$0x19000] =	vst v63  }
0xd3: {  	s26 =	simm.s32 $0x3000  }
0xd4: {  	[tilespmem:s26], [sflag:$0x1] =	stream.indirect_vreg.gather [hbm4b:s1+s3], $0x80, v3, vm0, $0xb8;
	[tilespmem:$0x19000] =	vst v63  }
0xd5: {  	s20 =	simm.s32 $0x3800  }
0xd6: {  	[tilespmem:s20], [sflag:$0x1] =	stream.indirect_vreg.gather [hbm4b:s5+s3], $0x80, v3, vm0, $0xb8;
	[tilespmem:$0x19000] =	vst v63  }
0xd7: {  	s26 =	simm.s32 $0x4000  }
0xd8: {  	[tilespmem:s26], [sflag:$0x1] =	stream.indirect_vreg.gather [hbm4b:s6+s3], $0x80, v3, vm0, $0xb8;
	[tilespmem:$0x19000] =	vst v63  }
0xd9: {  	s25 =	simm.s32 $0x4800  }
0xda: {  	[tilespmem:s25], [sflag:$0x1] =	stream.indirect_vreg.gather [hbm4b:s7+s3], $0x80, v3, vm0, $0xb8;
	[tilespmem:$0x19000] =	vst v63  }
0xdb: {  	_ =	swait.ge [sflag:s9], $0x4000  }
0xdc: {  	[sflag:s9] =	ssyncset.done $0x0  }
0xdd: {  	s24 =	simm.s32 $0xD000;
	s18 =	rddreg [dreg:$0x7];
	[sflag:s9] =	ssyncadd.s32 $0xFFFFC000  }
0xde: {  	[hbm4b:s18+s3] =	stream.linear.scatter [tilespmem:s24], [sflag:$0xA], $0x4000, $0x38;
	[tilespmem:$0x19000] =	vst v63  }
0xdf: {  	_ =	swait.ge [sflag:s11], $0x4000  }
0xe0: {  	[sflag:s11] =	ssyncset.done $0x0  }
0xe1: {  	[sflag:s11] =	ssyncadd.s32 $0xFFFFC000  }
0xe2: {  	v3 =	vld [tilespmem:$0x380];
	_ =	sdelay $0x4  }
0xe3: {  	v39 =	vshll.u32 v3, $0x3  }
0xe4: {  	v3 =	vand.u32 $0x7, v3;
	v4 =	vand.u32 $0xFFFFFFC0, v39  }
0xe5: {  	v3 =	vor.u32 v3, v4  }
0xe6: {  	v4 =	vperm.xlane v3, v0;
	_ =	sdelay $0x1  }
0xe7: {  	v4 =	vadd.s32 v1, v4;
	_ =	sdelay $0x4  }
0xe8: {  	[tilespmem:s8], [sflag:$0x2] =	stream.indirect_vreg.gather [hbm4b:s1+s3], $0x80, v4, vm0, $0xb8;
	[tilespmem:$0x19000] =	vst v63  }
0xe9: {  	s25 =	simm.s32 $0x5800;
	v3 =	vperm.xlane v3, v2  }
0xea: {  	[tilespmem:s25], [sflag:$0x2] =	stream.indirect_vreg.gather [hbm4b:s5+s3], $0x80, v4, vm0, $0xb8;
	[tilespmem:$0x19000] =	vst v63  }
0xeb: {  	s21 =	simm.s32 $0x6000;
	v3 =	vadd.s32 v1, v3  }
0xec: {  	[tilespmem:s21], [sflag:$0x2] =	stream.indirect_vreg.gather [hbm4b:s6+s3], $0x80, v4, vm0, $0xb8;
	[tilespmem:$0x19000] =	vst v63  }
0xed: {  	s19 =	simm.s32 $0x6800  }
0xee: {  	[tilespmem:s19], [sflag:$0x2] =	stream.indirect_vreg.gather [hbm4b:s7+s3], $0x80, v4, vm0, $0xb8;
	[tilespmem:$0x19000] =	vst v63  }
0xef: {  	s21 =	simm.s32 $0x7000  }
0xf0: {  	[tilespmem:s21], [sflag:$0x2] =	stream.indirect_vreg.gather [hbm4b:s1+s3], $0x80, v3, vm0, $0xb8;
	[tilespmem:$0x19000] =	vst v63  }
0xf1: {  	s25 =	simm.s32 $0x7800  }
0xf2: {  	[tilespmem:s25], [sflag:$0x2] =	stream.indirect_vreg.gather [hbm4b:s5+s3], $0x80, v3, vm0, $0xb8;
	[tilespmem:$0x19000] =	vst v63  }
0xf3: {  	s19 =	simm.s32 $0x8000  }
0xf4: {  	[tilespmem:s19], [sflag:$0x2] =	stream.indirect_vreg.gather [hbm4b:s6+s3], $0x80, v3, vm0, $0xb8;
	[tilespmem:$0x19000] =	vst v63  }
0xf5: {  	s21 =	simm.s32 $0x8800  }
0xf6: {  	[tilespmem:s21], [sflag:$0x2] =	stream.indirect_vreg.gather [hbm4b:s7+s3], $0x80, v3, vm0, $0xb8;
	[tilespmem:$0x19000] =	vst v63  }
0xf7: {  	_ =	swait.ge [sflag:s12], $0x4000  }
0xf8: {  	[sflag:s12] =	ssyncset.done $0x0  }
0xf9: {  	s8 =	simm.s32 $0x11000;
	s25 =	rddreg [dreg:$0x8];
	[sflag:s12] =	ssyncadd.s32 $0xFFFFC000  }
0xfa: {  	[hbm4b:s25+s3] =	stream.linear.scatter [tilespmem:s8], [sflag:$0xB], $0x4000, $0x38;
	[tilespmem:$0x19000] =	vst v63  }
0xfb: {  	_ =	swait.ge [sflag:s13], $0x4000  }
0xfc: {  	[sflag:s13] =	ssyncset.done $0x0  }
0xfd: {  	[sflag:s13] =	ssyncadd.s32 $0xFFFFC000  }
0xfe: {  	v3 =	vld [tilespmem:$0x400];
	_ =	sdelay $0x4  }
0xff: {  	v40 =	vshll.u32 v3, $0x3  }
0x100: {  	v3 =	vand.u32 $0x7, v3;
	v4 =	vand.u32 $0xFFFFFFC0, v40  }
0x101: {  	v3 =	vor.u32 v3, v4  }
0x102: {  	v4 =	vperm.xlane v3, v0;
	_ =	sdelay $0x1  }
0x103: {  	v4 =	vadd.s32 v1, v4;
	_ =	sdelay $0x4  }
0x104: {  	[tilespmem:s0], [sflag:$0x3] =	stream.indirect_vreg.gather [hbm4b:s1+s3], $0x80, v4, vm0, $0xb8;
	[tilespmem:$0x19000] =	vst v63  }
0x105: {  	s29 =	simm.s32 $0x9800;
	v3 =	vperm.xlane v3, v2  }
0x106: {  	[tilespmem:s29], [sflag:$0x3] =	stream.indirect_vreg.gather [hbm4b:s5+s3], $0x80, v4, vm0, $0xb8;
	[tilespmem:$0x19000] =	vst v63  }
0x107: {  	s30 =	simm.s32 $0xA000;
	v3 =	vadd.s32 v1, v3  }
0x108: {  	[tilespmem:s30], [sflag:$0x3] =	stream.indirect_vreg.gather [hbm4b:s6+s3], $0x80, v4, vm0, $0xb8;
	[tilespmem:$0x19000] =	vst v63  }
0x109: {  	s19 =	simm.s32 $0xA800  }
0x10a: {  	[tilespmem:s19], [sflag:$0x3] =	stream.indirect_vreg.gather [hbm4b:s7+s3], $0x80, v4, vm0, $0xb8;
	[tilespmem:$0x19000] =	vst v63  }
0x10b: {  	s25 =	simm.s32 $0xB000  }
0x10c: {  	[tilespmem:s25], [sflag:$0x3] =	stream.indirect_vreg.gather [hbm4b:s1+s3], $0x80, v3, vm0, $0xb8;
	[tilespmem:$0x19000] =	vst v63  }
0x10d: {  	s29 =	simm.s32 $0xB800  }
0x10e: {  	[tilespmem:s29], [sflag:$0x3] =	stream.indirect_vreg.gather [hbm4b:s5+s3], $0x80, v3, vm0, $0xb8;
	[tilespmem:$0x19000] =	vst v63  }
0x10f: {  	s30 =	simm.s32 $0xC000  }
0x110: {  	[tilespmem:s30], [sflag:$0x3] =	stream.indirect_vreg.gather [hbm4b:s6+s3], $0x80, v3, vm0, $0xb8;
	[tilespmem:$0x19000] =	vst v63  }
0x111: {  	s19 =	simm.s32 $0xC800  }
0x112: {  	[tilespmem:s19], [sflag:$0x3] =	stream.indirect_vreg.gather [hbm4b:s7+s3], $0x80, v3, vm0, $0xb8;
	[tilespmem:$0x19000] =	vst v63  }
0x113: {  	_ =	swait.ge [sflag:s14], $0x4000  }
0x114: {  	[sflag:s14] =	ssyncset.done $0x0  }
0x115: {  	s10 =	simm.s32 $0x15000;
	s25 =	rddreg [dreg:$0x9];
	[sflag:s14] =	ssyncadd.s32 $0xFFFFC000  }
0x116: {  	[hbm4b:s25+s3] =	stream.linear.scatter [tilespmem:s10], [sflag:$0xC], $0x4000, $0x38;
	[tilespmem:$0x19000] =	vst v63  }
0x117: {  	_ =	swait.ge [sflag:s15], $0x4000  }
0x118: {  	[sflag:s15] =	ssyncset.done $0x0  }
0x119: {  	[sflag:s15] =	ssyncadd.s32 $0xFFFFC000  }
0x11a: {  	v3 =	vld [tilespmem:$0x480];
	_ =	sdelay $0x4  }
0x11b: {  	v41 =	vshll.u32 v3, $0x3  }
0x11c: {  	v3 =	vand.u32 $0x7, v3;
	v4 =	vand.u32 $0xFFFFFFC0, v41  }
0x11d: {  	v3 =	vor.u32 v3, v4  }
0x11e: {  	v4 =	vperm.xlane v3, v0;
	_ =	sdelay $0x1  }
0x11f: {  	v4 =	vadd.s32 v1, v4;
	_ =	sdelay $0x4  }
0x120: {  	[tilespmem:s24], [sflag:$0x4] =	stream.indirect_vreg.gather [hbm4b:s1+s3], $0x80, v4, vm0, $0xb8;
	[tilespmem:$0x19000] =	vst v63  }
0x121: {  	s29 =	simm.s32 $0xD800;
	v3 =	vperm.xlane v3, v2  }
0x122: {  	[tilespmem:s29], [sflag:$0x4] =	stream.indirect_vreg.gather [hbm4b:s5+s3], $0x80, v4, vm0, $0xb8;
	[tilespmem:$0x19000] =	vst v63  }
0x123: {  	s30 =	simm.s32 $0xE000;
	v3 =	vadd.s32 v1, v3  }
0x124: {  	[tilespmem:s30], [sflag:$0x4] =	stream.indirect_vreg.gather [hbm4b:s6+s3], $0x80, v4, vm0, $0xb8;
	[tilespmem:$0x19000] =	vst v63  }
0x125: {  	s24 =	simm.s32 $0xE800  }
0x126: {  	[tilespmem:s24], [sflag:$0x4] =	stream.indirect_vreg.gather [hbm4b:s7+s3], $0x80, v4, vm0, $0xb8;
	[tilespmem:$0x19000] =	vst v63  }
0x127: {  	s25 =	simm.s32 $0xF000  }
0x128: {  	[tilespmem:s25], [sflag:$0x4] =	stream.indirect_vreg.gather [hbm4b:s1+s3], $0x80, v3, vm0, $0xb8;
	[tilespmem:$0x19000] =	vst v63  }
0x129: {  	s29 =	simm.s32 $0xF800  }
0x12a: {  	[tilespmem:s29], [sflag:$0x4] =	stream.indirect_vreg.gather [hbm4b:s5+s3], $0x80, v3, vm0, $0xb8;
	[tilespmem:$0x19000] =	vst v63  }
0x12b: {  	s30 =	simm.s32 $0x10000  }
0x12c: {  	[tilespmem:s30], [sflag:$0x4] =	stream.indirect_vreg.gather [hbm4b:s6+s3], $0x80, v3, vm0, $0xb8;
	[tilespmem:$0x19000] =	vst v63  }
0x12d: {  	s24 =	simm.s32 $0x10800  }
0x12e: {  	[tilespmem:s24], [sflag:$0x4] =	stream.indirect_vreg.gather [hbm4b:s7+s3], $0x80, v3, vm0, $0xb8;
	[tilespmem:$0x19000] =	vst v63  }
0x12f: {  	_ =	swait.ge [sflag:s28], $0x4000  }
0x130: {  	[sflag:s28] =	ssyncset.done $0x0  }
0x131: {  	s4 =	simm.s32 $0x1000;
	s25 =	rddreg [dreg:$0xa];
	[sflag:s28] =	ssyncadd.s32 $0xFFFFC000  }
0x132: {  	[hbm4b:s25+s3] =	stream.linear.scatter [tilespmem:s4], [sflag:$0x7], $0x4000, $0x38;
	[tilespmem:$0x19000] =	vst v63  }
0x133: {  	_ =	swait.ge [sflag:s16], $0x4000  }
0x134: {  	[sflag:s16] =	ssyncset.done $0x0  }
0x135: {  	[sflag:s16] =	ssyncadd.s32 $0xFFFFC000  }
0x136: {  	v3 =	vld [tilespmem:$0x500];
	_ =	sdelay $0x4  }
0x137: {  	v42 =	vshll.u32 v3, $0x3  }
0x138: {  	v3 =	vand.u32 $0x7, v3;
	v4 =	vand.u32 $0xFFFFFFC0, v42  }
0x139: {  	v3 =	vor.u32 v3, v4  }
0x13a: {  	v4 =	vperm.xlane v3, v0;
	_ =	sdelay $0x1  }
0x13b: {  	v4 =	vadd.s32 v1, v4;
	_ =	sdelay $0x4  }
0x13c: {  	[tilespmem:s8], [sflag:$0x5] =	stream.indirect_vreg.gather [hbm4b:s1+s3], $0x80, v4, vm0, $0xb8;
	[tilespmem:$0x19000] =	vst v63  }
0x13d: {  	s22 =	simm.s32 $0x11800;
	v3 =	vperm.xlane v3, v2  }
0x13e: {  	[tilespmem:s22], [sflag:$0x5] =	stream.indirect_vreg.gather [hbm4b:s5+s3], $0x80, v4, vm0, $0xb8;
	[tilespmem:$0x19000] =	vst v63  }
0x13f: {  	s25 =	simm.s32 $0x12000;
	v3 =	vadd.s32 v1, v3  }
0x140: {  	[tilespmem:s25], [sflag:$0x5] =	stream.indirect_vreg.gather [hbm4b:s6+s3], $0x80, v4, vm0, $0xb8;
	[tilespmem:$0x19000] =	vst v63  }
0x141: {  	s29 =	simm.s32 $0x12800  }
0x142: {  	[tilespmem:s29], [sflag:$0x5] =	stream.indirect_vreg.gather [hbm4b:s7+s3], $0x80, v4, vm0, $0xb8;
	[tilespmem:$0x19000] =	vst v63  }
0x143: {  	s24 =	simm.s32 $0x13000  }
0x144: {  	[tilespmem:s24], [sflag:$0x5] =	stream.indirect_vreg.gather [hbm4b:s1+s3], $0x80, v3, vm0, $0xb8;
	[tilespmem:$0x19000] =	vst v63  }
0x145: {  	s29 =	simm.s32 $0x13800  }
0x146: {  	[tilespmem:s29], [sflag:$0x5] =	stream.indirect_vreg.gather [hbm4b:s5+s3], $0x80, v3, vm0, $0xb8;
	[tilespmem:$0x19000] =	vst v63  }
0x147: {  	s19 =	simm.s32 $0x14000  }
0x148: {  	[tilespmem:s19], [sflag:$0x5] =	stream.indirect_vreg.gather [hbm4b:s6+s3], $0x80, v3, vm0, $0xb8;
	[tilespmem:$0x19000] =	vst v63  }
0x149: {  	s22 =	simm.s32 $0x14800  }
0x14a: {  	[tilespmem:s22], [sflag:$0x5] =	stream.indirect_vreg.gather [hbm4b:s7+s3], $0x80, v3, vm0, $0xb8;
	[tilespmem:$0x19000] =	vst v63  }
0x14b: {  	_ =	swait.ge [sflag:s2], $0x4000  }
0x14c: {  	[sflag:s2] =	ssyncset.done $0x0  }
0x14d: {  	s18 =	simm.s32 $0x5000;
	s8 =	rddreg [dreg:$0xb];
	[sflag:s2] =	ssyncadd.s32 $0xFFFFC000  }
0x14e: {  	[hbm4b:s8+s3] =	stream.linear.scatter [tilespmem:s18], [sflag:$0x8], $0x4000, $0x38;
	[tilespmem:$0x19000] =	vst v63  }
0x14f: {  	_ =	swait.ge [sflag:s17], $0x4000  }
0x150: {  	[sflag:s17] =	ssyncset.done $0x0  }
0x151: {  	[sflag:s17] =	ssyncadd.s32 $0xFFFFC000  }
0x152: {  	v3 =	vld [tilespmem:$0x580];
	_ =	sdelay $0x4  }
0x153: {  	v43 =	vshll.u32 v3, $0x3  }
0x154: {  	v3 =	vand.u32 $0x7, v3;
	v4 =	vand.u32 $0xFFFFFFC0, v43  }
0x155: {  	v3 =	vor.u32 v3, v4  }
0x156: {  	v4 =	vperm.xlane v3, v0;
	_ =	sdelay $0x1  }
0x157: {  	v4 =	vadd.s32 v1, v4;
	_ =	sdelay $0x3  }
0x158: {  	s0 =	simm.s32 $0x15000  }
0x159: {  	[tilespmem:s0], [sflag:$0x6] =	stream.indirect_vreg.gather [hbm4b:s1+s3], $0x80, v4, vm0, $0xb8;
	[tilespmem:$0x19000] =	vst v63  }
0x15a: {  	s19 =	simm.s32 $0x15800;
	v3 =	vperm.xlane v3, v2  }
0x15b: {  	[tilespmem:s19], [sflag:$0x6] =	stream.indirect_vreg.gather [hbm4b:s5+s3], $0x80, v4, vm0, $0xb8;
	[tilespmem:$0x19000] =	vst v63  }
0x15c: {  	s8 =	simm.s32 $0x16000;
	v3 =	vadd.s32 v1, v3  }
0x15d: {  	[tilespmem:s8], [sflag:$0x6] =	stream.indirect_vreg.gather [hbm4b:s6+s3], $0x80, v4, vm0, $0xb8;
	[tilespmem:$0x19000] =	vst v63  }
0x15e: {  	s19 =	simm.s32 $0x16800  }
0x15f: {  	[tilespmem:s19], [sflag:$0x6] =	stream.indirect_vreg.gather [hbm4b:s7+s3], $0x80, v4, vm0, $0xb8;
	[tilespmem:$0x19000] =	vst v63  }
0x160: {  	s8 =	simm.s32 $0x17000  }
0x161: {  	[tilespmem:s8], [sflag:$0x6] =	stream.indirect_vreg.gather [hbm4b:s1+s3], $0x80, v3, vm0, $0xb8;
	[tilespmem:$0x19000] =	vst v63  }
0x162: {  	s19 =	simm.s32 $0x17800  }
0x163: {  	[tilespmem:s19], [sflag:$0x6] =	stream.indirect_vreg.gather [hbm4b:s5+s3], $0x80, v3, vm0, $0xb8;
	[tilespmem:$0x19000] =	vst v63  }
0x164: {  	s8 =	simm.s32 $0x18000  }
0x165: {  	[tilespmem:s8], [sflag:$0x6] =	stream.indirect_vreg.gather [hbm4b:s6+s3], $0x80, v3, vm0, $0xb8;
	[tilespmem:$0x19000] =	vst v63  }
0x166: {  	s19 =	simm.s32 $0x18800  }
0x167: {  	[tilespmem:s19], [sflag:$0x6] =	stream.indirect_vreg.gather [hbm4b:s7+s3], $0x80, v3, vm0, $0xb8;
	[tilespmem:$0x19000] =	vst v63  }
0x168: {  	_ =	swait.ge [sflag:s23], $0x4000  }
0x169: {  	[sflag:s23] =	ssyncset.done $0x0  }
0x16a: {  	s21 =	simm.s32 $0x9000;
	s8 =	rddreg [dreg:$0xc];
	[sflag:s23] =	ssyncadd.s32 $0xFFFFC000  }
0x16b: {  	[hbm4b:s8+s3] =	stream.linear.scatter [tilespmem:s21], [sflag:$0x9], $0x4000, $0x38;
	[tilespmem:$0x19000] =	vst v63  }
0x16c: {  	_ =	swait.ge [sflag:s31], $0x4000  }
0x16d: {  	[sflag:s31] =	ssyncset.done $0x0  }
0x16e: {  	[sflag:s31] =	ssyncadd.s32 $0xFFFFC000  }
0x16f: {  	v3 =	vld [tilespmem:$0x600];
	_ =	sdelay $0x4  }
0x170: {  	v44 =	vshll.u32 v3, $0x3  }
0x171: {  	v3 =	vand.u32 $0x7, v3;
	v4 =	vand.u32 $0xFFFFFFC0, v44  }
0x172: {  	v3 =	vor.u32 v3, v4  }
0x173: {  	v4 =	vperm.xlane v3, v0;
	_ =	sdelay $0x1  }
0x174: {  	v4 =	vadd.s32 v1, v4;
	_ =	sdelay $0x3  }
0x175: {  	s30 =	simm.s32 $0x1000  }
0x176: {  	[tilespmem:s30], [sflag:$0x1] =	stream.indirect_vreg.gather [hbm4b:s1+s3], $0x80, v4, vm0, $0xb8;
	[tilespmem:$0x19000] =	vst v63  }
0x177: {  	v3 =	vperm.xlane v3, v2;
	s30 =	simm.s32 $0x1800  }
0x178: {  	[tilespmem:s30], [sflag:$0x1] =	stream.indirect_vreg.gather [hbm4b:s5+s3], $0x80, v4, vm0, $0xb8;
	[tilespmem:$0x19000] =	vst v63  }
0x179: {  	s19 =	simm.s32 $0x2000;
	v3 =	vadd.s32 v1, v3  }
0x17a: {  	[tilespmem:s19], [sflag:$0x1] =	stream.indirect_vreg.gather [hbm4b:s6+s3], $0x80, v4, vm0, $0xb8;
	[tilespmem:$0x19000] =	vst v63  }
0x17b: {  	s30 =	simm.s32 $0x2800  }
0x17c: {  	[tilespmem:s30], [sflag:$0x1] =	stream.indirect_vreg.gather [hbm4b:s7+s3], $0x80, v4, vm0, $0xb8;
	[tilespmem:$0x19000] =	vst v63  }
0x17d: {  	s19 =	simm.s32 $0x3000  }
0x17e: {  	[tilespmem:s19], [sflag:$0x1] =	stream.indirect_vreg.gather [hbm4b:s1+s3], $0x80, v3, vm0, $0xb8;
	[tilespmem:$0x19000] =	vst v63  }
0x17f: {  	_ = 	snop  }
0x180: {  	[tilespmem:s20], [sflag:$0x1] =	stream.indirect_vreg.gather [hbm4b:s5+s3], $0x80, v3, vm0, $0xb8;
	[tilespmem:$0x19000] =	vst v63  }
0x181: {  	_ = 	snop  }
0x182: {  	[tilespmem:s26], [sflag:$0x1] =	stream.indirect_vreg.gather [hbm4b:s6+s3], $0x80, v3, vm0, $0xb8;
	[tilespmem:$0x19000] =	vst v63  }
0x183: {  	s20 =	simm.s32 $0x4800  }
0x184: {  	[tilespmem:s20], [sflag:$0x1] =	stream.indirect_vreg.gather [hbm4b:s7+s3], $0x80, v3, vm0, $0xb8;
	[tilespmem:$0x19000] =	vst v63  }
0x185: {  	_ =	swait.ge [sflag:s9], $0x4000  }
0x186: {  	[sflag:s9] =	ssyncset.done $0x0  }
0x187: {  	s10 =	simm.s32 $0xD000;
	s26 =	rddreg [dreg:$0xd];
	[sflag:s9] =	ssyncadd.s32 $0xFFFFC000  }
0x188: {  	[hbm4b:s26+s3] =	stream.linear.scatter [tilespmem:s10], [sflag:$0xA], $0x4000, $0x38;
	[tilespmem:$0x19000] =	vst v63  }
0x189: {  	_ =	swait.ge [sflag:s11], $0x4000  }
0x18a: {  	[sflag:s11] =	ssyncset.done $0x0  }
0x18b: {  	[sflag:s11] =	ssyncadd.s32 $0xFFFFC000  }
0x18c: {  	v3 =	vld [tilespmem:$0x680];
	_ =	sdelay $0x4  }
0x18d: {  	v45 =	vshll.u32 v3, $0x3  }
0x18e: {  	v3 =	vand.u32 $0x7, v3;
	v4 =	vand.u32 $0xFFFFFFC0, v45  }
0x18f: {  	v3 =	vor.u32 v3, v4  }
0x190: {  	v4 =	vperm.xlane v3, v0;
	_ =	sdelay $0x1  }
0x191: {  	v4 =	vadd.s32 v1, v4;
	_ =	sdelay $0x3  }
0x192: {  	s18 =	simm.s32 $0x5000  }
0x193: {  	[tilespmem:s18], [sflag:$0x2] =	stream.indirect_vreg.gather [hbm4b:s1+s3], $0x80, v4, vm0, $0xb8;
	[tilespmem:$0x19000] =	vst v63  }
0x194: {  	s30 =	simm.s32 $0x5800;
	v3 =	vperm.xlane v3, v2  }
0x195: {  	[tilespmem:s30], [sflag:$0x2] =	stream.indirect_vreg.gather [hbm4b:s5+s3], $0x80, v4, vm0, $0xb8;
	[tilespmem:$0x19000] =	vst v63  }
0x196: {  	v3 =	vadd.s32 v1, v3;
	s18 =	simm.s32 $0x6000  }
0x197: {  	[tilespmem:s18], [sflag:$0x2] =	stream.indirect_vreg.gather [hbm4b:s6+s3], $0x80, v4, vm0, $0xb8;
	[tilespmem:$0x19000] =	vst v63  }
0x198: {  	s19 =	simm.s32 $0x6800  }
0x199: {  	[tilespmem:s19], [sflag:$0x2] =	stream.indirect_vreg.gather [hbm4b:s7+s3], $0x80, v4, vm0, $0xb8;
	[tilespmem:$0x19000] =	vst v63  }
0x19a: {  	s26 =	simm.s32 $0x7000  }
0x19b: {  	[tilespmem:s26], [sflag:$0x2] =	stream.indirect_vreg.gather [hbm4b:s1+s3], $0x80, v3, vm0, $0xb8;
	[tilespmem:$0x19000] =	vst v63  }
0x19c: {  	s30 =	simm.s32 $0x7800  }
0x19d: {  	[tilespmem:s30], [sflag:$0x2] =	stream.indirect_vreg.gather [hbm4b:s5+s3], $0x80, v3, vm0, $0xb8;
	[tilespmem:$0x19000] =	vst v63  }
0x19e: {  	s18 =	simm.s32 $0x8000  }
0x19f: {  	[tilespmem:s18], [sflag:$0x2] =	stream.indirect_vreg.gather [hbm4b:s6+s3], $0x80, v3, vm0, $0xb8;
	[tilespmem:$0x19000] =	vst v63  }
0x1a0: {  	s19 =	simm.s32 $0x8800  }
0x1a1: {  	[tilespmem:s19], [sflag:$0x2] =	stream.indirect_vreg.gather [hbm4b:s7+s3], $0x80, v3, vm0, $0xb8;
	[tilespmem:$0x19000] =	vst v63  }
0x1a2: {  	_ =	swait.ge [sflag:s12], $0x4000  }
0x1a3: {  	[sflag:s12] =	ssyncset.done $0x0  }
0x1a4: {  	s4 =	simm.s32 $0x11000;
	s26 =	rddreg [dreg:$0xe];
	[sflag:s12] =	ssyncadd.s32 $0xFFFFC000  }
0x1a5: {  	[hbm4b:s26+s3] =	stream.linear.scatter [tilespmem:s4], [sflag:$0xB], $0x4000, $0x38;
	[tilespmem:$0x19000] =	vst v63  }
0x1a6: {  	_ =	swait.ge [sflag:s13], $0x4000  }
0x1a7: {  	[sflag:s13] =	ssyncset.done $0x0  }
0x1a8: {  	[sflag:s13] =	ssyncadd.s32 $0xFFFFC000  }
0x1a9: {  	v3 =	vld [tilespmem:$0x700];
	_ =	sdelay $0x4  }
0x1aa: {  	v46 =	vshll.u32 v3, $0x3  }
0x1ab: {  	v3 =	vand.u32 $0x7, v3;
	v4 =	vand.u32 $0xFFFFFFC0, v46  }
0x1ac: {  	v3 =	vor.u32 v3, v4  }
0x1ad: {  	v4 =	vperm.xlane v3, v0;
	_ =	sdelay $0x1  }
0x1ae: {  	v4 =	vadd.s32 v1, v4;
	_ =	sdelay $0x3  }
0x1af: {  	s21 =	simm.s32 $0x9000  }
0x1b0: {  	[tilespmem:s21], [sflag:$0x3] =	stream.indirect_vreg.gather [hbm4b:s1+s3], $0x80, v4, vm0, $0xb8;
	[tilespmem:$0x19000] =	vst v63  }
0x1b1: {  	s26 =	simm.s32 $0x9800;
	v3 =	vperm.xlane v3, v2  }
0x1b2: {  	[tilespmem:s26], [sflag:$0x3] =	stream.indirect_vreg.gather [hbm4b:s5+s3], $0x80, v4, vm0, $0xb8;
	[tilespmem:$0x19000] =	vst v63  }
0x1b3: {  	s30 =	simm.s32 $0xA000;
	v3 =	vadd.s32 v1, v3  }
0x1b4: {  	[tilespmem:s30], [sflag:$0x3] =	stream.indirect_vreg.gather [hbm4b:s6+s3], $0x80, v4, vm0, $0xb8;
	[tilespmem:$0x19000] =	vst v63  }
0x1b5: {  	s30 =	simm.s32 $0xA800  }
0x1b6: {  	[tilespmem:s30], [sflag:$0x3] =	stream.indirect_vreg.gather [hbm4b:s7+s3], $0x80, v4, vm0, $0xb8;
	[tilespmem:$0x19000] =	vst v63  }
0x1b7: {  	s21 =	simm.s32 $0xB000  }
0x1b8: {  	[tilespmem:s21], [sflag:$0x3] =	stream.indirect_vreg.gather [hbm4b:s1+s3], $0x80, v3, vm0, $0xb8;
	[tilespmem:$0x19000] =	vst v63  }
0x1b9: {  	s19 =	simm.s32 $0xB800  }
0x1ba: {  	[tilespmem:s19], [sflag:$0x3] =	stream.indirect_vreg.gather [hbm4b:s5+s3], $0x80, v3, vm0, $0xb8;
	[tilespmem:$0x19000] =	vst v63  }
0x1bb: {  	s19 =	simm.s32 $0xC000  }
0x1bc: {  	[tilespmem:s19], [sflag:$0x3] =	stream.indirect_vreg.gather [hbm4b:s6+s3], $0x80, v3, vm0, $0xb8;
	[tilespmem:$0x19000] =	vst v63  }
0x1bd: {  	s19 =	simm.s32 $0xC800  }
0x1be: {  	[tilespmem:s19], [sflag:$0x3] =	stream.indirect_vreg.gather [hbm4b:s7+s3], $0x80, v3, vm0, $0xb8;
	[tilespmem:$0x19000] =	vst v63  }
0x1bf: {  	_ =	swait.ge [sflag:s14], $0x4000  }
0x1c0: {  	[sflag:s14] =	ssyncset.done $0x0  }
0x1c1: {  	s22 =	simm.s32 $0x15000;
	s4 =	rddreg [dreg:$0xf];
	[sflag:s14] =	ssyncadd.s32 $0xFFFFC000  }
0x1c2: {  	[hbm4b:s4+s3] =	stream.linear.scatter [tilespmem:s22], [sflag:$0xC], $0x4000, $0x38;
	[tilespmem:$0x19000] =	vst v63  }
0x1c3: {  	_ =	swait.ge [sflag:s15], $0x4000  }
0x1c4: {  	[sflag:s15] =	ssyncset.done $0x0  }
0x1c5: {  	[sflag:s15] =	ssyncadd.s32 $0xFFFFC000  }
0x1c6: {  	v3 =	vld [tilespmem:$0x780];
	_ =	sdelay $0x4  }
0x1c7: {  	v47 =	vshll.u32 v3, $0x3  }
0x1c8: {  	v3 =	vand.u32 $0x7, v3;
	v4 =	vand.u32 $0xFFFFFFC0, v47  }
0x1c9: {  	v3 =	vor.u32 v3, v4  }
0x1ca: {  	v4 =	vperm.xlane v3, v0;
	_ =	sdelay $0x1  }
0x1cb: {  	v4 =	vadd.s32 v1, v4;
	_ =	sdelay $0x3  }
0x1cc: {  	s20 =	simm.s32 $0xD000  }
0x1cd: {  	[tilespmem:s20], [sflag:$0x4] =	stream.indirect_vreg.gather [hbm4b:s1+s3], $0x80, v4, vm0, $0xb8;
	[tilespmem:$0x19000] =	vst v63  }
0x1ce: {  	v3 =	vperm.xlane v3, v2;
	s20 =	simm.s32 $0xD800  }
0x1cf: {  	[tilespmem:s20], [sflag:$0x4] =	stream.indirect_vreg.gather [hbm4b:s5+s3], $0x80, v4, vm0, $0xb8;
	[tilespmem:$0x19000] =	vst v63  }
0x1d0: {  	v3 =	vadd.s32 v1, v3;
	s20 =	simm.s32 $0xE000  }
0x1d1: {  	[tilespmem:s20], [sflag:$0x4] =	stream.indirect_vreg.gather [hbm4b:s6+s3], $0x80, v4, vm0, $0xb8;
	[tilespmem:$0x19000] =	vst v63  }
0x1d2: {  	s20 =	simm.s32 $0xE800  }
0x1d3: {  	[tilespmem:s20], [sflag:$0x4] =	stream.indirect_vreg.gather [hbm4b:s7+s3], $0x80, v4, vm0, $0xb8;
	[tilespmem:$0x19000] =	vst v63  }
0x1d4: {  	s20 =	simm.s32 $0xF000  }
0x1d5: {  	[tilespmem:s20], [sflag:$0x4] =	stream.indirect_vreg.gather [hbm4b:s1+s3], $0x80, v3, vm0, $0xb8;
	[tilespmem:$0x19000] =	vst v63  }
0x1d6: {  	s20 =	simm.s32 $0xF800  }
0x1d7: {  	[tilespmem:s20], [sflag:$0x4] =	stream.indirect_vreg.gather [hbm4b:s5+s3], $0x80, v3, vm0, $0xb8;
	[tilespmem:$0x19000] =	vst v63  }
0x1d8: {  	s20 =	simm.s32 $0x10000  }
0x1d9: {  	[tilespmem:s20], [sflag:$0x4] =	stream.indirect_vreg.gather [hbm4b:s6+s3], $0x80, v3, vm0, $0xb8;
	[tilespmem:$0x19000] =	vst v63  }
0x1da: {  	s20 =	simm.s32 $0x10800  }
0x1db: {  	[tilespmem:s20], [sflag:$0x4] =	stream.indirect_vreg.gather [hbm4b:s7+s3], $0x80, v3, vm0, $0xb8;
	[tilespmem:$0x19000] =	vst v63  }
0x1dc: {  	_ =	swait.ge [sflag:s28], $0x4000  }
0x1dd: {  	[sflag:s28] =	ssyncset.done $0x0  }
0x1de: {  	s8 =	simm.s32 $0x1000;
	s20 =	rddreg [dreg:$0x10];
	[sflag:s28] =	ssyncadd.s32 $0xFFFFC000  }
0x1df: {  	[hbm4b:s20+s3] =	stream.linear.scatter [tilespmem:s8], [sflag:$0x7], $0x4000, $0x38;
	[tilespmem:$0x19000] =	vst v63  }
0x1e0: {  	_ =	swait.ge [sflag:s16], $0x4000  }
0x1e1: {  	[sflag:s16] =	ssyncset.done $0x0  }
0x1e2: {  	[sflag:s16] =	ssyncadd.s32 $0xFFFFC000  }
0x1e3: {  	v3 =	vld [tilespmem:$0x800];
	_ =	sdelay $0x4  }
0x1e4: {  	v48 =	vshll.u32 v3, $0x3  }
0x1e5: {  	v3 =	vand.u32 $0x7, v3;
	v4 =	vand.u32 $0xFFFFFFC0, v48  }
0x1e6: {  	v3 =	vor.u32 v3, v4  }
0x1e7: {  	v4 =	vperm.xlane v3, v0;
	_ =	sdelay $0x1  }
0x1e8: {  	v4 =	vadd.s32 v1, v4;
	_ =	sdelay $0x3  }
0x1e9: {  	s0 =	simm.s32 $0x11000  }
0x1ea: {  	[tilespmem:s0], [sflag:$0x5] =	stream.indirect_vreg.gather [hbm4b:s1+s3], $0x80, v4, vm0, $0xb8;
	[tilespmem:$0x19000] =	vst v63  }
0x1eb: {  	s20 =	simm.s32 $0x11800;
	v3 =	vperm.xlane v3, v2  }
0x1ec: {  	[tilespmem:s20], [sflag:$0x5] =	stream.indirect_vreg.gather [hbm4b:s5+s3], $0x80, v4, vm0, $0xb8;
	[tilespmem:$0x19000] =	vst v63  }
0x1ed: {  	v3 =	vadd.s32 v1, v3  }
0x1ee: {  	[tilespmem:s25], [sflag:$0x5] =	stream.indirect_vreg.gather [hbm4b:s6+s3], $0x80, v4, vm0, $0xb8;
	[tilespmem:$0x19000] =	vst v63  }
0x1ef: {  	s20 =	simm.s32 $0x12800  }
0x1f0: {  	[tilespmem:s20], [sflag:$0x5] =	stream.indirect_vreg.gather [hbm4b:s7+s3], $0x80, v4, vm0, $0xb8;
	[tilespmem:$0x19000] =	vst v63  }
0x1f1: {  	_ = 	snop  }
0x1f2: {  	[tilespmem:s24], [sflag:$0x5] =	stream.indirect_vreg.gather [hbm4b:s1+s3], $0x80, v3, vm0, $0xb8;
	[tilespmem:$0x19000] =	vst v63  }
0x1f3: {  	_ = 	snop  }
0x1f4: {  	[tilespmem:s29], [sflag:$0x5] =	stream.indirect_vreg.gather [hbm4b:s5+s3], $0x80, v3, vm0, $0xb8;
	[tilespmem:$0x19000] =	vst v63  }
0x1f5: {  	s25 =	simm.s32 $0x14000  }
0x1f6: {  	[tilespmem:s25], [sflag:$0x5] =	stream.indirect_vreg.gather [hbm4b:s6+s3], $0x80, v3, vm0, $0xb8;
	[tilespmem:$0x19000] =	vst v63  }
0x1f7: {  	s29 =	simm.s32 $0x14800  }
0x1f8: {  	[tilespmem:s29], [sflag:$0x5] =	stream.indirect_vreg.gather [hbm4b:s7+s3], $0x80, v3, vm0, $0xb8;
	[tilespmem:$0x19000] =	vst v63  }
0x1f9: {  	_ =	swait.ge [sflag:s2], $0x4000  }
0x1fa: {  	[sflag:s2] =	ssyncset.done $0x0  }
0x1fb: {  	s10 =	simm.s32 $0x5000;
	s20 =	rddreg [dreg:$0x11];
	[sflag:s2] =	ssyncadd.s32 $0xFFFFC000  }
0x1fc: {  	[hbm4b:s20+s3] =	stream.linear.scatter [tilespmem:s10], [sflag:$0x8], $0x4000, $0x38;
	[tilespmem:$0x19000] =	vst v63  }
0x1fd: {  	_ =	swait.ge [sflag:s17], $0x4000  }
0x1fe: {  	[sflag:s17] =	ssyncset.done $0x0  }
0x1ff: {  	[sflag:s17] =	ssyncadd.s32 $0xFFFFC000  }
0x200: {  	v3 =	vld [tilespmem:$0x880];
	_ =	sdelay $0x4  }
0x201: {  	v49 =	vshll.u32 v3, $0x3  }
0x202: {  	v3 =	vand.u32 $0x7, v3;
	v4 =	vand.u32 $0xFFFFFFC0, v49  }
0x203: {  	v3 =	vor.u32 v3, v4  }
0x204: {  	v4 =	vperm.xlane v3, v0;
	_ =	sdelay $0x1  }
0x205: {  	v4 =	vadd.s32 v1, v4;
	_ =	sdelay $0x3  }
0x206: {  	s22 =	simm.s32 $0x15000  }
0x207: {  	[tilespmem:s22], [sflag:$0x6] =	stream.indirect_vreg.gather [hbm4b:s1+s3], $0x80, v4, vm0, $0xb8;
	[tilespmem:$0x19000] =	vst v63  }
0x208: {  	v3 =	vperm.xlane v3, v2;
	s22 =	simm.s32 $0x15800  }
0x209: {  	[tilespmem:s22], [sflag:$0x6] =	stream.indirect_vreg.gather [hbm4b:s5+s3], $0x80, v4, vm0, $0xb8;
	[tilespmem:$0x19000] =	vst v63  }
0x20a: {  	s25 =	simm.s32 $0x16000;
	v3 =	vadd.s32 v1, v3  }
0x20b: {  	[tilespmem:s25], [sflag:$0x6] =	stream.indirect_vreg.gather [hbm4b:s6+s3], $0x80, v4, vm0, $0xb8;
	[tilespmem:$0x19000] =	vst v63  }
0x20c: {  	s29 =	simm.s32 $0x16800  }
0x20d: {  	[tilespmem:s29], [sflag:$0x6] =	stream.indirect_vreg.gather [hbm4b:s7+s3], $0x80, v4, vm0, $0xb8;
	[tilespmem:$0x19000] =	vst v63  }
0x20e: {  	s19 =	simm.s32 $0x17000  }
0x20f: {  	[tilespmem:s19], [sflag:$0x6] =	stream.indirect_vreg.gather [hbm4b:s1+s3], $0x80, v3, vm0, $0xb8;
	[tilespmem:$0x19000] =	vst v63  }
0x210: {  	s22 =	simm.s32 $0x17800  }
0x211: {  	[tilespmem:s22], [sflag:$0x6] =	stream.indirect_vreg.gather [hbm4b:s5+s3], $0x80, v3, vm0, $0xb8;
	[tilespmem:$0x19000] =	vst v63  }
0x212: {  	s25 =	simm.s32 $0x18000  }
0x213: {  	[tilespmem:s25], [sflag:$0x6] =	stream.indirect_vreg.gather [hbm4b:s6+s3], $0x80, v3, vm0, $0xb8;
	[tilespmem:$0x19000] =	vst v63  }
0x214: {  	s29 =	simm.s32 $0x18800  }
0x215: {  	[tilespmem:s29], [sflag:$0x6] =	stream.indirect_vreg.gather [hbm4b:s7+s3], $0x80, v3, vm0, $0xb8;
	[tilespmem:$0x19000] =	vst v63  }
0x216: {  	_ =	swait.ge [sflag:s23], $0x4000  }
0x217: {  	[sflag:s23] =	ssyncset.done $0x0  }
0x218: {  	s18 =	simm.s32 $0x9000;
	s10 =	rddreg [dreg:$0x12];
	[sflag:s23] =	ssyncadd.s32 $0xFFFFC000  }
0x219: {  	[hbm4b:s10+s3] =	stream.linear.scatter [tilespmem:s18], [sflag:$0x9], $0x4000, $0x38;
	[tilespmem:$0x19000] =	vst v63  }
0x21a: {  	_ =	swait.ge [sflag:s31], $0x4000  }
0x21b: {  	[sflag:s31] =	ssyncset.done $0x0  }
0x21c: {  	[sflag:s31] =	ssyncadd.s32 $0xFFFFC000  }
0x21d: {  	v3 =	vld [tilespmem:$0x900];
	_ =	sdelay $0x4  }
0x21e: {  	v50 =	vshll.u32 v3, $0x3  }
0x21f: {  	v3 =	vand.u32 $0x7, v3;
	v4 =	vand.u32 $0xFFFFFFC0, v50  }
0x220: {  	v3 =	vor.u32 v3, v4  }
0x221: {  	v4 =	vperm.xlane v3, v0;
	_ =	sdelay $0x1  }
0x222: {  	v4 =	vadd.s32 v1, v4;
	_ =	sdelay $0x3  }
0x223: {  	s8 =	simm.s32 $0x1000  }
0x224: {  	[tilespmem:s8], [sflag:$0x1] =	stream.indirect_vreg.gather [hbm4b:s1+s3], $0x80, v4, vm0, $0xb8;
	[tilespmem:$0x19000] =	vst v63  }
0x225: {  	s19 =	simm.s32 $0x1800;
	v3 =	vperm.xlane v3, v2  }
0x226: {  	[tilespmem:s19], [sflag:$0x1] =	stream.indirect_vreg.gather [hbm4b:s5+s3], $0x80, v4, vm0, $0xb8;
	[tilespmem:$0x19000] =	vst v63  }
0x227: {  	s25 =	simm.s32 $0x2000;
	v3 =	vadd.s32 v1, v3  }
0x228: {  	[tilespmem:s25], [sflag:$0x1] =	stream.indirect_vreg.gather [hbm4b:s6+s3], $0x80, v4, vm0, $0xb8;
	[tilespmem:$0x19000] =	vst v63  }
0x229: {  	s29 =	simm.s32 $0x2800  }
0x22a: {  	[tilespmem:s29], [sflag:$0x1] =	stream.indirect_vreg.gather [hbm4b:s7+s3], $0x80, v4, vm0, $0xb8;
	[tilespmem:$0x19000] =	vst v63  }
0x22b: {  	s18 =	simm.s32 $0x3000  }
0x22c: {  	[tilespmem:s18], [sflag:$0x1] =	stream.indirect_vreg.gather [hbm4b:s1+s3], $0x80, v3, vm0, $0xb8;
	[tilespmem:$0x19000] =	vst v63  }
0x22d: {  	s19 =	simm.s32 $0x3800  }
0x22e: {  	[tilespmem:s19], [sflag:$0x1] =	stream.indirect_vreg.gather [hbm4b:s5+s3], $0x80, v3, vm0, $0xb8;
	[tilespmem:$0x19000] =	vst v63  }
0x22f: {  	s25 =	simm.s32 $0x4000  }
0x230: {  	[tilespmem:s25], [sflag:$0x1] =	stream.indirect_vreg.gather [hbm4b:s6+s3], $0x80, v3, vm0, $0xb8;
	[tilespmem:$0x19000] =	vst v63  }
0x231: {  	s29 =	simm.s32 $0x4800  }
0x232: {  	[tilespmem:s29], [sflag:$0x1] =	stream.indirect_vreg.gather [hbm4b:s7+s3], $0x80, v3, vm0, $0xb8;
	[tilespmem:$0x19000] =	vst v63  }
0x233: {  	_ =	swait.ge [sflag:s9], $0x4000  }
0x234: {  	[sflag:s9] =	ssyncset.done $0x0  }
0x235: {  	s4 =	simm.s32 $0xD000;
	s18 =	rddreg [dreg:$0x13];
	[sflag:s9] =	ssyncadd.s32 $0xFFFFC000  }
0x236: {  	[hbm4b:s18+s3] =	stream.linear.scatter [tilespmem:s4], [sflag:$0xA], $0x4000, $0x38;
	[tilespmem:$0x19000] =	vst v63  }
0x237: {  	_ =	swait.ge [sflag:s11], $0x4000  }
0x238: {  	[sflag:s11] =	ssyncset.done $0x0  }
0x239: {  	[sflag:s11] =	ssyncadd.s32 $0xFFFFC000  }
0x23a: {  	v3 =	vld [tilespmem:$0x980];
	_ =	sdelay $0x4  }
0x23b: {  	v51 =	vshll.u32 v3, $0x3  }
0x23c: {  	v3 =	vand.u32 $0x7, v3;
	v4 =	vand.u32 $0xFFFFFFC0, v51  }
0x23d: {  	v3 =	vor.u32 v3, v4  }
0x23e: {  	v4 =	vperm.xlane v3, v0;
	_ =	sdelay $0x1  }
0x23f: {  	v4 =	vadd.s32 v1, v4;
	_ =	sdelay $0x3  }
0x240: {  	s20 =	simm.s32 $0x5000  }
0x241: {  	[tilespmem:s20], [sflag:$0x2] =	stream.indirect_vreg.gather [hbm4b:s1+s3], $0x80, v4, vm0, $0xb8;
	[tilespmem:$0x19000] =	vst v63  }
0x242: {  	s19 =	simm.s32 $0x5800;
	v3 =	vperm.xlane v3, v2  }
0x243: {  	[tilespmem:s19], [sflag:$0x2] =	stream.indirect_vreg.gather [hbm4b:s5+s3], $0x80, v4, vm0, $0xb8;
	[tilespmem:$0x19000] =	vst v63  }
0x244: {  	s25 =	simm.s32 $0x6000;
	v3 =	vadd.s32 v1, v3  }
0x245: {  	[tilespmem:s25], [sflag:$0x2] =	stream.indirect_vreg.gather [hbm4b:s6+s3], $0x80, v4, vm0, $0xb8;
	[tilespmem:$0x19000] =	vst v63  }
0x246: {  	s29 =	simm.s32 $0x6800  }
0x247: {  	[tilespmem:s29], [sflag:$0x2] =	stream.indirect_vreg.gather [hbm4b:s7+s3], $0x80, v4, vm0, $0xb8;
	[tilespmem:$0x19000] =	vst v63  }
0x248: {  	s18 =	simm.s32 $0x7000  }
0x249: {  	[tilespmem:s18], [sflag:$0x2] =	stream.indirect_vreg.gather [hbm4b:s1+s3], $0x80, v3, vm0, $0xb8;
	[tilespmem:$0x19000] =	vst v63  }
0x24a: {  	s19 =	simm.s32 $0x7800  }
0x24b: {  	[tilespmem:s19], [sflag:$0x2] =	stream.indirect_vreg.gather [hbm4b:s5+s3], $0x80, v3, vm0, $0xb8;
	[tilespmem:$0x19000] =	vst v63  }
0x24c: {  	s25 =	simm.s32 $0x8000  }
0x24d: {  	[tilespmem:s25], [sflag:$0x2] =	stream.indirect_vreg.gather [hbm4b:s6+s3], $0x80, v3, vm0, $0xb8;
	[tilespmem:$0x19000] =	vst v63  }
0x24e: {  	s29 =	simm.s32 $0x8800  }
0x24f: {  	[tilespmem:s29], [sflag:$0x2] =	stream.indirect_vreg.gather [hbm4b:s7+s3], $0x80, v3, vm0, $0xb8;
	[tilespmem:$0x19000] =	vst v63  }
0x250: {  	_ =	swait.ge [sflag:s12], $0x4000  }
0x251: {  	[sflag:s12] =	ssyncset.done $0x0  }
0x252: {  	s0 =	simm.s32 $0x11000;
	s18 =	rddreg [dreg:$0x14];
	[sflag:s12] =	ssyncadd.s32 $0xFFFFC000  }
0x253: {  	[hbm4b:s18+s3] =	stream.linear.scatter [tilespmem:s0], [sflag:$0xB], $0x4000, $0x38;
	[tilespmem:$0x19000] =	vst v63  }
0x254: {  	_ =	swait.ge [sflag:s13], $0x4000  }
0x255: {  	[sflag:s13] =	ssyncset.done $0x0  }
0x256: {  	[sflag:s13] =	ssyncadd.s32 $0xFFFFC000  }
0x257: {  	v3 =	vld [tilespmem:$0xA00];
	_ =	sdelay $0x4  }
0x258: {  	v52 =	vshll.u32 v3, $0x3  }
0x259: {  	v3 =	vand.u32 $0x7, v3;
	v4 =	vand.u32 $0xFFFFFFC0, v52  }
0x25a: {  	v3 =	vor.u32 v3, v4  }
0x25b: {  	v4 =	vperm.xlane v3, v0;
	_ =	sdelay $0x1  }
0x25c: {  	v4 =	vadd.s32 v1, v4;
	_ =	sdelay $0x3  }
0x25d: {  	s22 =	simm.s32 $0x9000  }
0x25e: {  	[tilespmem:s22], [sflag:$0x3] =	stream.indirect_vreg.gather [hbm4b:s1+s3], $0x80, v4, vm0, $0xb8;
	[tilespmem:$0x19000] =	vst v63  }
0x25f: {  	v3 =	vperm.xlane v3, v2  }
0x260: {  	[tilespmem:s26], [sflag:$0x3] =	stream.indirect_vreg.gather [hbm4b:s5+s3], $0x80, v4, vm0, $0xb8;
	[tilespmem:$0x19000] =	vst v63  }
0x261: {  	s19 =	simm.s32 $0xA000;
	v3 =	vadd.s32 v1, v3  }
0x262: {  	[tilespmem:s19], [sflag:$0x3] =	stream.indirect_vreg.gather [hbm4b:s6+s3], $0x80, v4, vm0, $0xb8;
	[tilespmem:$0x19000] =	vst v63  }
0x263: {  	_ = 	snop  }
0x264: {  	[tilespmem:s30], [sflag:$0x3] =	stream.indirect_vreg.gather [hbm4b:s7+s3], $0x80, v4, vm0, $0xb8;
	[tilespmem:$0x19000] =	vst v63  }
0x265: {  	_ = 	snop  }
0x266: {  	[tilespmem:s21], [sflag:$0x3] =	stream.indirect_vreg.gather [hbm4b:s1+s3], $0x80, v3, vm0, $0xb8;
	[tilespmem:$0x19000] =	vst v63  }
0x267: {  	s21 =	simm.s32 $0xB800  }
0x268: {  	[tilespmem:s21], [sflag:$0x3] =	stream.indirect_vreg.gather [hbm4b:s5+s3], $0x80, v3, vm0, $0xb8;
	[tilespmem:$0x19000] =	vst v63  }
0x269: {  	s25 =	simm.s32 $0xC000  }
0x26a: {  	[tilespmem:s25], [sflag:$0x3] =	stream.indirect_vreg.gather [hbm4b:s6+s3], $0x80, v3, vm0, $0xb8;
	[tilespmem:$0x19000] =	vst v63  }
0x26b: {  	s19 =	simm.s32 $0xC800  }
0x26c: {  	[tilespmem:s19], [sflag:$0x3] =	stream.indirect_vreg.gather [hbm4b:s7+s3], $0x80, v3, vm0, $0xb8;
	[tilespmem:$0x19000] =	vst v63  }
0x26d: {  	_ =	swait.ge [sflag:s14], $0x4000  }
0x26e: {  	[sflag:s14] =	ssyncset.done $0x0  }
0x26f: {  	s24 =	simm.s32 $0x15000;
	s19 =	rddreg [dreg:$0x15];
	[sflag:s14] =	ssyncadd.s32 $0xFFFFC000  }
0x270: {  	[hbm4b:s19+s3] =	stream.linear.scatter [tilespmem:s24], [sflag:$0xC], $0x4000, $0x38;
	[tilespmem:$0x19000] =	vst v63  }
0x271: {  	_ =	swait.ge [sflag:s15], $0x4000  }
0x272: {  	[sflag:s15] =	ssyncset.done $0x0  }
0x273: {  	[sflag:s15] =	ssyncadd.s32 $0xFFFFC000  }
0x274: {  	v3 =	vld [tilespmem:$0xA80];
	_ =	sdelay $0x4  }
0x275: {  	v53 =	vshll.u32 v3, $0x3  }
0x276: {  	v3 =	vand.u32 $0x7, v3;
	v4 =	vand.u32 $0xFFFFFFC0, v53  }
0x277: {  	v3 =	vor.u32 v3, v4  }
0x278: {  	v4 =	vperm.xlane v3, v0;
	_ =	sdelay $0x1  }
0x279: {  	v4 =	vadd.s32 v1, v4;
	_ =	sdelay $0x3  }
0x27a: {  	s10 =	simm.s32 $0xD000  }
0x27b: {  	[tilespmem:s10], [sflag:$0x4] =	stream.indirect_vreg.gather [hbm4b:s1+s3], $0x80, v4, vm0, $0xb8;
	[tilespmem:$0x19000] =	vst v63  }
0x27c: {  	s19 =	simm.s32 $0xD800;
	v3 =	vperm.xlane v3, v2  }
0x27d: {  	[tilespmem:s19], [sflag:$0x4] =	stream.indirect_vreg.gather [hbm4b:s5+s3], $0x80, v4, vm0, $0xb8;
	[tilespmem:$0x19000] =	vst v63  }
0x27e: {  	v3 =	vadd.s32 v1, v3;
	s19 =	simm.s32 $0xE000  }
0x27f: {  	[tilespmem:s19], [sflag:$0x4] =	stream.indirect_vreg.gather [hbm4b:s6+s3], $0x80, v4, vm0, $0xb8;
	[tilespmem:$0x19000] =	vst v63  }
0x280: {  	s19 =	simm.s32 $0xE800  }
0x281: {  	[tilespmem:s19], [sflag:$0x4] =	stream.indirect_vreg.gather [hbm4b:s7+s3], $0x80, v4, vm0, $0xb8;
	[tilespmem:$0x19000] =	vst v63  }
0x282: {  	s19 =	simm.s32 $0xF000  }
0x283: {  	[tilespmem:s19], [sflag:$0x4] =	stream.indirect_vreg.gather [hbm4b:s1+s3], $0x80, v3, vm0, $0xb8;
	[tilespmem:$0x19000] =	vst v63  }
0x284: {  	s19 =	simm.s32 $0xF800  }
0x285: {  	[tilespmem:s19], [sflag:$0x4] =	stream.indirect_vreg.gather [hbm4b:s5+s3], $0x80, v3, vm0, $0xb8;
	[tilespmem:$0x19000] =	vst v63  }
0x286: {  	s19 =	simm.s32 $0x10000  }
0x287: {  	[tilespmem:s19], [sflag:$0x4] =	stream.indirect_vreg.gather [hbm4b:s6+s3], $0x80, v3, vm0, $0xb8;
	[tilespmem:$0x19000] =	vst v63  }
0x288: {  	s19 =	simm.s32 $0x10800  }
0x289: {  	[tilespmem:s19], [sflag:$0x4] =	stream.indirect_vreg.gather [hbm4b:s7+s3], $0x80, v3, vm0, $0xb8;
	[tilespmem:$0x19000] =	vst v63  }
0x28a: {  	_ =	swait.ge [sflag:s28], $0x4000  }
0x28b: {  	[sflag:s28] =	ssyncset.done $0x0  }
0x28c: {  	s19 =	rddreg [dreg:$0x16];
	[sflag:s28] =	ssyncadd.s32 $0xFFFFC000  }
0x28d: {  	[hbm4b:s19+s3] =	stream.linear.scatter [tilespmem:s8], [sflag:$0x7], $0x4000, $0x38;
	[tilespmem:$0x19000] =	vst v63  }
0x28e: {  	_ =	swait.ge [sflag:s16], $0x4000  }
0x28f: {  	[sflag:s16] =	ssyncset.done $0x0  }
0x290: {  	[sflag:s16] =	ssyncadd.s32 $0xFFFFC000  }
0x291: {  	v3 =	vld [tilespmem:$0xB00];
	_ =	sdelay $0x4  }
0x292: {  	v54 =	vshll.u32 v3, $0x3  }
0x293: {  	v3 =	vand.u32 $0x7, v3;
	v4 =	vand.u32 $0xFFFFFFC0, v54  }
0x294: {  	v3 =	vor.u32 v3, v4  }
0x295: {  	v4 =	vperm.xlane v3, v0;
	_ =	sdelay $0x1  }
0x296: {  	v4 =	vadd.s32 v1, v4;
	_ =	sdelay $0x3  }
0x297: {  	s4 =	simm.s32 $0x11000  }
0x298: {  	[tilespmem:s4], [sflag:$0x5] =	stream.indirect_vreg.gather [hbm4b:s1+s3], $0x80, v4, vm0, $0xb8;
	[tilespmem:$0x19000] =	vst v63  }
0x299: {  	s19 =	simm.s32 $0x11800;
	v3 =	vperm.xlane v3, v2  }
0x29a: {  	[tilespmem:s19], [sflag:$0x5] =	stream.indirect_vreg.gather [hbm4b:s5+s3], $0x80, v4, vm0, $0xb8;
	[tilespmem:$0x19000] =	vst v63  }
0x29b: {  	v3 =	vadd.s32 v1, v3;
	s19 =	simm.s32 $0x12000  }
0x29c: {  	[tilespmem:s19], [sflag:$0x5] =	stream.indirect_vreg.gather [hbm4b:s6+s3], $0x80, v4, vm0, $0xb8;
	[tilespmem:$0x19000] =	vst v63  }
0x29d: {  	s19 =	simm.s32 $0x12800  }
0x29e: {  	[tilespmem:s19], [sflag:$0x5] =	stream.indirect_vreg.gather [hbm4b:s7+s3], $0x80, v4, vm0, $0xb8;
	[tilespmem:$0x19000] =	vst v63  }
0x29f: {  	s19 =	simm.s32 $0x13000  }
0x2a0: {  	[tilespmem:s19], [sflag:$0x5] =	stream.indirect_vreg.gather [hbm4b:s1+s3], $0x80, v3, vm0, $0xb8;
	[tilespmem:$0x19000] =	vst v63  }
0x2a1: {  	s19 =	simm.s32 $0x13800  }
0x2a2: {  	[tilespmem:s19], [sflag:$0x5] =	stream.indirect_vreg.gather [hbm4b:s5+s3], $0x80, v3, vm0, $0xb8;
	[tilespmem:$0x19000] =	vst v63  }
0x2a3: {  	s19 =	simm.s32 $0x14000  }
0x2a4: {  	[tilespmem:s19], [sflag:$0x5] =	stream.indirect_vreg.gather [hbm4b:s6+s3], $0x80, v3, vm0, $0xb8;
	[tilespmem:$0x19000] =	vst v63  }
0x2a5: {  	s19 =	simm.s32 $0x14800  }
0x2a6: {  	[tilespmem:s19], [sflag:$0x5] =	stream.indirect_vreg.gather [hbm4b:s7+s3], $0x80, v3, vm0, $0xb8;
	[tilespmem:$0x19000] =	vst v63  }
0x2a7: {  	_ =	swait.ge [sflag:s2], $0x4000  }
0x2a8: {  	[sflag:s2] =	ssyncset.done $0x0  }
0x2a9: {  	s19 =	rddreg [dreg:$0x17];
	[sflag:s2] =	ssyncadd.s32 $0xFFFFC000  }
0x2aa: {  	[hbm4b:s19+s3] =	stream.linear.scatter [tilespmem:s20], [sflag:$0x8], $0x4000, $0x38;
	[tilespmem:$0x19000] =	vst v63  }
0x2ab: {  	_ =	swait.ge [sflag:s17], $0x4000  }
0x2ac: {  	[sflag:s17] =	ssyncset.done $0x0  }
0x2ad: {  	[sflag:s17] =	ssyncadd.s32 $0xFFFFC000  }
0x2ae: {  	v3 =	vld [tilespmem:$0xB80];
	_ =	sdelay $0x4  }
0x2af: {  	v55 =	vshll.u32 v3, $0x3  }
0x2b0: {  	v3 =	vand.u32 $0x7, v3;
	v4 =	vand.u32 $0xFFFFFFC0, v55  }
0x2b1: {  	v3 =	vor.u32 v3, v4  }
0x2b2: {  	v4 =	vperm.xlane v3, v0;
	_ =	sdelay $0x1  }
0x2b3: {  	v4 =	vadd.s32 v1, v4;
	_ =	sdelay $0x4  }
0x2b4: {  	[tilespmem:s24], [sflag:$0x6] =	stream.indirect_vreg.gather [hbm4b:s1+s3], $0x80, v4, vm0, $0xb8;
	[tilespmem:$0x19000] =	vst v63  }
0x2b5: {  	s19 =	simm.s32 $0x15800;
	v3 =	vperm.xlane v3, v2  }
0x2b6: {  	[tilespmem:s19], [sflag:$0x6] =	stream.indirect_vreg.gather [hbm4b:s5+s3], $0x80, v4, vm0, $0xb8;
	[tilespmem:$0x19000] =	vst v63  }
0x2b7: {  	v3 =	vadd.s32 v1, v3;
	s19 =	simm.s32 $0x16000  }
0x2b8: {  	[tilespmem:s19], [sflag:$0x6] =	stream.indirect_vreg.gather [hbm4b:s6+s3], $0x80, v4, vm0, $0xb8;
	[tilespmem:$0x19000] =	vst v63  }
0x2b9: {  	s19 =	simm.s32 $0x16800  }
0x2ba: {  	[tilespmem:s19], [sflag:$0x6] =	stream.indirect_vreg.gather [hbm4b:s7+s3], $0x80, v4, vm0, $0xb8;
	[tilespmem:$0x19000] =	vst v63  }
0x2bb: {  	s19 =	simm.s32 $0x17000  }
0x2bc: {  	[tilespmem:s19], [sflag:$0x6] =	stream.indirect_vreg.gather [hbm4b:s1+s3], $0x80, v3, vm0, $0xb8;
	[tilespmem:$0x19000] =	vst v63  }
0x2bd: {  	s19 =	simm.s32 $0x17800  }
0x2be: {  	[tilespmem:s19], [sflag:$0x6] =	stream.indirect_vreg.gather [hbm4b:s5+s3], $0x80, v3, vm0, $0xb8;
	[tilespmem:$0x19000] =	vst v63  }
0x2bf: {  	s19 =	simm.s32 $0x18000  }
0x2c0: {  	[tilespmem:s19], [sflag:$0x6] =	stream.indirect_vreg.gather [hbm4b:s6+s3], $0x80, v3, vm0, $0xb8;
	[tilespmem:$0x19000] =	vst v63  }
0x2c1: {  	s19 =	simm.s32 $0x18800  }
0x2c2: {  	[tilespmem:s19], [sflag:$0x6] =	stream.indirect_vreg.gather [hbm4b:s7+s3], $0x80, v3, vm0, $0xb8;
	[tilespmem:$0x19000] =	vst v63  }
0x2c3: {  	_ =	swait.ge [sflag:s23], $0x4000  }
0x2c4: {  	[sflag:s23] =	ssyncset.done $0x0  }
0x2c5: {  	s19 =	rddreg [dreg:$0x18];
	[sflag:s23] =	ssyncadd.s32 $0xFFFFC000  }
0x2c6: {  	[hbm4b:s19+s3] =	stream.linear.scatter [tilespmem:s22], [sflag:$0x9], $0x4000, $0x38;
	[tilespmem:$0x19000] =	vst v63  }
0x2c7: {  	_ =	swait.ge [sflag:s31], $0x4000  }
0x2c8: {  	[sflag:s31] =	ssyncset.done $0x0  }
0x2c9: {  	[sflag:s31] =	ssyncadd.s32 $0xFFFFC000  }
0x2ca: {  	v3 =	vld [tilespmem:$0xC00];
	_ =	sdelay $0x4  }
0x2cb: {  	v56 =	vshll.u32 v3, $0x3  }
0x2cc: {  	v3 =	vand.u32 $0x7, v3;
	v4 =	vand.u32 $0xFFFFFFC0, v56  }
0x2cd: {  	v3 =	vor.u32 v3, v4  }
0x2ce: {  	v4 =	vperm.xlane v3, v0;
	_ =	sdelay $0x1  }
0x2cf: {  	v4 =	vadd.s32 v1, v4;
	_ =	sdelay $0x4  }
0x2d0: {  	[tilespmem:s8], [sflag:$0x1] =	stream.indirect_vreg.gather [hbm4b:s1+s3], $0x80, v4, vm0, $0xb8;
	[tilespmem:$0x19000] =	vst v63  }
0x2d1: {  	s19 =	simm.s32 $0x1800;
	v3 =	vperm.xlane v3, v2  }
0x2d2: {  	[tilespmem:s19], [sflag:$0x1] =	stream.indirect_vreg.gather [hbm4b:s5+s3], $0x80, v4, vm0, $0xb8;
	[tilespmem:$0x19000] =	vst v63  }
0x2d3: {  	v3 =	vadd.s32 v1, v3;
	s19 =	simm.s32 $0x2000  }
0x2d4: {  	[tilespmem:s19], [sflag:$0x1] =	stream.indirect_vreg.gather [hbm4b:s6+s3], $0x80, v4, vm0, $0xb8;
	[tilespmem:$0x19000] =	vst v63  }
0x2d5: {  	s19 =	simm.s32 $0x2800  }
0x2d6: {  	[tilespmem:s19], [sflag:$0x1] =	stream.indirect_vreg.gather [hbm4b:s7+s3], $0x80, v4, vm0, $0xb8;
	[tilespmem:$0x19000] =	vst v63  }
0x2d7: {  	s19 =	simm.s32 $0x3000  }
0x2d8: {  	[tilespmem:s19], [sflag:$0x1] =	stream.indirect_vreg.gather [hbm4b:s1+s3], $0x80, v3, vm0, $0xb8;
	[tilespmem:$0x19000] =	vst v63  }
0x2d9: {  	s19 =	simm.s32 $0x3800  }
0x2da: {  	[tilespmem:s19], [sflag:$0x1] =	stream.indirect_vreg.gather [hbm4b:s5+s3], $0x80, v3, vm0, $0xb8;
	[tilespmem:$0x19000] =	vst v63  }
0x2db: {  	s19 =	simm.s32 $0x4000  }
0x2dc: {  	[tilespmem:s19], [sflag:$0x1] =	stream.indirect_vreg.gather [hbm4b:s6+s3], $0x80, v3, vm0, $0xb8;
	[tilespmem:$0x19000] =	vst v63  }
0x2dd: {  	s19 =	simm.s32 $0x4800  }
0x2de: {  	[tilespmem:s19], [sflag:$0x1] =	stream.indirect_vreg.gather [hbm4b:s7+s3], $0x80, v3, vm0, $0xb8;
	[tilespmem:$0x19000] =	vst v63  }
0x2df: {  	_ =	swait.ge [sflag:s9], $0x4000  }
0x2e0: {  	[sflag:s9] =	ssyncset.done $0x0  }
0x2e1: {  	s19 =	rddreg [dreg:$0x19];
	[sflag:s9] =	ssyncadd.s32 $0xFFFFC000  }
0x2e2: {  	[hbm4b:s19+s3] =	stream.linear.scatter [tilespmem:s10], [sflag:$0xA], $0x4000, $0x38;
	[tilespmem:$0x19000] =	vst v63  }
0x2e3: {  	_ =	swait.ge [sflag:s11], $0x4000  }
0x2e4: {  	[sflag:s11] =	ssyncset.done $0x0  }
0x2e5: {  	[sflag:s11] =	ssyncadd.s32 $0xFFFFC000  }
0x2e6: {  	v3 =	vld [tilespmem:$0xC80];
	_ =	sdelay $0x4  }
0x2e7: {  	v57 =	vshll.u32 v3, $0x3  }
0x2e8: {  	v3 =	vand.u32 $0x7, v3;
	v4 =	vand.u32 $0xFFFFFFC0, v57  }
0x2e9: {  	v3 =	vor.u32 v3, v4  }
0x2ea: {  	v4 =	vperm.xlane v3, v0;
	_ =	sdelay $0x1  }
0x2eb: {  	v4 =	vadd.s32 v1, v4;
	_ =	sdelay $0x4  }
0x2ec: {  	[tilespmem:s20], [sflag:$0x2] =	stream.indirect_vreg.gather [hbm4b:s1+s3], $0x80, v4, vm0, $0xb8;
	[tilespmem:$0x19000] =	vst v63  }
0x2ed: {  	s19 =	simm.s32 $0x5800;
	v3 =	vperm.xlane v3, v2  }
0x2ee: {  	[tilespmem:s19], [sflag:$0x2] =	stream.indirect_vreg.gather [hbm4b:s5+s3], $0x80, v4, vm0, $0xb8;
	[tilespmem:$0x19000] =	vst v63  }
0x2ef: {  	v3 =	vadd.s32 v1, v3;
	s19 =	simm.s32 $0x6000  }
0x2f0: {  	[tilespmem:s19], [sflag:$0x2] =	stream.indirect_vreg.gather [hbm4b:s6+s3], $0x80, v4, vm0, $0xb8;
	[tilespmem:$0x19000] =	vst v63  }
0x2f1: {  	s19 =	simm.s32 $0x6800  }
0x2f2: {  	[tilespmem:s19], [sflag:$0x2] =	stream.indirect_vreg.gather [hbm4b:s7+s3], $0x80, v4, vm0, $0xb8;
	[tilespmem:$0x19000] =	vst v63  }
0x2f3: {  	s19 =	simm.s32 $0x7000  }
0x2f4: {  	[tilespmem:s19], [sflag:$0x2] =	stream.indirect_vreg.gather [hbm4b:s1+s3], $0x80, v3, vm0, $0xb8;
	[tilespmem:$0x19000] =	vst v63  }
0x2f5: {  	s19 =	simm.s32 $0x7800  }
0x2f6: {  	[tilespmem:s19], [sflag:$0x2] =	stream.indirect_vreg.gather [hbm4b:s5+s3], $0x80, v3, vm0, $0xb8;
	[tilespmem:$0x19000] =	vst v63  }
0x2f7: {  	s19 =	simm.s32 $0x8000  }
0x2f8: {  	[tilespmem:s19], [sflag:$0x2] =	stream.indirect_vreg.gather [hbm4b:s6+s3], $0x80, v3, vm0, $0xb8;
	[tilespmem:$0x19000] =	vst v63  }
0x2f9: {  	s19 =	simm.s32 $0x8800  }
0x2fa: {  	[tilespmem:s19], [sflag:$0x2] =	stream.indirect_vreg.gather [hbm4b:s7+s3], $0x80, v3, vm0, $0xb8;
	[tilespmem:$0x19000] =	vst v63  }
0x2fb: {  	_ =	swait.ge [sflag:s12], $0x4000  }
0x2fc: {  	[sflag:s12] =	ssyncset.done $0x0  }
0x2fd: {  	s19 =	rddreg [dreg:$0x1a];
	[sflag:s12] =	ssyncadd.s32 $0xFFFFC000  }
0x2fe: {  	[hbm4b:s19+s3] =	stream.linear.scatter [tilespmem:s4], [sflag:$0xB], $0x4000, $0x38;
	[tilespmem:$0x19000] =	vst v63  }
0x2ff: {  	_ =	swait.ge [sflag:s13], $0x4000  }
0x300: {  	[sflag:s13] =	ssyncset.done $0x0  }
0x301: {  	[sflag:s13] =	ssyncadd.s32 $0xFFFFC000  }
0x302: {  	v3 =	vld [tilespmem:$0xD00];
	_ =	sdelay $0x4  }
0x303: {  	v58 =	vshll.u32 v3, $0x3  }
0x304: {  	v3 =	vand.u32 $0x7, v3;
	v4 =	vand.u32 $0xFFFFFFC0, v58  }
0x305: {  	v3 =	vor.u32 v3, v4  }
0x306: {  	v4 =	vperm.xlane v3, v0;
	_ =	sdelay $0x1  }
0x307: {  	v4 =	vadd.s32 v1, v4;
	_ =	sdelay $0x4  }
0x308: {  	[tilespmem:s22], [sflag:$0x3] =	stream.indirect_vreg.gather [hbm4b:s1+s3], $0x80, v4, vm0, $0xb8;
	[tilespmem:$0x19000] =	vst v63  }
0x309: {  	s26 =	simm.s32 $0x9800;
	v3 =	vperm.xlane v3, v2  }
0x30a: {  	[tilespmem:s26], [sflag:$0x3] =	stream.indirect_vreg.gather [hbm4b:s5+s3], $0x80, v4, vm0, $0xb8;
	[tilespmem:$0x19000] =	vst v63  }
0x30b: {  	s29 =	simm.s32 $0xA000;
	v3 =	vadd.s32 v1, v3  }
0x30c: {  	[tilespmem:s29], [sflag:$0x3] =	stream.indirect_vreg.gather [hbm4b:s6+s3], $0x80, v4, vm0, $0xb8;
	[tilespmem:$0x19000] =	vst v63  }
0x30d: {  	s18 =	simm.s32 $0xA800  }
0x30e: {  	[tilespmem:s18], [sflag:$0x3] =	stream.indirect_vreg.gather [hbm4b:s7+s3], $0x80, v4, vm0, $0xb8;
	[tilespmem:$0x19000] =	vst v63  }
0x30f: {  	s30 =	simm.s32 $0xB000  }
0x310: {  	[tilespmem:s30], [sflag:$0x3] =	stream.indirect_vreg.gather [hbm4b:s1+s3], $0x80, v3, vm0, $0xb8;
	[tilespmem:$0x19000] =	vst v63  }
0x311: {  	s21 =	simm.s32 $0xB800  }
0x312: {  	[tilespmem:s21], [sflag:$0x3] =	stream.indirect_vreg.gather [hbm4b:s5+s3], $0x80, v3, vm0, $0xb8;
	[tilespmem:$0x19000] =	vst v63  }
0x313: {  	s25 =	simm.s32 $0xC000  }
0x314: {  	[tilespmem:s25], [sflag:$0x3] =	stream.indirect_vreg.gather [hbm4b:s6+s3], $0x80, v3, vm0, $0xb8;
	[tilespmem:$0x19000] =	vst v63  }
0x315: {  	s0 =	simm.s32 $0xC800  }
0x316: {  	[tilespmem:s0], [sflag:$0x3] =	stream.indirect_vreg.gather [hbm4b:s7+s3], $0x80, v3, vm0, $0xb8;
	[tilespmem:$0x19000] =	vst v63  }
0x317: {  	_ =	swait.ge [sflag:s14], $0x4000  }
0x318: {  	[sflag:s14] =	ssyncset.done $0x0  }
0x319: {  	s0 =	rddreg [dreg:$0x1b];
	[sflag:s14] =	ssyncadd.s32 $0xFFFFC000  }
0x31a: {  	[hbm4b:s0+s3] =	stream.linear.scatter [tilespmem:s24], [sflag:$0xC], $0x4000, $0x38;
	[tilespmem:$0x19000] =	vst v63  }
0x31b: {  	_ =	swait.ge [sflag:s15], $0x4000  }
0x31c: {  	[sflag:s15] =	ssyncset.done $0x0  }
0x31d: {  	[sflag:s15] =	ssyncadd.s32 $0xFFFFC000  }
0x31e: {  	v3 =	vld [tilespmem:$0xD80];
	_ =	sdelay $0x4  }
0x31f: {  	v59 =	vshll.u32 v3, $0x3  }
0x320: {  	v3 =	vand.u32 $0x7, v3;
	v4 =	vand.u32 $0xFFFFFFC0, v59  }
0x321: {  	v3 =	vor.u32 v3, v4  }
0x322: {  	v4 =	vperm.xlane v3, v0;
	_ =	sdelay $0x1  }
0x323: {  	v4 =	vadd.s32 v1, v4;
	_ =	sdelay $0x4  }
0x324: {  	[tilespmem:s10], [sflag:$0x4] =	stream.indirect_vreg.gather [hbm4b:s1+s3], $0x80, v4, vm0, $0xb8;
	[tilespmem:$0x19000] =	vst v63  }
0x325: {  	s18 =	simm.s32 $0xD800;
	v3 =	vperm.xlane v3, v2  }
0x326: {  	[tilespmem:s18], [sflag:$0x4] =	stream.indirect_vreg.gather [hbm4b:s5+s3], $0x80, v4, vm0, $0xb8;
	[tilespmem:$0x19000] =	vst v63  }
0x327: {  	s19 =	simm.s32 $0xE000;
	v3 =	vadd.s32 v1, v3  }
0x328: {  	[tilespmem:s19], [sflag:$0x4] =	stream.indirect_vreg.gather [hbm4b:s6+s3], $0x80, v4, vm0, $0xb8;
	[tilespmem:$0x19000] =	vst v63  }
0x329: {  	s21 =	simm.s32 $0xE800  }
0x32a: {  	[tilespmem:s21], [sflag:$0x4] =	stream.indirect_vreg.gather [hbm4b:s7+s3], $0x80, v4, vm0, $0xb8;
	[tilespmem:$0x19000] =	vst v63  }
0x32b: {  	s25 =	simm.s32 $0xF000  }
0x32c: {  	[tilespmem:s25], [sflag:$0x4] =	stream.indirect_vreg.gather [hbm4b:s1+s3], $0x80, v3, vm0, $0xb8;
	[tilespmem:$0x19000] =	vst v63  }
0x32d: {  	s26 =	simm.s32 $0xF800  }
0x32e: {  	[tilespmem:s26], [sflag:$0x4] =	stream.indirect_vreg.gather [hbm4b:s5+s3], $0x80, v3, vm0, $0xb8;
	[tilespmem:$0x19000] =	vst v63  }
0x32f: {  	s29 =	simm.s32 $0x10000  }
0x330: {  	[tilespmem:s29], [sflag:$0x4] =	stream.indirect_vreg.gather [hbm4b:s6+s3], $0x80, v3, vm0, $0xb8;
	[tilespmem:$0x19000] =	vst v63  }
0x331: {  	s30 =	simm.s32 $0x10800  }
0x332: {  	[tilespmem:s30], [sflag:$0x4] =	stream.indirect_vreg.gather [hbm4b:s7+s3], $0x80, v3, vm0, $0xb8;
	[tilespmem:$0x19000] =	vst v63  }
0x333: {  	_ =	swait.ge [sflag:s28], $0x4000  }
0x334: {  	[sflag:s28] =	ssyncset.done $0x0  }
0x335: {  	s18 =	rddreg [dreg:$0x1c];
	[sflag:s28] =	ssyncadd.s32 $0xFFFFC000  }
0x336: {  	[hbm4b:s18+s3] =	stream.linear.scatter [tilespmem:s8], [sflag:$0x7], $0x4000, $0x38;
	[tilespmem:$0x19000] =	vst v63  }
0x337: {  	_ =	swait.ge [sflag:s16], $0x4000  }
0x338: {  	[sflag:s16] =	ssyncset.done $0x0  }
0x339: {  	[sflag:s16] =	ssyncadd.s32 $0xFFFFC000  }
0x33a: {  	v3 =	vld [tilespmem:$0xE00];
	_ =	sdelay $0x4  }
0x33b: {  	v60 =	vshll.u32 v3, $0x3  }
0x33c: {  	v3 =	vand.u32 $0x7, v3;
	v4 =	vand.u32 $0xFFFFFFC0, v60  }
0x33d: {  	v3 =	vor.u32 v3, v4  }
0x33e: {  	v4 =	vperm.xlane v3, v0;
	_ =	sdelay $0x1  }
0x33f: {  	v4 =	vadd.s32 v1, v4;
	_ =	sdelay $0x4  }
0x340: {  	[tilespmem:s4], [sflag:$0x5] =	stream.indirect_vreg.gather [hbm4b:s1+s3], $0x80, v4, vm0, $0xb8;
	[tilespmem:$0x19000] =	vst v63  }
0x341: {  	s21 =	simm.s32 $0x11800;
	v3 =	vperm.xlane v3, v2  }
0x342: {  	[tilespmem:s21], [sflag:$0x5] =	stream.indirect_vreg.gather [hbm4b:s5+s3], $0x80, v4, vm0, $0xb8;
	[tilespmem:$0x19000] =	vst v63  }
0x343: {  	s25 =	simm.s32 $0x12000;
	v3 =	vadd.s32 v1, v3  }
0x344: {  	[tilespmem:s25], [sflag:$0x5] =	stream.indirect_vreg.gather [hbm4b:s6+s3], $0x80, v4, vm0, $0xb8;
	[tilespmem:$0x19000] =	vst v63  }
0x345: {  	s26 =	simm.s32 $0x12800  }
0x346: {  	[tilespmem:s26], [sflag:$0x5] =	stream.indirect_vreg.gather [hbm4b:s7+s3], $0x80, v4, vm0, $0xb8;
	[tilespmem:$0x19000] =	vst v63  }
0x347: {  	s29 =	simm.s32 $0x13000  }
0x348: {  	[tilespmem:s29], [sflag:$0x5] =	stream.indirect_vreg.gather [hbm4b:s1+s3], $0x80, v3, vm0, $0xb8;
	[tilespmem:$0x19000] =	vst v63  }
0x349: {  	s30 =	simm.s32 $0x13800  }
0x34a: {  	[tilespmem:s30], [sflag:$0x5] =	stream.indirect_vreg.gather [hbm4b:s5+s3], $0x80, v3, vm0, $0xb8;
	[tilespmem:$0x19000] =	vst v63  }
0x34b: {  	s18 =	simm.s32 $0x14000  }
0x34c: {  	[tilespmem:s18], [sflag:$0x5] =	stream.indirect_vreg.gather [hbm4b:s6+s3], $0x80, v3, vm0, $0xb8;
	[tilespmem:$0x19000] =	vst v63  }
0x34d: {  	s19 =	simm.s32 $0x14800  }
0x34e: {  	[tilespmem:s19], [sflag:$0x5] =	stream.indirect_vreg.gather [hbm4b:s7+s3], $0x80, v3, vm0, $0xb8;
	[tilespmem:$0x19000] =	vst v63  }
0x34f: {  	_ =	swait.ge [sflag:s2], $0x4000  }
0x350: {  	[sflag:s2] =	ssyncset.done $0x0  }
0x351: {  	s21 =	rddreg [dreg:$0x1d];
	[sflag:s2] =	ssyncadd.s32 $0xFFFFC000  }
0x352: {  	[hbm4b:s21+s3] =	stream.linear.scatter [tilespmem:s20], [sflag:$0x8], $0x4000, $0x38;
	[tilespmem:$0x19000] =	vst v63  }
0x353: {  	_ =	swait.ge [sflag:s17], $0x4000  }
0x354: {  	[sflag:s17] =	ssyncset.done $0x0  }
0x355: {  	[sflag:s17] =	ssyncadd.s32 $0xFFFFC000  }
0x356: {  	v3 =	vld [tilespmem:$0xE80];
	_ =	sdelay $0x4  }
0x357: {  	v61 =	vshll.u32 v3, $0x3  }
0x358: {  	v3 =	vand.u32 $0x7, v3;
	v4 =	vand.u32 $0xFFFFFFC0, v61  }
0x359: {  	v3 =	vor.u32 v3, v4  }
0x35a: {  	v4 =	vperm.xlane v3, v0;
	_ =	sdelay $0x1  }
0x35b: {  	v4 =	vadd.s32 v1, v4;
	_ =	sdelay $0x4  }
0x35c: {  	[tilespmem:s24], [sflag:$0x6] =	stream.indirect_vreg.gather [hbm4b:s1+s3], $0x80, v4, vm0, $0xb8;
	[tilespmem:$0x19000] =	vst v63  }
0x35d: {  	s25 =	simm.s32 $0x15800;
	v3 =	vperm.xlane v3, v2  }
0x35e: {  	[tilespmem:s25], [sflag:$0x6] =	stream.indirect_vreg.gather [hbm4b:s5+s3], $0x80, v4, vm0, $0xb8;
	[tilespmem:$0x19000] =	vst v63  }
0x35f: {  	s26 =	simm.s32 $0x16000;
	v3 =	vadd.s32 v1, v3  }
0x360: {  	[tilespmem:s26], [sflag:$0x6] =	stream.indirect_vreg.gather [hbm4b:s6+s3], $0x80, v4, vm0, $0xb8;
	[tilespmem:$0x19000] =	vst v63  }
0x361: {  	s29 =	simm.s32 $0x16800  }
0x362: {  	[tilespmem:s29], [sflag:$0x6] =	stream.indirect_vreg.gather [hbm4b:s7+s3], $0x80, v4, vm0, $0xb8;
	[tilespmem:$0x19000] =	vst v63  }
0x363: {  	s30 =	simm.s32 $0x17000  }
0x364: {  	[tilespmem:s30], [sflag:$0x6] =	stream.indirect_vreg.gather [hbm4b:s1+s3], $0x80, v3, vm0, $0xb8;
	[tilespmem:$0x19000] =	vst v63  }
0x365: {  	s18 =	simm.s32 $0x17800  }
0x366: {  	[tilespmem:s18], [sflag:$0x6] =	stream.indirect_vreg.gather [hbm4b:s5+s3], $0x80, v3, vm0, $0xb8;
	[tilespmem:$0x19000] =	vst v63  }
0x367: {  	s19 =	simm.s32 $0x18000  }
0x368: {  	[tilespmem:s19], [sflag:$0x6] =	stream.indirect_vreg.gather [hbm4b:s6+s3], $0x80, v3, vm0, $0xb8;
	[tilespmem:$0x19000] =	vst v63  }
0x369: {  	s21 =	simm.s32 $0x18800  }
0x36a: {  	[tilespmem:s21], [sflag:$0x6] =	stream.indirect_vreg.gather [hbm4b:s7+s3], $0x80, v3, vm0, $0xb8;
	[tilespmem:$0x19000] =	vst v63  }
0x36b: {  	_ =	swait.ge [sflag:s23], $0x4000  }
0x36c: {  	[sflag:s23] =	ssyncset.done $0x0  }
0x36d: {  	s25 =	rddreg [dreg:$0x1e];
	[sflag:s23] =	ssyncadd.s32 $0xFFFFC000  }
0x36e: {  	[hbm4b:s25+s3] =	stream.linear.scatter [tilespmem:s22], [sflag:$0x9], $0x4000, $0x38;
	[tilespmem:$0x19000] =	vst v63  }
0x36f: {  	_ =	swait.ge [sflag:s31], $0x4000  }
0x370: {  	[sflag:s31] =	ssyncset.done $0x0  }
0x371: {  	[sflag:s31] =	ssyncadd.s32 $0xFFFFC000  }
0x372: {  	v3 =	vld [tilespmem:$0xF00];
	_ =	sdelay $0x4  }
0x373: {  	v62 =	vshll.u32 v3, $0x3  }
0x374: {  	v3 =	vand.u32 $0x7, v3;
	v4 =	vand.u32 $0xFFFFFFC0, v62  }
0x375: {  	v3 =	vor.u32 v3, v4  }
0x376: {  	v4 =	vperm.xlane v3, v0;
	_ =	sdelay $0x1  }
0x377: {  	v4 =	vadd.s32 v1, v4;
	_ =	sdelay $0x4  }
0x378: {  	[tilespmem:s8], [sflag:$0x1] =	stream.indirect_vreg.gather [hbm4b:s1+s3], $0x80, v4, vm0, $0xb8;
	[tilespmem:$0x19000] =	vst v63  }
0x379: {  	s26 =	simm.s32 $0x1800;
	v3 =	vperm.xlane v3, v2  }
0x37a: {  	[tilespmem:s26], [sflag:$0x1] =	stream.indirect_vreg.gather [hbm4b:s5+s3], $0x80, v4, vm0, $0xb8;
	[tilespmem:$0x19000] =	vst v63  }
0x37b: {  	s29 =	simm.s32 $0x2000;
	v3 =	vadd.s32 v1, v3  }
0x37c: {  	[tilespmem:s29], [sflag:$0x1] =	stream.indirect_vreg.gather [hbm4b:s6+s3], $0x80, v4, vm0, $0xb8;
	[tilespmem:$0x19000] =	vst v63  }
0x37d: {  	s30 =	simm.s32 $0x2800  }
0x37e: {  	[tilespmem:s30], [sflag:$0x1] =	stream.indirect_vreg.gather [hbm4b:s7+s3], $0x80, v4, vm0, $0xb8;
	[tilespmem:$0x19000] =	vst v63  }
0x37f: {  	s18 =	simm.s32 $0x3000  }
0x380: {  	[tilespmem:s18], [sflag:$0x1] =	stream.indirect_vreg.gather [hbm4b:s1+s3], $0x80, v3, vm0, $0xb8;
	[tilespmem:$0x19000] =	vst v63  }
0x381: {  	s19 =	simm.s32 $0x3800  }
0x382: {  	[tilespmem:s19], [sflag:$0x1] =	stream.indirect_vreg.gather [hbm4b:s5+s3], $0x80, v3, vm0, $0xb8;
	[tilespmem:$0x19000] =	vst v63  }
0x383: {  	s21 =	simm.s32 $0x4000  }
0x384: {  	[tilespmem:s21], [sflag:$0x1] =	stream.indirect_vreg.gather [hbm4b:s6+s3], $0x80, v3, vm0, $0xb8;
	[tilespmem:$0x19000] =	vst v63  }
0x385: {  	s22 =	simm.s32 $0x4800  }
0x386: {  	[tilespmem:s22], [sflag:$0x1] =	stream.indirect_vreg.gather [hbm4b:s7+s3], $0x80, v3, vm0, $0xb8;
	[tilespmem:$0x19000] =	vst v63  }
0x387: {  	_ =	swait.ge [sflag:s9], $0x4000  }
0x388: {  	[sflag:s9] =	ssyncset.done $0x0  }
0x389: {  	s25 =	rddreg [dreg:$0x1f];
	[sflag:s9] =	ssyncadd.s32 $0xFFFFC000  }
0x38a: {  	[hbm4b:s25+s3] =	stream.linear.scatter [tilespmem:s10], [sflag:$0xA], $0x4000, $0x38;
	[tilespmem:$0x19000] =	vst v63  }
0x38b: {  	_ =	swait.ge [sflag:s11], $0x4000  }
0x38c: {  	[sflag:s11] =	ssyncset.done $0x0  }
0x38d: {  	[sflag:s11] =	ssyncadd.s32 $0xFFFFC000  }
0x38e: {  	v3 =	vld [tilespmem:$0xF80];
	_ =	sdelay $0x4  }
0x38f: {  	v63 =	vshll.u32 v3, $0x3  }
0x390: {  	v3 =	vand.u32 $0x7, v3;
	v4 =	vand.u32 $0xFFFFFFC0, v63  }
0x391: {  	v3 =	vor.u32 v3, v4  }
0x392: {  	v4 =	vperm.xlane v3, v0;
	_ =	sdelay $0x1  }
0x393: {  	v4 =	vadd.s32 v1, v4;
	_ =	sdelay $0x4  }
0x394: {  	[tilespmem:s20], [sflag:$0x2] =	stream.indirect_vreg.gather [hbm4b:s1+s3], $0x80, v4, vm0, $0xb8;
	[tilespmem:$0x19000] =	vst v63  }
0x395: {  	s26 =	simm.s32 $0x5800;
	v3 =	vperm.xlane v3, v2  }
0x396: {  	[tilespmem:s26], [sflag:$0x2] =	stream.indirect_vreg.gather [hbm4b:s5+s3], $0x80, v4, vm0, $0xb8;
	[tilespmem:$0x19000] =	vst v63  }
0x397: {  	s29 =	simm.s32 $0x6000;
	v3 =	vadd.s32 v1, v3  }
0x398: {  	[tilespmem:s29], [sflag:$0x2] =	stream.indirect_vreg.gather [hbm4b:s6+s3], $0x80, v4, vm0, $0xb8;
	[tilespmem:$0x19000] =	vst v63  }
0x399: {  	s30 =	simm.s32 $0x6800  }
0x39a: {  	[tilespmem:s30], [sflag:$0x2] =	stream.indirect_vreg.gather [hbm4b:s7+s3], $0x80, v4, vm0, $0xb8;
	[tilespmem:$0x19000] =	vst v63  }
0x39b: {  	s10 =	simm.s32 $0x7000  }
0x39c: {  	[tilespmem:s10], [sflag:$0x2] =	stream.indirect_vreg.gather [hbm4b:s1+s3], $0x80, v3, vm0, $0xb8;
	[tilespmem:$0x19000] =	vst v63  }
0x39d: {  	s18 =	simm.s32 $0x7800  }
0x39e: {  	[tilespmem:s18], [sflag:$0x2] =	stream.indirect_vreg.gather [hbm4b:s5+s3], $0x80, v3, vm0, $0xb8;
	[tilespmem:$0x19000] =	vst v63  }
0x39f: {  	s19 =	simm.s32 $0x8000  }
0x3a0: {  	[tilespmem:s19], [sflag:$0x2] =	stream.indirect_vreg.gather [hbm4b:s6+s3], $0x80, v3, vm0, $0xb8;
	[tilespmem:$0x19000] =	vst v63  }
0x3a1: {  	s21 =	simm.s32 $0x8800  }
0x3a2: {  	[tilespmem:s21], [sflag:$0x2] =	stream.indirect_vreg.gather [hbm4b:s7+s3], $0x80, v3, vm0, $0xb8;
	[tilespmem:$0x19000] =	vst v63  }
0x3a3: {  	_ =	swait.ge [sflag:s12], $0x4000  }
0x3a4: {  	s22 =	sld [smem:$0x7F9]  }
0x3a5: {  	[sflag:s12] =	ssyncset.done $0x0  }
0x3a6: {  	[sflag:s12] =	ssyncadd.s32 $0xFFFFC000  }
0x3a7: {  	[hbm4b:s22+s3] =	stream.linear.scatter [tilespmem:s4], [sflag:$0xB], $0x4000, $0x38;
	[tilespmem:$0x19000] =	vst v63  }
0x3a8: {  	_ =	swait.ge [sflag:s14], $0x4000  }
0x3a9: {  	s25 =	sld [smem:$0x7FA]  }
0x3aa: {  	[sflag:s14] =	ssyncset.done $0x0  }
0x3ab: {  	[sflag:s14] =	ssyncadd.s32 $0xFFFFC000  }
0x3ac: {  	[hbm4b:s25+s3] =	stream.linear.scatter [tilespmem:s24], [sflag:$0xC], $0x4000, $0x38;
	[tilespmem:$0x19000] =	vst v63  }
0x3ad: {  	_ =	swait.ge [sflag:s28], $0x4000  }
0x3ae: {  	s26 =	sld [smem:$0x7FB]  }
0x3af: {  	[sflag:s28] =	ssyncset.done $0x0  }
0x3b0: {  	[sflag:s28] =	ssyncadd.s32 $0xFFFFC000  }
0x3b1: {  	[hbm4b:s26+s3] =	stream.linear.scatter [tilespmem:s8], [sflag:$0x7], $0x4000, $0x38;
	[tilespmem:$0x19000] =	vst v63  }
0x3b2: {  	_ =	swait.ge [sflag:s2], $0x4000  }
0x3b3: {  	s29 =	sld [smem:$0x7FD]  }
0x3b4: {  	[sflag:s2] =	ssyncset.done $0x0  }
0x3b5: {  	[sflag:s2] =	ssyncadd.s32 $0xFFFFC000  }
0x3b6: {  	[hbm4b:s29+s3] =	stream.linear.scatter [tilespmem:s20], [sflag:$0x8], $0x4000, $0x38;
	[tilespmem:$0x19000] =	vst v63  }
0x3b7: {  	s30 =	sld [smem:$0x7F8];
	_ =	swait.ge [sflag:s13], $0x4000  }
0x3b8: {  	[sflag:s13] =	ssyncset.done $0x0  }
0x3b9: {  	[sflag:s13] =	ssyncadd.s32 $0xFFFFC000  }
0x3ba: {  	_ =	swait.ge [sflag:s15], $0x4000  }
0x3bb: {  	[sflag:s15] =	ssyncset.done $0x0  }
0x3bc: {  	[sflag:s15] =	ssyncadd.s32 $0xFFFFC000  }
0x3bd: {  	_ =	swait.ge [sflag:s16], $0x4000  }
0x3be: {  	[sflag:s16] =	ssyncset.done $0x0  }
0x3bf: {  	[sflag:s16] =	ssyncadd.s32 $0xFFFFC000  }
0x3c0: {  	_ =	swait.ge [sflag:s17], $0x4000  }
0x3c1: {  	[sflag:s17] =	ssyncset.done $0x0  }
0x3c2: {  	[sflag:s17] =	ssyncadd.s32 $0xFFFFC000  }
0x3c3: {  	p0 =	sne.s32 s30, $0x1;
	_ =	swait.ge [sflag:s31], $0x4000  }
.Ltmp0:
0x3c4: {  	[sflag:s31] =	ssyncset.done $0x0;
	(pc) =	sbr.rel @p0 .LBB2_1-.Ltmp0, $4  }
0x3c5: {  	[sflag:s31] =	ssyncadd.s32 $0xFFFFC000  }
0x3c6: {  	_ =	swait.ge [sflag:s11], $0x4000  }
0x3c7: {  	[sflag:s11] =	ssyncset.done $0x0  }
0x3c8: {  	s0 =	sadd.s32 $0xFFFFFFFF, s30;
	[sflag:s11] =	ssyncadd.s32 $0xFFFFC000  }
0x3c9: {  	_ =	sfence.sel $0x180000  }
0x3ca: {  	[bflag:$0x0] =	sbarrier.arrive $0xFFFF  }
0x3cb: {  	_ =	strace $0x90000047  }
0x3cc: {  	s0 =	stileid.u32;
	[bflag:$0x2] =	sbarrier.arrive $0xFFFF  }
0x3cd: {  	p0 =	sne.s32 s0, $0x0;
	s0 =	rddreg [dreg:$0x3]  }
0x3ce: {  	s0 =	sadd.s32 @!p0 $0x100000, s0  }
0x3cf: {  	[sflag:s0] =	ssyncadd.tile.s32 @!p0 $0x1;
	_ =	shalt  }
.Lfunc_end2:
_tile_overlayer_lowered:
.L_overlay_start_2:
0x3d0: {  	(tag) =	ssettag $0x2  }
0x3d1: {  	s0 =	rddreg [dreg:$0x0];
	s2 =	stileid.u32  }
0x3d2: {  	s1 =	rddreg [dreg:$0x1];
	p0 =	sne.s32 s2, $0x0  }
0x3d3: {  	s3 =	rddreg [dreg:$0x2];
	[bflag:$0x3] =	sbarrier.arrive $0xFFFF;
	s2 =	simm.s32 @!p0 $0x1C0D  }
0x3d4: {  	[timem:s3], [sflag:s2] =	dma.local @!p0 [hbm:s0], s1  }
0x3d5: {  	s0 =	simm.s32 @!p0 $0xD  }
0x3d6: {  	_ =	swait.ge @!p0 [sflag:s0], s1  }
0x3d7: {  	s1 =	ssub.s32 @!p0 $0x0, s1;
	[sflag:s0] =	ssyncset.done @!p0 $0x0  }
0x3d8: {  	[sflag:s0] =	ssyncadd.s32 @!p0 s1  }
0x3d9: {  	[bflag:$0x3] =	sbarrier.arrive $0xFFFF  }
0x3da: {  	_ =	shalt  }

</sc_bundles>
